<compile_context>
chip_gen: v7x
topology: tpu7x:2x2x1
jax: 0.10.2.dev20260603
libtpu: 0.0.44.dev20260713+nightly
codegen_flags: <defaults>
</compile_context>

<pallas_src>
import functools

import jax
import jax.numpy as jnp
from jax import lax
from jax.experimental import pallas as pl
from jax.experimental.pallas import tpu as pltpu
from jax.experimental.pallas import tpu_sc as plsc

NC = 2
NS = 16
NW = NC * NS
LANES = 16
NQ = 8
ROWL = 128


def _sc_aggregate(neigh4, features, B, deg):
  D = features.shape[1]
  assert B % NW == 0 and (B * deg) % ROWL == 0
  b_per_w = B // NW
  qrows = b_per_w // NQ
  rows_per_w = b_per_w * deg // ROWL

  mesh = plsc.VectorSubcoreMesh(core_axis_name="c", subcore_axis_name="s",
                                num_cores=NC, num_subcores=NS)

  @functools.partial(
      pl.kernel,
      mesh=mesh,
      compiler_params=pltpu.CompilerParams(needs_layout_passes=False,
                                          use_tc_tiling_on_sc=True),
      out_type=jax.ShapeDtypeStruct((B, D), jnp.float32),
      scratch_types=[
          pltpu.VMEM((rows_per_w, ROWL), jnp.int32),
          pltpu.VMEM((deg, b_per_w), jnp.int32),
          pltpu.VMEM((NQ, qrows, D), jnp.float32),
          pltpu.SemaphoreType.DMA,
          pltpu.SemaphoreType.DMA((NQ,)),
      ],
  )
  def agg_kernel(neigh4_hbm, feat_hbm, out_hbm,
                 nst_v, adjt_v, acc_v, sem0, qsems):
    wid = lax.axis_index("s") * NC + lax.axis_index("c")
    base = wid * b_per_w

    pltpu.sync_copy(neigh4_hbm.at[pl.ds(wid * rows_per_w, rows_per_w)], nst_v)

    lane = lax.iota(jnp.int32, LANES)

    def tr0_body(i, _):
      flat = (i * LANES + lane) * deg
      vals = plsc.load_gather(nst_v, [flat // ROWL, flat % ROWL])
      adjt_v[0, pl.ds(i * LANES, LANES)] = vals
      return 0

    lax.fori_loop(0, b_per_w // LANES, tr0_body, 0)

    def gadd(r, q, add):
      pltpu.async_copy(
          feat_hbm.at[adjt_v.at[r, pl.ds(q * qrows, qrows)]], acc_v.at[q],
          qsems.at[q], add=add)

    for q in range(NQ):
      gadd(0, q, False)

    def tr_body(i, _):
      flat0 = (i * LANES + lane) * deg
      for r in range(1, deg):
        flat = flat0 + r
        vals = plsc.load_gather(nst_v, [flat // ROWL, flat % ROWL])
        adjt_v[r, pl.ds(i * LANES, LANES)] = vals
      return 0

    lax.fori_loop(0, b_per_w // LANES, tr_body, 0)

    def r_body(r, _):
      for q in range(NQ):
        pltpu.make_async_copy(
            feat_hbm.at[adjt_v.at[0, pl.ds(q * qrows, qrows)]], acc_v.at[q],
            qsems.at[q]).wait()

        @pl.when(r < deg)
        def _():
          gadd(r, q, True)
      return 0

    lax.fori_loop(1, deg + 1, r_body, 0)

    for q in range(NQ):
      pltpu.sync_copy(acc_v.at[q], out_hbm.at[pl.ds(base + q * qrows, qrows)])

  return agg_kernel(neigh4, features)


def _tc_tail(agg, W, scale):
  B, D = agg.shape
  BLK = 8192
  grid = B // BLK

  def body(a_ref, w_ref, o_ref):
    a = a_ref[...] * scale
    h = jnp.dot(a, w_ref[...], preferred_element_type=jnp.float32)
    h = jnp.maximum(h, 0.0)
    norm = jnp.sqrt(jnp.sum(h * h, axis=1, keepdims=True))
    o_ref[...] = h / jnp.maximum(norm, 1e-12)

  return pl.pallas_call(
      body,
      grid=(grid,),
      in_specs=[
          pl.BlockSpec((BLK, D), lambda i: (i, 0)),
          pl.BlockSpec((D, D), lambda i: (0, 0)),
      ],
      out_specs=pl.BlockSpec((BLK, D), lambda i: (i, 0)),
      out_shape=jax.ShapeDtypeStruct((B, D), jnp.float32),
  )(agg, W)


@jax.jit
def kernel(nodes, features, adj, W):
  nodes = nodes.astype(jnp.int32)
  B = nodes.shape[0]
  deg = adj.shape[1]
  neigh = jnp.take(adj, nodes, axis=0)
  neigh4 = neigh.reshape(-1, ROWL)
  aggsum = _sc_aggregate(neigh4, features, B, deg)
  return _tc_tail(aggsum, W, 1.0 / deg)

# --- scband reference (transcript-rebuilt; emitter-appended) ---
"""Pipeline reference for scband-attn-combine-20237885898831 (READ-ONLY COPY).

The authoritative reference and input builder live on the scoring server;
editing this copy changes nothing except your own understanding.
"""

import jax, jax.numpy as jnp
import numpy as np

N_NODES = 100000
DEG = 32
D_FEAT = 128
BATCH = 16384


def setup_inputs(seed: int = 0) -> dict:
    key = jax.random.key(seed)
    k1, k2, k3, k4 = jax.random.split(key, 4)
    nodes = jax.random.randint(k1, (BATCH,), 0, N_NODES, dtype=jnp.int64) if jax.config.jax_enable_x64 else jax.random.randint(k1, (BATCH,), 0, N_NODES, dtype=jnp.int32)
    features = jax.random.normal(k2, (N_NODES, D_FEAT), dtype=jnp.float32)
    adj = jax.random.randint(k3, (N_NODES, DEG), 0, N_NODES, dtype=jnp.int32)
    W = jax.random.normal(k4, (D_FEAT, D_FEAT), dtype=jnp.float32) * (1.0 / np.sqrt(D_FEAT))
    return {"nodes": nodes, "features": features, "adj": adj, "W": W}


def reference(nodes, features, adj, W):
    # adj_lists lookup for the batch of seed nodes -> fixed-degree neighbor ids
    neigh_ids = jnp.take(adj, nodes, axis=0)                 # [B, DEG] gather
    # aggregator: mean of neighbor features, then linear projection
    neigh_feats = jnp.take(features, neigh_ids, axis=0)      # [B, DEG, D] gather
    agg = jnp.mean(neigh_feats, axis=1)                      # [B, D]
    out = agg @ W                                            # [B, D]
    # relu=True branch
    out = jax.nn.relu(out)
    # F.normalize(output): L2 normalize along dim=1 with eps=1e-12 (clamp_min)
    norm = jnp.linalg.norm(out, axis=1, keepdims=True)
    out = out / jnp.maximum(norm, 1e-12)
    return out

if __name__ == "__main__":
    import jax
    _d = setup_inputs()
    print(jax.jit(kernel)(*tuple(_d.values())))

</pallas_src>

<mosaic_0001>
#map = affine_map<(d0, d1) -> (0, 0)>
module attributes {stable_mosaic.version = 14 : i64} {
  func.func @agg_kernel(%arg0: i32, %arg1: i32, %arg2: memref<4096x128xi32, #tpu.memory_space<hbm>>, %arg3: memref<100000x128xf32, #tpu.memory_space<hbm>>, %arg4: memref<16384x128xf32, #tpu.memory_space<hbm>>, %arg5: memref<128x128xi32, #tpu.memory_space<vmem>>, %arg6: memref<32x512xi32, #tpu.memory_space<vmem>>, %arg7: memref<8x64x128xf32, #tpu.memory_space<vmem>>, %arg8: memref<!tpu.dma_semaphore, #tpu.memory_space<semaphore_mem>>, %arg9: memref<8x!tpu.dma_semaphore, #tpu.memory_space<semaphore_mem>>) attributes {dimension_semantics = [#tpu.dimension_semantics<core_parallel>, #tpu.dimension_semantics<subcore_parallel>], iteration_bounds = array<i64: 2, 16>, scalar_prefetch = 0 : i64, scratch_operands = 5 : i64, tpu.core_type = #tpu.core_type<sc_vector_subcore>, window_params = [{transform_indices = #map}, {transform_indices = #map}, {transform_indices = #map}]} {
    %mul3A = arith.constant 2 : i32
    %mul3A_0 = arith.muli %arg1, %mul3A : i32
    %add3A = arith.addi %mul3A_0, %arg0 : i32
    %mul3A_1 = arith.constant 512 : i32
    %mul3A_2 = arith.muli %add3A, %mul3A_1 : i32
    %mul3A_3 = arith.constant 128 : i32
    %mul3A_4 = arith.muli %add3A, %mul3A_3 : i32
    "tpu.region"() ({
      %run_scoped3A_167 = tpu.sem_alloc : memref<!tpu.dma_semaphore, #tpu.memory_space<semaphore_mem>>
      %dma_start3A_168 = arith.constant 0 : i32
      %dma_start3A_169 = tpu.memref_slice %arg2[%mul3A_4, %dma_start3A_168] : memref<4096x128xi32, #tpu.memory_space<hbm>> -> memref<128x128xi32, #tpu.memory_space<hbm>>
      %dma_start3A_170 = arith.constant 0 : i32
      %dma_start3A_171 = tpu.memref_slice %arg2[%mul3A_4, %dma_start3A_170] : memref<4096x128xi32, #tpu.memory_space<hbm>> -> memref<128x128xi32, #tpu.memory_space<hbm>>
      tpu.enqueue_dma source(%dma_start3A_171 : memref<128x128xi32, #tpu.memory_space<hbm>>) target(%arg5 : memref<128x128xi32, #tpu.memory_space<vmem>>) target_semaphore(%run_scoped3A_167 : memref<!tpu.dma_semaphore, #tpu.memory_space<semaphore_mem>>)
      %dma_wait3A = arith.constant 0 : i32
      %dma_wait3A_172 = tpu.memref_slice %arg2[%mul3A_4, %dma_wait3A] : memref<4096x128xi32, #tpu.memory_space<hbm>> -> memref<128x128xi32, #tpu.memory_space<hbm>>
      %dma_wait3A_173 = arith.constant 0 : i32
      %dma_wait3A_174 = tpu.memref_slice %arg2[%mul3A_4, %dma_wait3A_173] : memref<4096x128xi32, #tpu.memory_space<hbm>> -> memref<128x128xi32, #tpu.memory_space<hbm>>
      tpu.wait_dma2 semaphore(%run_scoped3A_167 : memref<!tpu.dma_semaphore, #tpu.memory_space<semaphore_mem>>) src(%dma_wait3A_174 : memref<128x128xi32, #tpu.memory_space<hbm>>) dst(%arg5 : memref<128x128xi32, #tpu.memory_space<vmem>>)
      tpu.yield
    }) : () -> ()
    %iota3A = tpu.iota {dimensions = array<i32: 0>} : vector<16xi32>
    %scan3A = arith.constant 0 : i32
    %scan3A_5 = arith.constant 0 : i32
    %scan3A_6 = arith.constant 32 : i32
    %scan3A_7 = arith.addi %scan3A_5, %scan3A_6 : i32
    %scan3A_8 = arith.constant 1 : i32
    %scan3A_9 = scf.for %scan3A_167 = %scan3A_5 to %scan3A_7 step %scan3A_8 iter_args(%scan3A_168 = %scan3A) -> (i32)  : i32 {
      %mul3A_169 = arith.constant 16 : i32
      %mul3A_170 = arith.muli %scan3A_167, %mul3A_169 : i32
      %add3A_171 = vector.broadcast %mul3A_170 : i32 to vector<16xi32>
      %add3A_172 = arith.addi %add3A_171, %iota3A : vector<16xi32>
      %mul3A_173 = arith.constant 32 : i32
      %mul3A_174 = vector.broadcast %mul3A_173 : i32 to vector<16xi32>
      %mul3A_175 = arith.muli %add3A_172, %mul3A_174 : vector<16xi32>
      %jit3A = arith.constant 128 : i32
      %div3A = vector.broadcast %jit3A : i32 to vector<16xi32>
      %div3A_176 = arith.divsi %mul3A_175, %div3A : vector<16xi32>
      %sign3A = arith.constant 0 : i32
      %sign3A_177 = vector.broadcast %sign3A : i32 to vector<16xi32>
      %sign3A_178 = arith.cmpi sgt, %mul3A_175, %sign3A_177 : vector<16xi32>
      %sign3A_179 = arith.extui %sign3A_178 : vector<16xi1> to vector<16xi32>
      %sign3A_180 = arith.constant 0 : i32
      %sign3A_181 = vector.broadcast %sign3A_180 : i32 to vector<16xi32>
      %sign3A_182 = arith.cmpi slt, %mul3A_175, %sign3A_181 : vector<16xi32>
      %sign3A_183 = arith.extui %sign3A_182 : vector<16xi1> to vector<16xi32>
      %sign3A_184 = arith.subi %sign3A_179, %sign3A_183 : vector<16xi32>
      %sign3A_185 = arith.constant 0 : i32
      %sign3A_186 = arith.cmpi sgt, %jit3A, %sign3A_185 : i32
      %sign3A_187 = arith.extui %sign3A_186 : i1 to i32
      %sign3A_188 = arith.constant 0 : i32
      %sign3A_189 = arith.cmpi slt, %jit3A, %sign3A_188 : i32
      %sign3A_190 = arith.extui %sign3A_189 : i1 to i32
      %sign3A_191 = arith.subi %sign3A_187, %sign3A_190 : i32
      %ne3A = vector.broadcast %sign3A_191 : i32 to vector<16xi32>
      %ne3A_192 = arith.cmpi ne, %sign3A_184, %ne3A : vector<16xi32>
      %rem3A = vector.broadcast %jit3A : i32 to vector<16xi32>
      %rem3A_193 = arith.remsi %mul3A_175, %rem3A : vector<16xi32>
      %ne3A_194 = arith.constant 0 : i32
      %ne3A_195 = vector.broadcast %ne3A_194 : i32 to vector<16xi32>
      %ne3A_196 = arith.cmpi ne, %rem3A_193, %ne3A_195 : vector<16xi32>
      %and3A = arith.andi %ne3A_192, %ne3A_196 : vector<16xi1>
      %sub3A = arith.constant 1 : i32
      %sub3A_197 = vector.broadcast %sub3A : i32 to vector<16xi32>
      %sub3A_198 = arith.subi %div3A_176, %sub3A_197 : vector<16xi32>
      %select_n3A = arith.select %and3A, %sub3A_198, %div3A_176 : vector<16xi1>, vector<16xi32>
      %jit3A_199 = arith.constant 128 : i32
      %eq3A = arith.constant 0 : i32
      %eq3A_200 = arith.cmpi eq, %jit3A_199, %eq3A : i32
      %jit3A_201 = arith.constant 1 : i32
      %select_n3A_202 = arith.select %eq3A_200, %jit3A_201, %jit3A_199 : i32
      %rem3A_203 = vector.broadcast %select_n3A_202 : i32 to vector<16xi32>
      %rem3A_204 = arith.remsi %mul3A_175, %rem3A_203 : vector<16xi32>
      %ne3A_205 = arith.constant 0 : i32
      %ne3A_206 = vector.broadcast %ne3A_205 : i32 to vector<16xi32>
      %ne3A_207 = arith.cmpi ne, %rem3A_204, %ne3A_206 : vector<16xi32>
      %lt3A = arith.constant 0 : i32
      %lt3A_208 = vector.broadcast %lt3A : i32 to vector<16xi32>
      %lt3A_209 = arith.cmpi slt, %rem3A_204, %lt3A_208 : vector<16xi32>
      %lt3A_210 = arith.constant 0 : i32
      %lt3A_211 = arith.cmpi slt, %select_n3A_202, %lt3A_210 : i32
      %ne3A_212 = vector.broadcast %lt3A_211 : i1 to vector<16xi1>
      %ne3A_213 = vector.broadcast %ne3A_212 : vector<16xi1> to vector<16xi1>
      %ne3A_214 = arith.xori %lt3A_209, %ne3A_213 : vector<16xi1>
      %and3A_215 = arith.andi %ne3A_214, %ne3A_207 : vector<16xi1>
      %add3A_216 = vector.broadcast %select_n3A_202 : i32 to vector<16xi32>
      %add3A_217 = arith.addi %rem3A_204, %add3A_216 : vector<16xi32>
      %select_n3A_218 = arith.select %and3A_215, %add3A_217, %rem3A_204 : vector<16xi1>, vector<16xi32>
      %gather3A = tpu.vector_load_idx %arg5[%select_n3A, %select_n3A_218] : memref<128x128xi32, #tpu.memory_space<vmem>>[vector<16xi32>, vector<16xi32>], vector<16xi32>,
      %mul3A_219 = arith.constant 16 : i32
      %mul3A_220 = arith.muli %scan3A_167, %mul3A_219 : i32
      %swap3A = arith.constant 0 : i32
      %swap3A_221 = arith.index_cast %swap3A : i32 to index
      %swap3A_222 = arith.index_cast %mul3A_220 : i32 to index
      %swap3A_223 = tpu.vector_load %arg6[%swap3A_221, %swap3A_222] {strides = array<i32>} : memref<32x512xi32, #tpu.memory_space<vmem>>, vector<16xi32>,
      tpu.vector_store %arg6[%swap3A_221, %swap3A_222], %gather3A {strides = array<i32>} : memref<32x512xi32, #tpu.memory_space<vmem>>, vector<16xi32>,
      %scan3A_224 = arith.constant 0 : i32
      scf.yield %scan3A_224 : i32
    }
    %scan3A_10 = arith.constant 32 : i32
    %dma_start3A = arith.constant 0 : i32
    %dma_start3A_11 = arith.constant 0 : i32
    %dma_start3A_12 = arith.constant 0 : i32
    %dma_start3A_13 = arith.constant 0 : i32
    %dma_start3A_14 = arith.constant 0 : i32
    %dma_start3A_15 = tpu.memref_slice %arg7[%dma_start3A_11, %dma_start3A_13, %dma_start3A_14] : memref<8x64x128xf32, #tpu.memory_space<vmem>> -> memref<1x64x128xf32, #tpu.memory_space<vmem>>
    %dma_start3A_16 = tpu.memref_squeeze %dma_start3A_15 : memref<1x64x128xf32, #tpu.memory_space<vmem>> -> memref<64x128xf32, #tpu.memory_space<vmem>>
    %dma_start3A_17 = arith.constant 0 : i32
    %dma_start3A_18 = tpu.memref_slice %arg6[%dma_start3A, %dma_start3A_17] : memref<32x512xi32, #tpu.memory_space<vmem>> -> memref<1x64xi32, #tpu.memory_space<vmem>>
    %dma_start3A_19 = tpu.memref_squeeze %dma_start3A_18 : memref<1x64xi32, #tpu.memory_space<vmem>> -> memref<64xi32, #tpu.memory_space<vmem>>
    %dma_start3A_20 = arith.constant 0 : i32
    %dma_start3A_21 = arith.constant 0 : i32
    %dma_start3A_22 = tpu.memref_slice %arg3[%dma_start3A_20, %dma_start3A_21] : memref<100000x128xf32, #tpu.memory_space<hbm>> -> memref<100000x128xf32, #tpu.memory_space<hbm>>
    %dma_start3A_23 = tpu.memref_slice %arg9[%dma_start3A_12] : memref<8x!tpu.dma_semaphore, #tpu.memory_space<semaphore_mem>> -> memref<1x!tpu.dma_semaphore, #tpu.memory_space<semaphore_mem>>
    %dma_start3A_24 = tpu.memref_squeeze %dma_start3A_23 : memref<1x!tpu.dma_semaphore, #tpu.memory_space<semaphore_mem>> -> memref<!tpu.dma_semaphore, #tpu.memory_space<semaphore_mem>>
    tpu.enqueue_indirect_dma source(%dma_start3A_22 : memref<100000x128xf32, #tpu.memory_space<hbm>>) target(%dma_start3A_16 : memref<64x128xf32, #tpu.memory_space<vmem>>) offsets(%dma_start3A_19 : memref<64xi32, #tpu.memory_space<vmem>>) semaphore(%dma_start3A_24 : memref<!tpu.dma_semaphore, #tpu.memory_space<semaphore_mem>>)
    %dma_start3A_25 = arith.constant 0 : i32
    %dma_start3A_26 = arith.constant 1 : i32
    %dma_start3A_27 = arith.constant 1 : i32
    %dma_start3A_28 = arith.constant 0 : i32
    %dma_start3A_29 = arith.constant 0 : i32
    %dma_start3A_30 = tpu.memref_slice %arg7[%dma_start3A_26, %dma_start3A_28, %dma_start3A_29] : memref<8x64x128xf32, #tpu.memory_space<vmem>> -> memref<1x64x128xf32, #tpu.memory_space<vmem>>
    %dma_start3A_31 = tpu.memref_squeeze %dma_start3A_30 : memref<1x64x128xf32, #tpu.memory_space<vmem>> -> memref<64x128xf32, #tpu.memory_space<vmem>>
    %dma_start3A_32 = arith.constant 64 : i32
    %dma_start3A_33 = tpu.memref_slice %arg6[%dma_start3A_25, %dma_start3A_32] : memref<32x512xi32, #tpu.memory_space<vmem>> -> memref<1x64xi32, #tpu.memory_space<vmem>>
    %dma_start3A_34 = tpu.memref_squeeze %dma_start3A_33 : memref<1x64xi32, #tpu.memory_space<vmem>> -> memref<64xi32, #tpu.memory_space<vmem>>
    %dma_start3A_35 = arith.constant 0 : i32
    %dma_start3A_36 = arith.constant 0 : i32
    %dma_start3A_37 = tpu.memref_slice %arg3[%dma_start3A_35, %dma_start3A_36] : memref<100000x128xf32, #tpu.memory_space<hbm>> -> memref<100000x128xf32, #tpu.memory_space<hbm>>
    %dma_start3A_38 = tpu.memref_slice %arg9[%dma_start3A_27] : memref<8x!tpu.dma_semaphore, #tpu.memory_space<semaphore_mem>> -> memref<1x!tpu.dma_semaphore, #tpu.memory_space<semaphore_mem>>
    %dma_start3A_39 = tpu.memref_squeeze %dma_start3A_38 : memref<1x!tpu.dma_semaphore, #tpu.memory_space<semaphore_mem>> -> memref<!tpu.dma_semaphore, #tpu.memory_space<semaphore_mem>>
    tpu.enqueue_indirect_dma source(%dma_start3A_37 : memref<100000x128xf32, #tpu.memory_space<hbm>>) target(%dma_start3A_31 : memref<64x128xf32, #tpu.memory_space<vmem>>) offsets(%dma_start3A_34 : memref<64xi32, #tpu.memory_space<vmem>>) semaphore(%dma_start3A_39 : memref<!tpu.dma_semaphore, #tpu.memory_space<semaphore_mem>>)
    %dma_start3A_40 = arith.constant 0 : i32
    %dma_start3A_41 = arith.constant 2 : i32
    %dma_start3A_42 = arith.constant 2 : i32
    %dma_start3A_43 = arith.constant 0 : i32
    %dma_start3A_44 = arith.constant 0 : i32
    %dma_start3A_45 = tpu.memref_slice %arg7[%dma_start3A_41, %dma_start3A_43, %dma_start3A_44] : memref<8x64x128xf32, #tpu.memory_space<vmem>> -> memref<1x64x128xf32, #tpu.memory_space<vmem>>
    %dma_start3A_46 = tpu.memref_squeeze %dma_start3A_45 : memref<1x64x128xf32, #tpu.memory_space<vmem>> -> memref<64x128xf32, #tpu.memory_space<vmem>>
    %dma_start3A_47 = arith.constant 128 : i32
    %dma_start3A_48 = tpu.memref_slice %arg6[%dma_start3A_40, %dma_start3A_47] : memref<32x512xi32, #tpu.memory_space<vmem>> -> memref<1x64xi32, #tpu.memory_space<vmem>>
    %dma_start3A_49 = tpu.memref_squeeze %dma_start3A_48 : memref<1x64xi32, #tpu.memory_space<vmem>> -> memref<64xi32, #tpu.memory_space<vmem>>
    %dma_start3A_50 = arith.constant 0 : i32
    %dma_start3A_51 = arith.constant 0 : i32
    %dma_start3A_52 = tpu.memref_slice %arg3[%dma_start3A_50, %dma_start3A_51] : memref<100000x128xf32, #tpu.memory_space<hbm>> -> memref<100000x128xf32, #tpu.memory_space<hbm>>
    %dma_start3A_53 = tpu.memref_slice %arg9[%dma_start3A_42] : memref<8x!tpu.dma_semaphore, #tpu.memory_space<semaphore_mem>> -> memref<1x!tpu.dma_semaphore, #tpu.memory_space<semaphore_mem>>
    %dma_start3A_54 = tpu.memref_squeeze %dma_start3A_53 : memref<1x!tpu.dma_semaphore, #tpu.memory_space<semaphore_mem>> -> memref<!tpu.dma_semaphore, #tpu.memory_space<semaphore_mem>>
    tpu.enqueue_indirect_dma source(%dma_start3A_52 : memref<100000x128xf32, #tpu.memory_space<hbm>>) target(%dma_start3A_46 : memref<64x128xf32, #tpu.memory_space<vmem>>) offsets(%dma_start3A_49 : memref<64xi32, #tpu.memory_space<vmem>>) semaphore(%dma_start3A_54 : memref<!tpu.dma_semaphore, #tpu.memory_space<semaphore_mem>>)
    %dma_start3A_55 = arith.constant 0 : i32
    %dma_start3A_56 = arith.constant 3 : i32
    %dma_start3A_57 = arith.constant 3 : i32
    %dma_start3A_58 = arith.constant 0 : i32
    %dma_start3A_59 = arith.constant 0 : i32
    %dma_start3A_60 = tpu.memref_slice %arg7[%dma_start3A_56, %dma_start3A_58, %dma_start3A_59] : memref<8x64x128xf32, #tpu.memory_space<vmem>> -> memref<1x64x128xf32, #tpu.memory_space<vmem>>
    %dma_start3A_61 = tpu.memref_squeeze %dma_start3A_60 : memref<1x64x128xf32, #tpu.memory_space<vmem>> -> memref<64x128xf32, #tpu.memory_space<vmem>>
    %dma_start3A_62 = arith.constant 192 : i32
    %dma_start3A_63 = tpu.memref_slice %arg6[%dma_start3A_55, %dma_start3A_62] : memref<32x512xi32, #tpu.memory_space<vmem>> -> memref<1x64xi32, #tpu.memory_space<vmem>>
    %dma_start3A_64 = tpu.memref_squeeze %dma_start3A_63 : memref<1x64xi32, #tpu.memory_space<vmem>> -> memref<64xi32, #tpu.memory_space<vmem>>
    %dma_start3A_65 = arith.constant 0 : i32
    %dma_start3A_66 = arith.constant 0 : i32
    %dma_start3A_67 = tpu.memref_slice %arg3[%dma_start3A_65, %dma_start3A_66] : memref<100000x128xf32, #tpu.memory_space<hbm>> -> memref<100000x128xf32, #tpu.memory_space<hbm>>
    %dma_start3A_68 = tpu.memref_slice %arg9[%dma_start3A_57] : memref<8x!tpu.dma_semaphore, #tpu.memory_space<semaphore_mem>> -> memref<1x!tpu.dma_semaphore, #tpu.memory_space<semaphore_mem>>
    %dma_start3A_69 = tpu.memref_squeeze %dma_start3A_68 : memref<1x!tpu.dma_semaphore, #tpu.memory_space<semaphore_mem>> -> memref<!tpu.dma_semaphore, #tpu.memory_space<semaphore_mem>>
    tpu.enqueue_indirect_dma source(%dma_start3A_67 : memref<100000x128xf32, #tpu.memory_space<hbm>>) target(%dma_start3A_61 : memref<64x128xf32, #tpu.memory_space<vmem>>) offsets(%dma_start3A_64 : memref<64xi32, #tpu.memory_space<vmem>>) semaphore(%dma_start3A_69 : memref<!tpu.dma_semaphore, #tpu.memory_space<semaphore_mem>>)
    %dma_start3A_70 = arith.constant 0 : i32
    %dma_start3A_71 = arith.constant 4 : i32
    %dma_start3A_72 = arith.constant 4 : i32
    %dma_start3A_73 = arith.constant 0 : i32
    %dma_start3A_74 = arith.constant 0 : i32
    %dma_start3A_75 = tpu.memref_slice %arg7[%dma_start3A_71, %dma_start3A_73, %dma_start3A_74] : memref<8x64x128xf32, #tpu.memory_space<vmem>> -> memref<1x64x128xf32, #tpu.memory_space<vmem>>
    %dma_start3A_76 = tpu.memref_squeeze %dma_start3A_75 : memref<1x64x128xf32, #tpu.memory_space<vmem>> -> memref<64x128xf32, #tpu.memory_space<vmem>>
    %dma_start3A_77 = arith.constant 256 : i32
    %dma_start3A_78 = tpu.memref_slice %arg6[%dma_start3A_70, %dma_start3A_77] : memref<32x512xi32, #tpu.memory_space<vmem>> -> memref<1x64xi32, #tpu.memory_space<vmem>>
    %dma_start3A_79 = tpu.memref_squeeze %dma_start3A_78 : memref<1x64xi32, #tpu.memory_space<vmem>> -> memref<64xi32, #tpu.memory_space<vmem>>
    %dma_start3A_80 = arith.constant 0 : i32
    %dma_start3A_81 = arith.constant 0 : i32
    %dma_start3A_82 = tpu.memref_slice %arg3[%dma_start3A_80, %dma_start3A_81] : memref<100000x128xf32, #tpu.memory_space<hbm>> -> memref<100000x128xf32, #tpu.memory_space<hbm>>
    %dma_start3A_83 = tpu.memref_slice %arg9[%dma_start3A_72] : memref<8x!tpu.dma_semaphore, #tpu.memory_space<semaphore_mem>> -> memref<1x!tpu.dma_semaphore, #tpu.memory_space<semaphore_mem>>
    %dma_start3A_84 = tpu.memref_squeeze %dma_start3A_83 : memref<1x!tpu.dma_semaphore, #tpu.memory_space<semaphore_mem>> -> memref<!tpu.dma_semaphore, #tpu.memory_space<semaphore_mem>>
    tpu.enqueue_indirect_dma source(%dma_start3A_82 : memref<100000x128xf32, #tpu.memory_space<hbm>>) target(%dma_start3A_76 : memref<64x128xf32, #tpu.memory_space<vmem>>) offsets(%dma_start3A_79 : memref<64xi32, #tpu.memory_space<vmem>>) semaphore(%dma_start3A_84 : memref<!tpu.dma_semaphore, #tpu.memory_space<semaphore_mem>>)
    %dma_start3A_85 = arith.constant 0 : i32
    %dma_start3A_86 = arith.constant 5 : i32
    %dma_start3A_87 = arith.constant 5 : i32
    %dma_start3A_88 = arith.constant 0 : i32
    %dma_start3A_89 = arith.constant 0 : i32
    %dma_start3A_90 = tpu.memref_slice %arg7[%dma_start3A_86, %dma_start3A_88, %dma_start3A_89] : memref<8x64x128xf32, #tpu.memory_space<vmem>> -> memref<1x64x128xf32, #tpu.memory_space<vmem>>
    %dma_start3A_91 = tpu.memref_squeeze %dma_start3A_90 : memref<1x64x128xf32, #tpu.memory_space<vmem>> -> memref<64x128xf32, #tpu.memory_space<vmem>>
    %dma_start3A_92 = arith.constant 320 : i32
    %dma_start3A_93 = tpu.memref_slice %arg6[%dma_start3A_85, %dma_start3A_92] : memref<32x512xi32, #tpu.memory_space<vmem>> -> memref<1x64xi32, #tpu.memory_space<vmem>>
    %dma_start3A_94 = tpu.memref_squeeze %dma_start3A_93 : memref<1x64xi32, #tpu.memory_space<vmem>> -> memref<64xi32, #tpu.memory_space<vmem>>
    %dma_start3A_95 = arith.constant 0 : i32
    %dma_start3A_96 = arith.constant 0 : i32
    %dma_start3A_97 = tpu.memref_slice %arg3[%dma_start3A_95, %dma_start3A_96] : memref<100000x128xf32, #tpu.memory_space<hbm>> -> memref<100000x128xf32, #tpu.memory_space<hbm>>
    %dma_start3A_98 = tpu.memref_slice %arg9[%dma_start3A_87] : memref<8x!tpu.dma_semaphore, #tpu.memory_space<semaphore_mem>> -> memref<1x!tpu.dma_semaphore, #tpu.memory_space<semaphore_mem>>
    %dma_start3A_99 = tpu.memref_squeeze %dma_start3A_98 : memref<1x!tpu.dma_semaphore, #tpu.memory_space<semaphore_mem>> -> memref<!tpu.dma_semaphore, #tpu.memory_space<semaphore_mem>>
    tpu.enqueue_indirect_dma source(%dma_start3A_97 : memref<100000x128xf32, #tpu.memory_space<hbm>>) target(%dma_start3A_91 : memref<64x128xf32, #tpu.memory_space<vmem>>) offsets(%dma_start3A_94 : memref<64xi32, #tpu.memory_space<vmem>>) semaphore(%dma_start3A_99 : memref<!tpu.dma_semaphore, #tpu.memory_space<semaphore_mem>>)
    %dma_start3A_100 = arith.constant 0 : i32
    %dma_start3A_101 = arith.constant 6 : i32
    %dma_start3A_102 = arith.constant 6 : i32
    %dma_start3A_103 = arith.constant 0 : i32
    %dma_start3A_104 = arith.constant 0 : i32
    %dma_start3A_105 = tpu.memref_slice %arg7[%dma_start3A_101, %dma_start3A_103, %dma_start3A_104] : memref<8x64x128xf32, #tpu.memory_space<vmem>> -> memref<1x64x128xf32, #tpu.memory_space<vmem>>
    %dma_start3A_106 = tpu.memref_squeeze %dma_start3A_105 : memref<1x64x128xf32, #tpu.memory_space<vmem>> -> memref<64x128xf32, #tpu.memory_space<vmem>>
    %dma_start3A_107 = arith.constant 384 : i32
    %dma_start3A_108 = tpu.memref_slice %arg6[%dma_start3A_100, %dma_start3A_107] : memref<32x512xi32, #tpu.memory_space<vmem>> -> memref<1x64xi32, #tpu.memory_space<vmem>>
    %dma_start3A_109 = tpu.memref_squeeze %dma_start3A_108 : memref<1x64xi32, #tpu.memory_space<vmem>> -> memref<64xi32, #tpu.memory_space<vmem>>
    %dma_start3A_110 = arith.constant 0 : i32
    %dma_start3A_111 = arith.constant 0 : i32
    %dma_start3A_112 = tpu.memref_slice %arg3[%dma_start3A_110, %dma_start3A_111] : memref<100000x128xf32, #tpu.memory_space<hbm>> -> memref<100000x128xf32, #tpu.memory_space<hbm>>
    %dma_start3A_113 = tpu.memref_slice %arg9[%dma_start3A_102] : memref<8x!tpu.dma_semaphore, #tpu.memory_space<semaphore_mem>> -> memref<1x!tpu.dma_semaphore, #tpu.memory_space<semaphore_mem>>
    %dma_start3A_114 = tpu.memref_squeeze %dma_start3A_113 : memref<1x!tpu.dma_semaphore, #tpu.memory_space<semaphore_mem>> -> memref<!tpu.dma_semaphore, #tpu.memory_space<semaphore_mem>>
    tpu.enqueue_indirect_dma source(%dma_start3A_112 : memref<100000x128xf32, #tpu.memory_space<hbm>>) target(%dma_start3A_106 : memref<64x128xf32, #tpu.memory_space<vmem>>) offsets(%dma_start3A_109 : memref<64xi32, #tpu.memory_space<vmem>>) semaphore(%dma_start3A_114 : memref<!tpu.dma_semaphore, #tpu.memory_space<semaphore_mem>>)
    %dma_start3A_115 = arith.constant 0 : i32
    %dma_start3A_116 = arith.constant 7 : i32
    %dma_start3A_117 = arith.constant 7 : i32
    %dma_start3A_118 = arith.constant 0 : i32
    %dma_start3A_119 = arith.constant 0 : i32
    %dma_start3A_120 = tpu.memref_slice %arg7[%dma_start3A_116, %dma_start3A_118, %dma_start3A_119] : memref<8x64x128xf32, #tpu.memory_space<vmem>> -> memref<1x64x128xf32, #tpu.memory_space<vmem>>
    %dma_start3A_121 = tpu.memref_squeeze %dma_start3A_120 : memref<1x64x128xf32, #tpu.memory_space<vmem>> -> memref<64x128xf32, #tpu.memory_space<vmem>>
    %dma_start3A_122 = arith.constant 448 : i32
    %dma_start3A_123 = tpu.memref_slice %arg6[%dma_start3A_115, %dma_start3A_122] : memref<32x512xi32, #tpu.memory_space<vmem>> -> memref<1x64xi32, #tpu.memory_space<vmem>>
    %dma_start3A_124 = tpu.memref_squeeze %dma_start3A_123 : memref<1x64xi32, #tpu.memory_space<vmem>> -> memref<64xi32, #tpu.memory_space<vmem>>
    %dma_start3A_125 = arith.constant 0 : i32
    %dma_start3A_126 = arith.constant 0 : i32
    %dma_start3A_127 = tpu.memref_slice %arg3[%dma_start3A_125, %dma_start3A_126] : memref<100000x128xf32, #tpu.memory_space<hbm>> -> memref<100000x128xf32, #tpu.memory_space<hbm>>
    %dma_start3A_128 = tpu.memref_slice %arg9[%dma_start3A_117] : memref<8x!tpu.dma_semaphore, #tpu.memory_space<semaphore_mem>> -> memref<1x!tpu.dma_semaphore, #tpu.memory_space<semaphore_mem>>
    %dma_start3A_129 = tpu.memref_squeeze %dma_start3A_128 : memref<1x!tpu.dma_semaphore, #tpu.memory_space<semaphore_mem>> -> memref<!tpu.dma_semaphore, #tpu.memory_space<semaphore_mem>>
    tpu.enqueue_indirect_dma source(%dma_start3A_127 : memref<100000x128xf32, #tpu.memory_space<hbm>>) target(%dma_start3A_121 : memref<64x128xf32, #tpu.memory_space<vmem>>) offsets(%dma_start3A_124 : memref<64xi32, #tpu.memory_space<vmem>>) semaphore(%dma_start3A_129 : memref<!tpu.dma_semaphore, #tpu.memory_space<semaphore_mem>>)
    %scan3A_130 = arith.constant 0 : i32
    %scan3A_131 = arith.constant 0 : i32
    %scan3A_132 = arith.constant 32 : i32
    %scan3A_133 = arith.addi %scan3A_131, %scan3A_132 : i32
    %scan3A_134 = arith.constant 1 : i32
    %scan3A_135 = scf.for %scan3A_167 = %scan3A_131 to %scan3A_133 step %scan3A_134 iter_args(%scan3A_168 = %scan3A_130) -> (i32)  : i32 {
      %mul3A_169 = arith.constant 16 : i32
      %mul3A_170 = arith.muli %scan3A_167, %mul3A_169 : i32
      %add3A_171 = vector.broadcast %mul3A_170 : i32 to vector<16xi32>
      %add3A_172 = arith.addi %add3A_171, %iota3A : vector<16xi32>
      %mul3A_173 = arith.constant 32 : i32
      %mul3A_174 = vector.broadcast %mul3A_173 : i32 to vector<16xi32>
      %mul3A_175 = arith.muli %add3A_172, %mul3A_174 : vector<16xi32>
      %add3A_176 = arith.constant 1 : i32
      %add3A_177 = vector.broadcast %add3A_176 : i32 to vector<16xi32>
      %add3A_178 = arith.addi %mul3A_175, %add3A_177 : vector<16xi32>
      %jit3A = arith.constant 128 : i32
      %div3A = vector.broadcast %jit3A : i32 to vector<16xi32>
      %div3A_179 = arith.divsi %add3A_178, %div3A : vector<16xi32>
      %sign3A = arith.constant 0 : i32
      %sign3A_180 = vector.broadcast %sign3A : i32 to vector<16xi32>
      %sign3A_181 = arith.cmpi sgt, %add3A_178, %sign3A_180 : vector<16xi32>
      %sign3A_182 = arith.extui %sign3A_181 : vector<16xi1> to vector<16xi32>
      %sign3A_183 = arith.constant 0 : i32
      %sign3A_184 = vector.broadcast %sign3A_183 : i32 to vector<16xi32>
      %sign3A_185 = arith.cmpi slt, %add3A_178, %sign3A_184 : vector<16xi32>
      %sign3A_186 = arith.extui %sign3A_185 : vector<16xi1> to vector<16xi32>
      %sign3A_187 = arith.subi %sign3A_182, %sign3A_186 : vector<16xi32>
      %sign3A_188 = arith.constant 0 : i32
      %sign3A_189 = arith.cmpi sgt, %jit3A, %sign3A_188 : i32
      %sign3A_190 = arith.extui %sign3A_189 : i1 to i32
      %sign3A_191 = arith.constant 0 : i32
      %sign3A_192 = arith.cmpi slt, %jit3A, %sign3A_191 : i32
      %sign3A_193 = arith.extui %sign3A_192 : i1 to i32
      %sign3A_194 = arith.subi %sign3A_190, %sign3A_193 : i32
      %ne3A = vector.broadcast %sign3A_194 : i32 to vector<16xi32>
      %ne3A_195 = arith.cmpi ne, %sign3A_187, %ne3A : vector<16xi32>
      %rem3A = vector.broadcast %jit3A : i32 to vector<16xi32>
      %rem3A_196 = arith.remsi %add3A_178, %rem3A : vector<16xi32>
      %ne3A_197 = arith.constant 0 : i32
      %ne3A_198 = vector.broadcast %ne3A_197 : i32 to vector<16xi32>
      %ne3A_199 = arith.cmpi ne, %rem3A_196, %ne3A_198 : vector<16xi32>
      %and3A = arith.andi %ne3A_195, %ne3A_199 : vector<16xi1>
      %sub3A = arith.constant 1 : i32
      %sub3A_200 = vector.broadcast %sub3A : i32 to vector<16xi32>
      %sub3A_201 = arith.subi %div3A_179, %sub3A_200 : vector<16xi32>
      %select_n3A = arith.select %and3A, %sub3A_201, %div3A_179 : vector<16xi1>, vector<16xi32>
      %jit3A_202 = arith.constant 128 : i32
      %eq3A = arith.constant 0 : i32
      %eq3A_203 = arith.cmpi eq, %jit3A_202, %eq3A : i32
      %jit3A_204 = arith.constant 1 : i32
      %select_n3A_205 = arith.select %eq3A_203, %jit3A_204, %jit3A_202 : i32
      %rem3A_206 = vector.broadcast %select_n3A_205 : i32 to vector<16xi32>
      %rem3A_207 = arith.remsi %add3A_178, %rem3A_206 : vector<16xi32>
      %ne3A_208 = arith.constant 0 : i32
      %ne3A_209 = vector.broadcast %ne3A_208 : i32 to vector<16xi32>
      %ne3A_210 = arith.cmpi ne, %rem3A_207, %ne3A_209 : vector<16xi32>
      %lt3A = arith.constant 0 : i32
      %lt3A_211 = vector.broadcast %lt3A : i32 to vector<16xi32>
      %lt3A_212 = arith.cmpi slt, %rem3A_207, %lt3A_211 : vector<16xi32>
      %lt3A_213 = arith.constant 0 : i32
      %lt3A_214 = arith.cmpi slt, %select_n3A_205, %lt3A_213 : i32
      %ne3A_215 = vector.broadcast %lt3A_214 : i1 to vector<16xi1>
      %ne3A_216 = vector.broadcast %ne3A_215 : vector<16xi1> to vector<16xi1>
      %ne3A_217 = arith.xori %lt3A_212, %ne3A_216 : vector<16xi1>
      %and3A_218 = arith.andi %ne3A_217, %ne3A_210 : vector<16xi1>
      %add3A_219 = vector.broadcast %select_n3A_205 : i32 to vector<16xi32>
      %add3A_220 = arith.addi %rem3A_207, %add3A_219 : vector<16xi32>
      %select_n3A_221 = arith.select %and3A_218, %add3A_220, %rem3A_207 : vector<16xi1>, vector<16xi32>
      %gather3A = tpu.vector_load_idx %arg5[%select_n3A, %select_n3A_221] : memref<128x128xi32, #tpu.memory_space<vmem>>[vector<16xi32>, vector<16xi32>], vector<16xi32>,
      %mul3A_222 = arith.constant 16 : i32
      %mul3A_223 = arith.muli %scan3A_167, %mul3A_222 : i32
      %swap3A = arith.constant 1 : i32
      %swap3A_224 = arith.index_cast %swap3A : i32 to index
      %swap3A_225 = arith.index_cast %mul3A_223 : i32 to index
      %swap3A_226 = tpu.vector_load %arg6[%swap3A_224, %swap3A_225] {strides = array<i32>} : memref<32x512xi32, #tpu.memory_space<vmem>>, vector<16xi32>,
      tpu.vector_store %arg6[%swap3A_224, %swap3A_225], %gather3A {strides = array<i32>} : memref<32x512xi32, #tpu.memory_space<vmem>>, vector<16xi32>,
      %add3A_227 = arith.constant 2 : i32
      %add3A_228 = vector.broadcast %add3A_227 : i32 to vector<16xi32>
      %add3A_229 = arith.addi %mul3A_175, %add3A_228 : vector<16xi32>
      %jit3A_230 = arith.constant 128 : i32
      %div3A_231 = vector.broadcast %jit3A_230 : i32 to vector<16xi32>
      %div3A_232 = arith.divsi %add3A_229, %div3A_231 : vector<16xi32>
      %sign3A_233 = arith.constant 0 : i32
      %sign3A_234 = vector.broadcast %sign3A_233 : i32 to vector<16xi32>
      %sign3A_235 = arith.cmpi sgt, %add3A_229, %sign3A_234 : vector<16xi32>
      %sign3A_236 = arith.extui %sign3A_235 : vector<16xi1> to vector<16xi32>
      %sign3A_237 = arith.constant 0 : i32
      %sign3A_238 = vector.broadcast %sign3A_237 : i32 to vector<16xi32>
      %sign3A_239 = arith.cmpi slt, %add3A_229, %sign3A_238 : vector<16xi32>
      %sign3A_240 = arith.extui %sign3A_239 : vector<16xi1> to vector<16xi32>
      %sign3A_241 = arith.subi %sign3A_236, %sign3A_240 : vector<16xi32>
      %sign3A_242 = arith.constant 0 : i32
      %sign3A_243 = arith.cmpi sgt, %jit3A_230, %sign3A_242 : i32
      %sign3A_244 = arith.extui %sign3A_243 : i1 to i32
      %sign3A_245 = arith.constant 0 : i32
      %sign3A_246 = arith.cmpi slt, %jit3A_230, %sign3A_245 : i32
      %sign3A_247 = arith.extui %sign3A_246 : i1 to i32
      %sign3A_248 = arith.subi %sign3A_244, %sign3A_247 : i32
      %ne3A_249 = vector.broadcast %sign3A_248 : i32 to vector<16xi32>
      %ne3A_250 = arith.cmpi ne, %sign3A_241, %ne3A_249 : vector<16xi32>
      %rem3A_251 = vector.broadcast %jit3A_230 : i32 to vector<16xi32>
      %rem3A_252 = arith.remsi %add3A_229, %rem3A_251 : vector<16xi32>
      %ne3A_253 = arith.constant 0 : i32
      %ne3A_254 = vector.broadcast %ne3A_253 : i32 to vector<16xi32>
      %ne3A_255 = arith.cmpi ne, %rem3A_252, %ne3A_254 : vector<16xi32>
      %and3A_256 = arith.andi %ne3A_250, %ne3A_255 : vector<16xi1>
      %sub3A_257 = arith.constant 1 : i32
      %sub3A_258 = vector.broadcast %sub3A_257 : i32 to vector<16xi32>
      %sub3A_259 = arith.subi %div3A_232, %sub3A_258 : vector<16xi32>
      %select_n3A_260 = arith.select %and3A_256, %sub3A_259, %div3A_232 : vector<16xi1>, vector<16xi32>
      %jit3A_261 = arith.constant 128 : i32
      %eq3A_262 = arith.constant 0 : i32
      %eq3A_263 = arith.cmpi eq, %jit3A_261, %eq3A_262 : i32
      %jit3A_264 = arith.constant 1 : i32
      %select_n3A_265 = arith.select %eq3A_263, %jit3A_264, %jit3A_261 : i32
      %rem3A_266 = vector.broadcast %select_n3A_265 : i32 to vector<16xi32>
      %rem3A_267 = arith.remsi %add3A_229, %rem3A_266 : vector<16xi32>
      %ne3A_268 = arith.constant 0 : i32
      %ne3A_269 = vector.broadcast %ne3A_268 : i32 to vector<16xi32>
      %ne3A_270 = arith.cmpi ne, %rem3A_267, %ne3A_269 : vector<16xi32>
      %lt3A_271 = arith.constant 0 : i32
      %lt3A_272 = vector.broadcast %lt3A_271 : i32 to vector<16xi32>
      %lt3A_273 = arith.cmpi slt, %rem3A_267, %lt3A_272 : vector<16xi32>
      %lt3A_274 = arith.constant 0 : i32
      %lt3A_275 = arith.cmpi slt, %select_n3A_265, %lt3A_274 : i32
      %ne3A_276 = vector.broadcast %lt3A_275 : i1 to vector<16xi1>
      %ne3A_277 = vector.broadcast %ne3A_276 : vector<16xi1> to vector<16xi1>
      %ne3A_278 = arith.xori %lt3A_273, %ne3A_277 : vector<16xi1>
      %and3A_279 = arith.andi %ne3A_278, %ne3A_270 : vector<16xi1>
      %add3A_280 = vector.broadcast %select_n3A_265 : i32 to vector<16xi32>
      %add3A_281 = arith.addi %rem3A_267, %add3A_280 : vector<16xi32>
      %select_n3A_282 = arith.select %and3A_279, %add3A_281, %rem3A_267 : vector<16xi1>, vector<16xi32>
      %gather3A_283 = tpu.vector_load_idx %arg5[%select_n3A_260, %select_n3A_282] : memref<128x128xi32, #tpu.memory_space<vmem>>[vector<16xi32>, vector<16xi32>], vector<16xi32>,
      %mul3A_284 = arith.constant 16 : i32
      %mul3A_285 = arith.muli %scan3A_167, %mul3A_284 : i32
      %swap3A_286 = arith.constant 2 : i32
      %swap3A_287 = arith.index_cast %swap3A_286 : i32 to index
      %swap3A_288 = arith.index_cast %mul3A_285 : i32 to index
      %swap3A_289 = tpu.vector_load %arg6[%swap3A_287, %swap3A_288] {strides = array<i32>} : memref<32x512xi32, #tpu.memory_space<vmem>>, vector<16xi32>,
      tpu.vector_store %arg6[%swap3A_287, %swap3A_288], %gather3A_283 {strides = array<i32>} : memref<32x512xi32, #tpu.memory_space<vmem>>, vector<16xi32>,
      %add3A_290 = arith.constant 3 : i32
      %add3A_291 = vector.broadcast %add3A_290 : i32 to vector<16xi32>
      %add3A_292 = arith.addi %mul3A_175, %add3A_291 : vector<16xi32>
      %jit3A_293 = arith.constant 128 : i32
      %div3A_294 = vector.broadcast %jit3A_293 : i32 to vector<16xi32>
      %div3A_295 = arith.divsi %add3A_292, %div3A_294 : vector<16xi32>
      %sign3A_296 = arith.constant 0 : i32
      %sign3A_297 = vector.broadcast %sign3A_296 : i32 to vector<16xi32>
      %sign3A_298 = arith.cmpi sgt, %add3A_292, %sign3A_297 : vector<16xi32>
      %sign3A_299 = arith.extui %sign3A_298 : vector<16xi1> to vector<16xi32>
      %sign3A_300 = arith.constant 0 : i32
      %sign3A_301 = vector.broadcast %sign3A_300 : i32 to vector<16xi32>
      %sign3A_302 = arith.cmpi slt, %add3A_292, %sign3A_301 : vector<16xi32>
      %sign3A_303 = arith.extui %sign3A_302 : vector<16xi1> to vector<16xi32>
      %sign3A_304 = arith.subi %sign3A_299, %sign3A_303 : vector<16xi32>
      %sign3A_305 = arith.constant 0 : i32
      %sign3A_306 = arith.cmpi sgt, %jit3A_293, %sign3A_305 : i32
      %sign3A_307 = arith.extui %sign3A_306 : i1 to i32
      %sign3A_308 = arith.constant 0 : i32
      %sign3A_309 = arith.cmpi slt, %jit3A_293, %sign3A_308 : i32
      %sign3A_310 = arith.extui %sign3A_309 : i1 to i32
      %sign3A_311 = arith.subi %sign3A_307, %sign3A_310 : i32
      %ne3A_312 = vector.broadcast %sign3A_311 : i32 to vector<16xi32>
      %ne3A_313 = arith.cmpi ne, %sign3A_304, %ne3A_312 : vector<16xi32>
      %rem3A_314 = vector.broadcast %jit3A_293 : i32 to vector<16xi32>
      %rem3A_315 = arith.remsi %add3A_292, %rem3A_314 : vector<16xi32>
      %ne3A_316 = arith.constant 0 : i32
      %ne3A_317 = vector.broadcast %ne3A_316 : i32 to vector<16xi32>
      %ne3A_318 = arith.cmpi ne, %rem3A_315, %ne3A_317 : vector<16xi32>
      %and3A_319 = arith.andi %ne3A_313, %ne3A_318 : vector<16xi1>
      %sub3A_320 = arith.constant 1 : i32
      %sub3A_321 = vector.broadcast %sub3A_320 : i32 to vector<16xi32>
      %sub3A_322 = arith.subi %div3A_295, %sub3A_321 : vector<16xi32>
      %select_n3A_323 = arith.select %and3A_319, %sub3A_322, %div3A_295 : vector<16xi1>, vector<16xi32>
      %jit3A_324 = arith.constant 128 : i32
      %eq3A_325 = arith.constant 0 : i32
      %eq3A_326 = arith.cmpi eq, %jit3A_324, %eq3A_325 : i32
      %jit3A_327 = arith.constant 1 : i32
      %select_n3A_328 = arith.select %eq3A_326, %jit3A_327, %jit3A_324 : i32
      %rem3A_329 = vector.broadcast %select_n3A_328 : i32 to vector<16xi32>
      %rem3A_330 = arith.remsi %add3A_292, %rem3A_329 : vector<16xi32>
      %ne3A_331 = arith.constant 0 : i32
      %ne3A_332 = vector.broadcast %ne3A_331 : i32 to vector<16xi32>
      %ne3A_333 = arith.cmpi ne, %rem3A_330, %ne3A_332 : vector<16xi32>
      %lt3A_334 = arith.constant 0 : i32
      %lt3A_335 = vector.broadcast %lt3A_334 : i32 to vector<16xi32>
      %lt3A_336 = arith.cmpi slt, %rem3A_330, %lt3A_335 : vector<16xi32>
      %lt3A_337 = arith.constant 0 : i32
      %lt3A_338 = arith.cmpi slt, %select_n3A_328, %lt3A_337 : i32
      %ne3A_339 = vector.broadcast %lt3A_338 : i1 to vector<16xi1>
      %ne3A_340 = vector.broadcast %ne3A_339 : vector<16xi1> to vector<16xi1>
      %ne3A_341 = arith.xori %lt3A_336, %ne3A_340 : vector<16xi1>
      %and3A_342 = arith.andi %ne3A_341, %ne3A_333 : vector<16xi1>
      %add3A_343 = vector.broadcast %select_n3A_328 : i32 to vector<16xi32>
      %add3A_344 = arith.addi %rem3A_330, %add3A_343 : vector<16xi32>
      %select_n3A_345 = arith.select %and3A_342, %add3A_344, %rem3A_330 : vector<16xi1>, vector<16xi32>
      %gather3A_346 = tpu.vector_load_idx %arg5[%select_n3A_323, %select_n3A_345] : memref<128x128xi32, #tpu.memory_space<vmem>>[vector<16xi32>, vector<16xi32>], vector<16xi32>,
      %mul3A_347 = arith.constant 16 : i32
      %mul3A_348 = arith.muli %scan3A_167, %mul3A_347 : i32
      %swap3A_349 = arith.constant 3 : i32
      %swap3A_350 = arith.index_cast %swap3A_349 : i32 to index
      %swap3A_351 = arith.index_cast %mul3A_348 : i32 to index
      %swap3A_352 = tpu.vector_load %arg6[%swap3A_350, %swap3A_351] {strides = array<i32>} : memref<32x512xi32, #tpu.memory_space<vmem>>, vector<16xi32>,
      tpu.vector_store %arg6[%swap3A_350, %swap3A_351], %gather3A_346 {strides = array<i32>} : memref<32x512xi32, #tpu.memory_space<vmem>>, vector<16xi32>,
      %add3A_353 = arith.constant 4 : i32
      %add3A_354 = vector.broadcast %add3A_353 : i32 to vector<16xi32>
      %add3A_355 = arith.addi %mul3A_175, %add3A_354 : vector<16xi32>
      %jit3A_356 = arith.constant 128 : i32
      %div3A_357 = vector.broadcast %jit3A_356 : i32 to vector<16xi32>
      %div3A_358 = arith.divsi %add3A_355, %div3A_357 : vector<16xi32>
      %sign3A_359 = arith.constant 0 : i32
      %sign3A_360 = vector.broadcast %sign3A_359 : i32 to vector<16xi32>
      %sign3A_361 = arith.cmpi sgt, %add3A_355, %sign3A_360 : vector<16xi32>
      %sign3A_362 = arith.extui %sign3A_361 : vector<16xi1> to vector<16xi32>
      %sign3A_363 = arith.constant 0 : i32
      %sign3A_364 = vector.broadcast %sign3A_363 : i32 to vector<16xi32>
      %sign3A_365 = arith.cmpi slt, %add3A_355, %sign3A_364 : vector<16xi32>
      %sign3A_366 = arith.extui %sign3A_365 : vector<16xi1> to vector<16xi32>
      %sign3A_367 = arith.subi %sign3A_362, %sign3A_366 : vector<16xi32>
      %sign3A_368 = arith.constant 0 : i32
      %sign3A_369 = arith.cmpi sgt, %jit3A_356, %sign3A_368 : i32
      %sign3A_370 = arith.extui %sign3A_369 : i1 to i32
      %sign3A_371 = arith.constant 0 : i32
      %sign3A_372 = arith.cmpi slt, %jit3A_356, %sign3A_371 : i32
      %sign3A_373 = arith.extui %sign3A_372 : i1 to i32
      %sign3A_374 = arith.subi %sign3A_370, %sign3A_373 : i32
      %ne3A_375 = vector.broadcast %sign3A_374 : i32 to vector<16xi32>
      %ne3A_376 = arith.cmpi ne, %sign3A_367, %ne3A_375 : vector<16xi32>
      %rem3A_377 = vector.broadcast %jit3A_356 : i32 to vector<16xi32>
      %rem3A_378 = arith.remsi %add3A_355, %rem3A_377 : vector<16xi32>
      %ne3A_379 = arith.constant 0 : i32
      %ne3A_380 = vector.broadcast %ne3A_379 : i32 to vector<16xi32>
      %ne3A_381 = arith.cmpi ne, %rem3A_378, %ne3A_380 : vector<16xi32>
      %and3A_382 = arith.andi %ne3A_376, %ne3A_381 : vector<16xi1>
      %sub3A_383 = arith.constant 1 : i32
      %sub3A_384 = vector.broadcast %sub3A_383 : i32 to vector<16xi32>
      %sub3A_385 = arith.subi %div3A_358, %sub3A_384 : vector<16xi32>
      %select_n3A_386 = arith.select %and3A_382, %sub3A_385, %div3A_358 : vector<16xi1>, vector<16xi32>
      %jit3A_387 = arith.constant 128 : i32
      %eq3A_388 = arith.constant 0 : i32
      %eq3A_389 = arith.cmpi eq, %jit3A_387, %eq3A_388 : i32
      %jit3A_390 = arith.constant 1 : i32
      %select_n3A_391 = arith.select %eq3A_389, %jit3A_390, %jit3A_387 : i32
      %rem3A_392 = vector.broadcast %select_n3A_391 : i32 to vector<16xi32>
      %rem3A_393 = arith.remsi %add3A_355, %rem3A_392 : vector<16xi32>
      %ne3A_394 = arith.constant 0 : i32
      %ne3A_395 = vector.broadcast %ne3A_394 : i32 to vector<16xi32>
      %ne3A_396 = arith.cmpi ne, %rem3A_393, %ne3A_395 : vector<16xi32>
      %lt3A_397 = arith.constant 0 : i32
      %lt3A_398 = vector.broadcast %lt3A_397 : i32 to vector<16xi32>
      %lt3A_399 = arith.cmpi slt, %rem3A_393, %lt3A_398 : vector<16xi32>
      %lt3A_400 = arith.constant 0 : i32
      %lt3A_401 = arith.cmpi slt, %select_n3A_391, %lt3A_400 : i32
      %ne3A_402 = vector.broadcast %lt3A_401 : i1 to vector<16xi1>
      %ne3A_403 = vector.broadcast %ne3A_402 : vector<16xi1> to vector<16xi1>
      %ne3A_404 = arith.xori %lt3A_399, %ne3A_403 : vector<16xi1>
      %and3A_405 = arith.andi %ne3A_404, %ne3A_396 : vector<16xi1>
      %add3A_406 = vector.broadcast %select_n3A_391 : i32 to vector<16xi32>
      %add3A_407 = arith.addi %rem3A_393, %add3A_406 : vector<16xi32>
      %select_n3A_408 = arith.select %and3A_405, %add3A_407, %rem3A_393 : vector<16xi1>, vector<16xi32>
      %gather3A_409 = tpu.vector_load_idx %arg5[%select_n3A_386, %select_n3A_408] : memref<128x128xi32, #tpu.memory_space<vmem>>[vector<16xi32>, vector<16xi32>], vector<16xi32>,
      %mul3A_410 = arith.constant 16 : i32
      %mul3A_411 = arith.muli %scan3A_167, %mul3A_410 : i32
      %swap3A_412 = arith.constant 4 : i32
      %swap3A_413 = arith.index_cast %swap3A_412 : i32 to index
      %swap3A_414 = arith.index_cast %mul3A_411 : i32 to index
      %swap3A_415 = tpu.vector_load %arg6[%swap3A_413, %swap3A_414] {strides = array<i32>} : memref<32x512xi32, #tpu.memory_space<vmem>>, vector<16xi32>,
      tpu.vector_store %arg6[%swap3A_413, %swap3A_414], %gather3A_409 {strides = array<i32>} : memref<32x512xi32, #tpu.memory_space<vmem>>, vector<16xi32>,
      %add3A_416 = arith.constant 5 : i32
      %add3A_417 = vector.broadcast %add3A_416 : i32 to vector<16xi32>
      %add3A_418 = arith.addi %mul3A_175, %add3A_417 : vector<16xi32>
      %jit3A_419 = arith.constant 128 : i32
      %div3A_420 = vector.broadcast %jit3A_419 : i32 to vector<16xi32>
      %div3A_421 = arith.divsi %add3A_418, %div3A_420 : vector<16xi32>
      %sign3A_422 = arith.constant 0 : i32
      %sign3A_423 = vector.broadcast %sign3A_422 : i32 to vector<16xi32>
      %sign3A_424 = arith.cmpi sgt, %add3A_418, %sign3A_423 : vector<16xi32>
      %sign3A_425 = arith.extui %sign3A_424 : vector<16xi1> to vector<16xi32>
      %sign3A_426 = arith.constant 0 : i32
      %sign3A_427 = vector.broadcast %sign3A_426 : i32 to vector<16xi32>
      %sign3A_428 = arith.cmpi slt, %add3A_418, %sign3A_427 : vector<16xi32>
      %sign3A_429 = arith.extui %sign3A_428 : vector<16xi1> to vector<16xi32>
      %sign3A_430 = arith.subi %sign3A_425, %sign3A_429 : vector<16xi32>
      %sign3A_431 = arith.constant 0 : i32
      %sign3A_432 = arith.cmpi sgt, %jit3A_419, %sign3A_431 : i32
      %sign3A_433 = arith.extui %sign3A_432 : i1 to i32
      %sign3A_434 = arith.constant 0 : i32
      %sign3A_435 = arith.cmpi slt, %jit3A_419, %sign3A_434 : i32
      %sign3A_436 = arith.extui %sign3A_435 : i1 to i32
      %sign3A_437 = arith.subi %sign3A_433, %sign3A_436 : i32
      %ne3A_438 = vector.broadcast %sign3A_437 : i32 to vector<16xi32>
      %ne3A_439 = arith.cmpi ne, %sign3A_430, %ne3A_438 : vector<16xi32>
      %rem3A_440 = vector.broadcast %jit3A_419 : i32 to vector<16xi32>
      %rem3A_441 = arith.remsi %add3A_418, %rem3A_440 : vector<16xi32>
      %ne3A_442 = arith.constant 0 : i32
      %ne3A_443 = vector.broadcast %ne3A_442 : i32 to vector<16xi32>
      %ne3A_444 = arith.cmpi ne, %rem3A_441, %ne3A_443 : vector<16xi32>
      %and3A_445 = arith.andi %ne3A_439, %ne3A_444 : vector<16xi1>
      %sub3A_446 = arith.constant 1 : i32
      %sub3A_447 = vector.broadcast %sub3A_446 : i32 to vector<16xi32>
      %sub3A_448 = arith.subi %div3A_421, %sub3A_447 : vector<16xi32>
      %select_n3A_449 = arith.select %and3A_445, %sub3A_448, %div3A_421 : vector<16xi1>, vector<16xi32>
      %jit3A_450 = arith.constant 128 : i32
      %eq3A_451 = arith.constant 0 : i32
      %eq3A_452 = arith.cmpi eq, %jit3A_450, %eq3A_451 : i32
      %jit3A_453 = arith.constant 1 : i32
      %select_n3A_454 = arith.select %eq3A_452, %jit3A_453, %jit3A_450 : i32
      %rem3A_455 = vector.broadcast %select_n3A_454 : i32 to vector<16xi32>
      %rem3A_456 = arith.remsi %add3A_418, %rem3A_455 : vector<16xi32>
      %ne3A_457 = arith.constant 0 : i32
      %ne3A_458 = vector.broadcast %ne3A_457 : i32 to vector<16xi32>
      %ne3A_459 = arith.cmpi ne, %rem3A_456, %ne3A_458 : vector<16xi32>
      %lt3A_460 = arith.constant 0 : i32
      %lt3A_461 = vector.broadcast %lt3A_460 : i32 to vector<16xi32>
      %lt3A_462 = arith.cmpi slt, %rem3A_456, %lt3A_461 : vector<16xi32>
      %lt3A_463 = arith.constant 0 : i32
      %lt3A_464 = arith.cmpi slt, %select_n3A_454, %lt3A_463 : i32
      %ne3A_465 = vector.broadcast %lt3A_464 : i1 to vector<16xi1>
      %ne3A_466 = vector.broadcast %ne3A_465 : vector<16xi1> to vector<16xi1>
      %ne3A_467 = arith.xori %lt3A_462, %ne3A_466 : vector<16xi1>
      %and3A_468 = arith.andi %ne3A_467, %ne3A_459 : vector<16xi1>
      %add3A_469 = vector.broadcast %select_n3A_454 : i32 to vector<16xi32>
      %add3A_470 = arith.addi %rem3A_456, %add3A_469 : vector<16xi32>
      %select_n3A_471 = arith.select %and3A_468, %add3A_470, %rem3A_456 : vector<16xi1>, vector<16xi32>
      %gather3A_472 = tpu.vector_load_idx %arg5[%select_n3A_449, %select_n3A_471] : memref<128x128xi32, #tpu.memory_space<vmem>>[vector<16xi32>, vector<16xi32>], vector<16xi32>,
      %mul3A_473 = arith.constant 16 : i32
      %mul3A_474 = arith.muli %scan3A_167, %mul3A_473 : i32
      %swap3A_475 = arith.constant 5 : i32
      %swap3A_476 = arith.index_cast %swap3A_475 : i32 to index
      %swap3A_477 = arith.index_cast %mul3A_474 : i32 to index
      %swap3A_478 = tpu.vector_load %arg6[%swap3A_476, %swap3A_477] {strides = array<i32>} : memref<32x512xi32, #tpu.memory_space<vmem>>, vector<16xi32>,
      tpu.vector_store %arg6[%swap3A_476, %swap3A_477], %gather3A_472 {strides = array<i32>} : memref<32x512xi32, #tpu.memory_space<vmem>>, vector<16xi32>,
      %add3A_479 = arith.constant 6 : i32
      %add3A_480 = vector.broadcast %add3A_479 : i32 to vector<16xi32>
      %add3A_481 = arith.addi %mul3A_175, %add3A_480 : vector<16xi32>
      %jit3A_482 = arith.constant 128 : i32
      %div3A_483 = vector.broadcast %jit3A_482 : i32 to vector<16xi32>
      %div3A_484 = arith.divsi %add3A_481, %div3A_483 : vector<16xi32>
      %sign3A_485 = arith.constant 0 : i32
      %sign3A_486 = vector.broadcast %sign3A_485 : i32 to vector<16xi32>
      %sign3A_487 = arith.cmpi sgt, %add3A_481, %sign3A_486 : vector<16xi32>
      %sign3A_488 = arith.extui %sign3A_487 : vector<16xi1> to vector<16xi32>
      %sign3A_489 = arith.constant 0 : i32
      %sign3A_490 = vector.broadcast %sign3A_489 : i32 to vector<16xi32>
      %sign3A_491 = arith.cmpi slt, %add3A_481, %sign3A_490 : vector<16xi32>
      %sign3A_492 = arith.extui %sign3A_491 : vector<16xi1> to vector<16xi32>
      %sign3A_493 = arith.subi %sign3A_488, %sign3A_492 : vector<16xi32>
      %sign3A_494 = arith.constant 0 : i32
      %sign3A_495 = arith.cmpi sgt, %jit3A_482, %sign3A_494 : i32
      %sign3A_496 = arith.extui %sign3A_495 : i1 to i32
      %sign3A_497 = arith.constant 0 : i32
      %sign3A_498 = arith.cmpi slt, %jit3A_482, %sign3A_497 : i32
      %sign3A_499 = arith.extui %sign3A_498 : i1 to i32
      %sign3A_500 = arith.subi %sign3A_496, %sign3A_499 : i32
      %ne3A_501 = vector.broadcast %sign3A_500 : i32 to vector<16xi32>
      %ne3A_502 = arith.cmpi ne, %sign3A_493, %ne3A_501 : vector<16xi32>
      %rem3A_503 = vector.broadcast %jit3A_482 : i32 to vector<16xi32>
      %rem3A_504 = arith.remsi %add3A_481, %rem3A_503 : vector<16xi32>
      %ne3A_505 = arith.constant 0 : i32
      %ne3A_506 = vector.broadcast %ne3A_505 : i32 to vector<16xi32>
      %ne3A_507 = arith.cmpi ne, %rem3A_504, %ne3A_506 : vector<16xi32>
      %and3A_508 = arith.andi %ne3A_502, %ne3A_507 : vector<16xi1>
      %sub3A_509 = arith.constant 1 : i32
      %sub3A_510 = vector.broadcast %sub3A_509 : i32 to vector<16xi32>
      %sub3A_511 = arith.subi %div3A_484, %sub3A_510 : vector<16xi32>
      %select_n3A_512 = arith.select %and3A_508, %sub3A_511, %div3A_484 : vector<16xi1>, vector<16xi32>
      %jit3A_513 = arith.constant 128 : i32
      %eq3A_514 = arith.constant 0 : i32
      %eq3A_515 = arith.cmpi eq, %jit3A_513, %eq3A_514 : i32
      %jit3A_516 = arith.constant 1 : i32
      %select_n3A_517 = arith.select %eq3A_515, %jit3A_516, %jit3A_513 : i32
      %rem3A_518 = vector.broadcast %select_n3A_517 : i32 to vector<16xi32>
      %rem3A_519 = arith.remsi %add3A_481, %rem3A_518 : vector<16xi32>
      %ne3A_520 = arith.constant 0 : i32
      %ne3A_521 = vector.broadcast %ne3A_520 : i32 to vector<16xi32>
      %ne3A_522 = arith.cmpi ne, %rem3A_519, %ne3A_521 : vector<16xi32>
      %lt3A_523 = arith.constant 0 : i32
      %lt3A_524 = vector.broadcast %lt3A_523 : i32 to vector<16xi32>
      %lt3A_525 = arith.cmpi slt, %rem3A_519, %lt3A_524 : vector<16xi32>
      %lt3A_526 = arith.constant 0 : i32
      %lt3A_527 = arith.cmpi slt, %select_n3A_517, %lt3A_526 : i32
      %ne3A_528 = vector.broadcast %lt3A_527 : i1 to vector<16xi1>
      %ne3A_529 = vector.broadcast %ne3A_528 : vector<16xi1> to vector<16xi1>
      %ne3A_530 = arith.xori %lt3A_525, %ne3A_529 : vector<16xi1>
      %and3A_531 = arith.andi %ne3A_530, %ne3A_522 : vector<16xi1>
      %add3A_532 = vector.broadcast %select_n3A_517 : i32 to vector<16xi32>
      %add3A_533 = arith.addi %rem3A_519, %add3A_532 : vector<16xi32>
      %select_n3A_534 = arith.select %and3A_531, %add3A_533, %rem3A_519 : vector<16xi1>, vector<16xi32>
      %gather3A_535 = tpu.vector_load_idx %arg5[%select_n3A_512, %select_n3A_534] : memref<128x128xi32, #tpu.memory_space<vmem>>[vector<16xi32>, vector<16xi32>], vector<16xi32>,
      %mul3A_536 = arith.constant 16 : i32
      %mul3A_537 = arith.muli %scan3A_167, %mul3A_536 : i32
      %swap3A_538 = arith.constant 6 : i32
      %swap3A_539 = arith.index_cast %swap3A_538 : i32 to index
      %swap3A_540 = arith.index_cast %mul3A_537 : i32 to index
      %swap3A_541 = tpu.vector_load %arg6[%swap3A_539, %swap3A_540] {strides = array<i32>} : memref<32x512xi32, #tpu.memory_space<vmem>>, vector<16xi32>,
      tpu.vector_store %arg6[%swap3A_539, %swap3A_540], %gather3A_535 {strides = array<i32>} : memref<32x512xi32, #tpu.memory_space<vmem>>, vector<16xi32>,
      %add3A_542 = arith.constant 7 : i32
      %add3A_543 = vector.broadcast %add3A_542 : i32 to vector<16xi32>
      %add3A_544 = arith.addi %mul3A_175, %add3A_543 : vector<16xi32>
      %jit3A_545 = arith.constant 128 : i32
      %div3A_546 = vector.broadcast %jit3A_545 : i32 to vector<16xi32>
      %div3A_547 = arith.divsi %add3A_544, %div3A_546 : vector<16xi32>
      %sign3A_548 = arith.constant 0 : i32
      %sign3A_549 = vector.broadcast %sign3A_548 : i32 to vector<16xi32>
      %sign3A_550 = arith.cmpi sgt, %add3A_544, %sign3A_549 : vector<16xi32>
      %sign3A_551 = arith.extui %sign3A_550 : vector<16xi1> to vector<16xi32>
      %sign3A_552 = arith.constant 0 : i32
      %sign3A_553 = vector.broadcast %sign3A_552 : i32 to vector<16xi32>
      %sign3A_554 = arith.cmpi slt, %add3A_544, %sign3A_553 : vector<16xi32>
      %sign3A_555 = arith.extui %sign3A_554 : vector<16xi1> to vector<16xi32>
      %sign3A_556 = arith.subi %sign3A_551, %sign3A_555 : vector<16xi32>
      %sign3A_557 = arith.constant 0 : i32
      %sign3A_558 = arith.cmpi sgt, %jit3A_545, %sign3A_557 : i32
      %sign3A_559 = arith.extui %sign3A_558 : i1 to i32
      %sign3A_560 = arith.constant 0 : i32
      %sign3A_561 = arith.cmpi slt, %jit3A_545, %sign3A_560 : i32
      %sign3A_562 = arith.extui %sign3A_561 : i1 to i32
      %sign3A_563 = arith.subi %sign3A_559, %sign3A_562 : i32
      %ne3A_564 = vector.broadcast %sign3A_563 : i32 to vector<16xi32>
      %ne3A_565 = arith.cmpi ne, %sign3A_556, %ne3A_564 : vector<16xi32>
      %rem3A_566 = vector.broadcast %jit3A_545 : i32 to vector<16xi32>
      %rem3A_567 = arith.remsi %add3A_544, %rem3A_566 : vector<16xi32>
      %ne3A_568 = arith.constant 0 : i32
      %ne3A_569 = vector.broadcast %ne3A_568 : i32 to vector<16xi32>
      %ne3A_570 = arith.cmpi ne, %rem3A_567, %ne3A_569 : vector<16xi32>
      %and3A_571 = arith.andi %ne3A_565, %ne3A_570 : vector<16xi1>
      %sub3A_572 = arith.constant 1 : i32
      %sub3A_573 = vector.broadcast %sub3A_572 : i32 to vector<16xi32>
      %sub3A_574 = arith.subi %div3A_547, %sub3A_573 : vector<16xi32>
      %select_n3A_575 = arith.select %and3A_571, %sub3A_574, %div3A_547 : vector<16xi1>, vector<16xi32>
      %jit3A_576 = arith.constant 128 : i32
      %eq3A_577 = arith.constant 0 : i32
      %eq3A_578 = arith.cmpi eq, %jit3A_576, %eq3A_577 : i32
      %jit3A_579 = arith.constant 1 : i32
      %select_n3A_580 = arith.select %eq3A_578, %jit3A_579, %jit3A_576 : i32
      %rem3A_581 = vector.broadcast %select_n3A_580 : i32 to vector<16xi32>
      %rem3A_582 = arith.remsi %add3A_544, %rem3A_581 : vector<16xi32>
      %ne3A_583 = arith.constant 0 : i32
      %ne3A_584 = vector.broadcast %ne3A_583 : i32 to vector<16xi32>
      %ne3A_585 = arith.cmpi ne, %rem3A_582, %ne3A_584 : vector<16xi32>
      %lt3A_586 = arith.constant 0 : i32
      %lt3A_587 = vector.broadcast %lt3A_586 : i32 to vector<16xi32>
      %lt3A_588 = arith.cmpi slt, %rem3A_582, %lt3A_587 : vector<16xi32>
      %lt3A_589 = arith.constant 0 : i32
      %lt3A_590 = arith.cmpi slt, %select_n3A_580, %lt3A_589 : i32
      %ne3A_591 = vector.broadcast %lt3A_590 : i1 to vector<16xi1>
      %ne3A_592 = vector.broadcast %ne3A_591 : vector<16xi1> to vector<16xi1>
      %ne3A_593 = arith.xori %lt3A_588, %ne3A_592 : vector<16xi1>
      %and3A_594 = arith.andi %ne3A_593, %ne3A_585 : vector<16xi1>
      %add3A_595 = vector.broadcast %select_n3A_580 : i32 to vector<16xi32>
      %add3A_596 = arith.addi %rem3A_582, %add3A_595 : vector<16xi32>
      %select_n3A_597 = arith.select %and3A_594, %add3A_596, %rem3A_582 : vector<16xi1>, vector<16xi32>
      %gather3A_598 = tpu.vector_load_idx %arg5[%select_n3A_575, %select_n3A_597] : memref<128x128xi32, #tpu.memory_space<vmem>>[vector<16xi32>, vector<16xi32>], vector<16xi32>,
      %mul3A_599 = arith.constant 16 : i32
      %mul3A_600 = arith.muli %scan3A_167, %mul3A_599 : i32
      %swap3A_601 = arith.constant 7 : i32
      %swap3A_602 = arith.index_cast %swap3A_601 : i32 to index
      %swap3A_603 = arith.index_cast %mul3A_600 : i32 to index
      %swap3A_604 = tpu.vector_load %arg6[%swap3A_602, %swap3A_603] {strides = array<i32>} : memref<32x512xi32, #tpu.memory_space<vmem>>, vector<16xi32>,
      tpu.vector_store %arg6[%swap3A_602, %swap3A_603], %gather3A_598 {strides = array<i32>} : memref<32x512xi32, #tpu.memory_space<vmem>>, vector<16xi32>,
      %add3A_605 = arith.constant 8 : i32
      %add3A_606 = vector.broadcast %add3A_605 : i32 to vector<16xi32>
      %add3A_607 = arith.addi %mul3A_175, %add3A_606 : vector<16xi32>
      %jit3A_608 = arith.constant 128 : i32
      %div3A_609 = vector.broadcast %jit3A_608 : i32 to vector<16xi32>
      %div3A_610 = arith.divsi %add3A_607, %div3A_609 : vector<16xi32>
      %sign3A_611 = arith.constant 0 : i32
      %sign3A_612 = vector.broadcast %sign3A_611 : i32 to vector<16xi32>
      %sign3A_613 = arith.cmpi sgt, %add3A_607, %sign3A_612 : vector<16xi32>
      %sign3A_614 = arith.extui %sign3A_613 : vector<16xi1> to vector<16xi32>
      %sign3A_615 = arith.constant 0 : i32
      %sign3A_616 = vector.broadcast %sign3A_615 : i32 to vector<16xi32>
      %sign3A_617 = arith.cmpi slt, %add3A_607, %sign3A_616 : vector<16xi32>
      %sign3A_618 = arith.extui %sign3A_617 : vector<16xi1> to vector<16xi32>
      %sign3A_619 = arith.subi %sign3A_614, %sign3A_618 : vector<16xi32>
      %sign3A_620 = arith.constant 0 : i32
      %sign3A_621 = arith.cmpi sgt, %jit3A_608, %sign3A_620 : i32
      %sign3A_622 = arith.extui %sign3A_621 : i1 to i32
      %sign3A_623 = arith.constant 0 : i32
      %sign3A_624 = arith.cmpi slt, %jit3A_608, %sign3A_623 : i32
      %sign3A_625 = arith.extui %sign3A_624 : i1 to i32
      %sign3A_626 = arith.subi %sign3A_622, %sign3A_625 : i32
      %ne3A_627 = vector.broadcast %sign3A_626 : i32 to vector<16xi32>
      %ne3A_628 = arith.cmpi ne, %sign3A_619, %ne3A_627 : vector<16xi32>
      %rem3A_629 = vector.broadcast %jit3A_608 : i32 to vector<16xi32>
      %rem3A_630 = arith.remsi %add3A_607, %rem3A_629 : vector<16xi32>
      %ne3A_631 = arith.constant 0 : i32
      %ne3A_632 = vector.broadcast %ne3A_631 : i32 to vector<16xi32>
      %ne3A_633 = arith.cmpi ne, %rem3A_630, %ne3A_632 : vector<16xi32>
      %and3A_634 = arith.andi %ne3A_628, %ne3A_633 : vector<16xi1>
      %sub3A_635 = arith.constant 1 : i32
      %sub3A_636 = vector.broadcast %sub3A_635 : i32 to vector<16xi32>
      %sub3A_637 = arith.subi %div3A_610, %sub3A_636 : vector<16xi32>
      %select_n3A_638 = arith.select %and3A_634, %sub3A_637, %div3A_610 : vector<16xi1>, vector<16xi32>
      %jit3A_639 = arith.constant 128 : i32
      %eq3A_640 = arith.constant 0 : i32
      %eq3A_641 = arith.cmpi eq, %jit3A_639, %eq3A_640 : i32
      %jit3A_642 = arith.constant 1 : i32
      %select_n3A_643 = arith.select %eq3A_641, %jit3A_642, %jit3A_639 : i32
      %rem3A_644 = vector.broadcast %select_n3A_643 : i32 to vector<16xi32>
      %rem3A_645 = arith.remsi %add3A_607, %rem3A_644 : vector<16xi32>
      %ne3A_646 = arith.constant 0 : i32
      %ne3A_647 = vector.broadcast %ne3A_646 : i32 to vector<16xi32>
      %ne3A_648 = arith.cmpi ne, %rem3A_645, %ne3A_647 : vector<16xi32>
      %lt3A_649 = arith.constant 0 : i32
      %lt3A_650 = vector.broadcast %lt3A_649 : i32 to vector<16xi32>
      %lt3A_651 = arith.cmpi slt, %rem3A_645, %lt3A_650 : vector<16xi32>
      %lt3A_652 = arith.constant 0 : i32
      %lt3A_653 = arith.cmpi slt, %select_n3A_643, %lt3A_652 : i32
      %ne3A_654 = vector.broadcast %lt3A_653 : i1 to vector<16xi1>
      %ne3A_655 = vector.broadcast %ne3A_654 : vector<16xi1> to vector<16xi1>
      %ne3A_656 = arith.xori %lt3A_651, %ne3A_655 : vector<16xi1>
      %and3A_657 = arith.andi %ne3A_656, %ne3A_648 : vector<16xi1>
      %add3A_658 = vector.broadcast %select_n3A_643 : i32 to vector<16xi32>
      %add3A_659 = arith.addi %rem3A_645, %add3A_658 : vector<16xi32>
      %select_n3A_660 = arith.select %and3A_657, %add3A_659, %rem3A_645 : vector<16xi1>, vector<16xi32>
      %gather3A_661 = tpu.vector_load_idx %arg5[%select_n3A_638, %select_n3A_660] : memref<128x128xi32, #tpu.memory_space<vmem>>[vector<16xi32>, vector<16xi32>], vector<16xi32>,
      %mul3A_662 = arith.constant 16 : i32
      %mul3A_663 = arith.muli %scan3A_167, %mul3A_662 : i32
      %swap3A_664 = arith.constant 8 : i32
      %swap3A_665 = arith.index_cast %swap3A_664 : i32 to index
      %swap3A_666 = arith.index_cast %mul3A_663 : i32 to index
      %swap3A_667 = tpu.vector_load %arg6[%swap3A_665, %swap3A_666] {strides = array<i32>} : memref<32x512xi32, #tpu.memory_space<vmem>>, vector<16xi32>,
      tpu.vector_store %arg6[%swap3A_665, %swap3A_666], %gather3A_661 {strides = array<i32>} : memref<32x512xi32, #tpu.memory_space<vmem>>, vector<16xi32>,
      %add3A_668 = arith.constant 9 : i32
      %add3A_669 = vector.broadcast %add3A_668 : i32 to vector<16xi32>
      %add3A_670 = arith.addi %mul3A_175, %add3A_669 : vector<16xi32>
      %jit3A_671 = arith.constant 128 : i32
      %div3A_672 = vector.broadcast %jit3A_671 : i32 to vector<16xi32>
      %div3A_673 = arith.divsi %add3A_670, %div3A_672 : vector<16xi32>
      %sign3A_674 = arith.constant 0 : i32
      %sign3A_675 = vector.broadcast %sign3A_674 : i32 to vector<16xi32>
      %sign3A_676 = arith.cmpi sgt, %add3A_670, %sign3A_675 : vector<16xi32>
      %sign3A_677 = arith.extui %sign3A_676 : vector<16xi1> to vector<16xi32>
      %sign3A_678 = arith.constant 0 : i32
      %sign3A_679 = vector.broadcast %sign3A_678 : i32 to vector<16xi32>
      %sign3A_680 = arith.cmpi slt, %add3A_670, %sign3A_679 : vector<16xi32>
      %sign3A_681 = arith.extui %sign3A_680 : vector<16xi1> to vector<16xi32>
      %sign3A_682 = arith.subi %sign3A_677, %sign3A_681 : vector<16xi32>
      %sign3A_683 = arith.constant 0 : i32
      %sign3A_684 = arith.cmpi sgt, %jit3A_671, %sign3A_683 : i32
      %sign3A_685 = arith.extui %sign3A_684 : i1 to i32
      %sign3A_686 = arith.constant 0 : i32
      %sign3A_687 = arith.cmpi slt, %jit3A_671, %sign3A_686 : i32
      %sign3A_688 = arith.extui %sign3A_687 : i1 to i32
      %sign3A_689 = arith.subi %sign3A_685, %sign3A_688 : i32
      %ne3A_690 = vector.broadcast %sign3A_689 : i32 to vector<16xi32>
      %ne3A_691 = arith.cmpi ne, %sign3A_682, %ne3A_690 : vector<16xi32>
      %rem3A_692 = vector.broadcast %jit3A_671 : i32 to vector<16xi32>
      %rem3A_693 = arith.remsi %add3A_670, %rem3A_692 : vector<16xi32>
      %ne3A_694 = arith.constant 0 : i32
      %ne3A_695 = vector.broadcast %ne3A_694 : i32 to vector<16xi32>
      %ne3A_696 = arith.cmpi ne, %rem3A_693, %ne3A_695 : vector<16xi32>
      %and3A_697 = arith.andi %ne3A_691, %ne3A_696 : vector<16xi1>
      %sub3A_698 = arith.constant 1 : i32
      %sub3A_699 = vector.broadcast %sub3A_698 : i32 to vector<16xi32>
      %sub3A_700 = arith.subi %div3A_673, %sub3A_699 : vector<16xi32>
      %select_n3A_701 = arith.select %and3A_697, %sub3A_700, %div3A_673 : vector<16xi1>, vector<16xi32>
      %jit3A_702 = arith.constant 128 : i32
      %eq3A_703 = arith.constant 0 : i32
      %eq3A_704 = arith.cmpi eq, %jit3A_702, %eq3A_703 : i32
      %jit3A_705 = arith.constant 1 : i32
      %select_n3A_706 = arith.select %eq3A_704, %jit3A_705, %jit3A_702 : i32
      %rem3A_707 = vector.broadcast %select_n3A_706 : i32 to vector<16xi32>
      %rem3A_708 = arith.remsi %add3A_670, %rem3A_707 : vector<16xi32>
      %ne3A_709 = arith.constant 0 : i32
      %ne3A_710 = vector.broadcast %ne3A_709 : i32 to vector<16xi32>
      %ne3A_711 = arith.cmpi ne, %rem3A_708, %ne3A_710 : vector<16xi32>
      %lt3A_712 = arith.constant 0 : i32
      %lt3A_713 = vector.broadcast %lt3A_712 : i32 to vector<16xi32>
      %lt3A_714 = arith.cmpi slt, %rem3A_708, %lt3A_713 : vector<16xi32>
      %lt3A_715 = arith.constant 0 : i32
      %lt3A_716 = arith.cmpi slt, %select_n3A_706, %lt3A_715 : i32
      %ne3A_717 = vector.broadcast %lt3A_716 : i1 to vector<16xi1>
      %ne3A_718 = vector.broadcast %ne3A_717 : vector<16xi1> to vector<16xi1>
      %ne3A_719 = arith.xori %lt3A_714, %ne3A_718 : vector<16xi1>
      %and3A_720 = arith.andi %ne3A_719, %ne3A_711 : vector<16xi1>
      %add3A_721 = vector.broadcast %select_n3A_706 : i32 to vector<16xi32>
      %add3A_722 = arith.addi %rem3A_708, %add3A_721 : vector<16xi32>
      %select_n3A_723 = arith.select %and3A_720, %add3A_722, %rem3A_708 : vector<16xi1>, vector<16xi32>
      %gather3A_724 = tpu.vector_load_idx %arg5[%select_n3A_701, %select_n3A_723] : memref<128x128xi32, #tpu.memory_space<vmem>>[vector<16xi32>, vector<16xi32>], vector<16xi32>,
      %mul3A_725 = arith.constant 16 : i32
      %mul3A_726 = arith.muli %scan3A_167, %mul3A_725 : i32
      %swap3A_727 = arith.constant 9 : i32
      %swap3A_728 = arith.index_cast %swap3A_727 : i32 to index
      %swap3A_729 = arith.index_cast %mul3A_726 : i32 to index
      %swap3A_730 = tpu.vector_load %arg6[%swap3A_728, %swap3A_729] {strides = array<i32>} : memref<32x512xi32, #tpu.memory_space<vmem>>, vector<16xi32>,
      tpu.vector_store %arg6[%swap3A_728, %swap3A_729], %gather3A_724 {strides = array<i32>} : memref<32x512xi32, #tpu.memory_space<vmem>>, vector<16xi32>,
      %add3A_731 = arith.constant 10 : i32
      %add3A_732 = vector.broadcast %add3A_731 : i32 to vector<16xi32>
      %add3A_733 = arith.addi %mul3A_175, %add3A_732 : vector<16xi32>
      %jit3A_734 = arith.constant 128 : i32
      %div3A_735 = vector.broadcast %jit3A_734 : i32 to vector<16xi32>
      %div3A_736 = arith.divsi %add3A_733, %div3A_735 : vector<16xi32>
      %sign3A_737 = arith.constant 0 : i32
      %sign3A_738 = vector.broadcast %sign3A_737 : i32 to vector<16xi32>
      %sign3A_739 = arith.cmpi sgt, %add3A_733, %sign3A_738 : vector<16xi32>
      %sign3A_740 = arith.extui %sign3A_739 : vector<16xi1> to vector<16xi32>
      %sign3A_741 = arith.constant 0 : i32
      %sign3A_742 = vector.broadcast %sign3A_741 : i32 to vector<16xi32>
      %sign3A_743 = arith.cmpi slt, %add3A_733, %sign3A_742 : vector<16xi32>
      %sign3A_744 = arith.extui %sign3A_743 : vector<16xi1> to vector<16xi32>
      %sign3A_745 = arith.subi %sign3A_740, %sign3A_744 : vector<16xi32>
      %sign3A_746 = arith.constant 0 : i32
      %sign3A_747 = arith.cmpi sgt, %jit3A_734, %sign3A_746 : i32
      %sign3A_748 = arith.extui %sign3A_747 : i1 to i32
      %sign3A_749 = arith.constant 0 : i32
      %sign3A_750 = arith.cmpi slt, %jit3A_734, %sign3A_749 : i32
      %sign3A_751 = arith.extui %sign3A_750 : i1 to i32
      %sign3A_752 = arith.subi %sign3A_748, %sign3A_751 : i32
      %ne3A_753 = vector.broadcast %sign3A_752 : i32 to vector<16xi32>
      %ne3A_754 = arith.cmpi ne, %sign3A_745, %ne3A_753 : vector<16xi32>
      %rem3A_755 = vector.broadcast %jit3A_734 : i32 to vector<16xi32>
      %rem3A_756 = arith.remsi %add3A_733, %rem3A_755 : vector<16xi32>
      %ne3A_757 = arith.constant 0 : i32
      %ne3A_758 = vector.broadcast %ne3A_757 : i32 to vector<16xi32>
      %ne3A_759 = arith.cmpi ne, %rem3A_756, %ne3A_758 : vector<16xi32>
      %and3A_760 = arith.andi %ne3A_754, %ne3A_759 : vector<16xi1>
      %sub3A_761 = arith.constant 1 : i32
      %sub3A_762 = vector.broadcast %sub3A_761 : i32 to vector<16xi32>
      %sub3A_763 = arith.subi %div3A_736, %sub3A_762 : vector<16xi32>
      %select_n3A_764 = arith.select %and3A_760, %sub3A_763, %div3A_736 : vector<16xi1>, vector<16xi32>
      %jit3A_765 = arith.constant 128 : i32
      %eq3A_766 = arith.constant 0 : i32
      %eq3A_767 = arith.cmpi eq, %jit3A_765, %eq3A_766 : i32
      %jit3A_768 = arith.constant 1 : i32
      %select_n3A_769 = arith.select %eq3A_767, %jit3A_768, %jit3A_765 : i32
      %rem3A_770 = vector.broadcast %select_n3A_769 : i32 to vector<16xi32>
      %rem3A_771 = arith.remsi %add3A_733, %rem3A_770 : vector<16xi32>
      %ne3A_772 = arith.constant 0 : i32
      %ne3A_773 = vector.broadcast %ne3A_772 : i32 to vector<16xi32>
      %ne3A_774 = arith.cmpi ne, %rem3A_771, %ne3A_773 : vector<16xi32>
      %lt3A_775 = arith.constant 0 : i32
      %lt3A_776 = vector.broadcast %lt3A_775 : i32 to vector<16xi32>
      %lt3A_777 = arith.cmpi slt, %rem3A_771, %lt3A_776 : vector<16xi32>
      %lt3A_778 = arith.constant 0 : i32
      %lt3A_779 = arith.cmpi slt, %select_n3A_769, %lt3A_778 : i32
      %ne3A_780 = vector.broadcast %lt3A_779 : i1 to vector<16xi1>
      %ne3A_781 = vector.broadcast %ne3A_780 : vector<16xi1> to vector<16xi1>
      %ne3A_782 = arith.xori %lt3A_777, %ne3A_781 : vector<16xi1>
      %and3A_783 = arith.andi %ne3A_782, %ne3A_774 : vector<16xi1>
      %add3A_784 = vector.broadcast %select_n3A_769 : i32 to vector<16xi32>
      %add3A_785 = arith.addi %rem3A_771, %add3A_784 : vector<16xi32>
      %select_n3A_786 = arith.select %and3A_783, %add3A_785, %rem3A_771 : vector<16xi1>, vector<16xi32>
      %gather3A_787 = tpu.vector_load_idx %arg5[%select_n3A_764, %select_n3A_786] : memref<128x128xi32, #tpu.memory_space<vmem>>[vector<16xi32>, vector<16xi32>], vector<16xi32>,
      %mul3A_788 = arith.constant 16 : i32
      %mul3A_789 = arith.muli %scan3A_167, %mul3A_788 : i32
      %swap3A_790 = arith.constant 10 : i32
      %swap3A_791 = arith.index_cast %swap3A_790 : i32 to index
      %swap3A_792 = arith.index_cast %mul3A_789 : i32 to index
      %swap3A_793 = tpu.vector_load %arg6[%swap3A_791, %swap3A_792] {strides = array<i32>} : memref<32x512xi32, #tpu.memory_space<vmem>>, vector<16xi32>,
      tpu.vector_store %arg6[%swap3A_791, %swap3A_792], %gather3A_787 {strides = array<i32>} : memref<32x512xi32, #tpu.memory_space<vmem>>, vector<16xi32>,
      %add3A_794 = arith.constant 11 : i32
      %add3A_795 = vector.broadcast %add3A_794 : i32 to vector<16xi32>
      %add3A_796 = arith.addi %mul3A_175, %add3A_795 : vector<16xi32>
      %jit3A_797 = arith.constant 128 : i32
      %div3A_798 = vector.broadcast %jit3A_797 : i32 to vector<16xi32>
      %div3A_799 = arith.divsi %add3A_796, %div3A_798 : vector<16xi32>
      %sign3A_800 = arith.constant 0 : i32
      %sign3A_801 = vector.broadcast %sign3A_800 : i32 to vector<16xi32>
      %sign3A_802 = arith.cmpi sgt, %add3A_796, %sign3A_801 : vector<16xi32>
      %sign3A_803 = arith.extui %sign3A_802 : vector<16xi1> to vector<16xi32>
      %sign3A_804 = arith.constant 0 : i32
      %sign3A_805 = vector.broadcast %sign3A_804 : i32 to vector<16xi32>
      %sign3A_806 = arith.cmpi slt, %add3A_796, %sign3A_805 : vector<16xi32>
      %sign3A_807 = arith.extui %sign3A_806 : vector<16xi1> to vector<16xi32>
      %sign3A_808 = arith.subi %sign3A_803, %sign3A_807 : vector<16xi32>
      %sign3A_809 = arith.constant 0 : i32
      %sign3A_810 = arith.cmpi sgt, %jit3A_797, %sign3A_809 : i32
      %sign3A_811 = arith.extui %sign3A_810 : i1 to i32
      %sign3A_812 = arith.constant 0 : i32
      %sign3A_813 = arith.cmpi slt, %jit3A_797, %sign3A_812 : i32
      %sign3A_814 = arith.extui %sign3A_813 : i1 to i32
      %sign3A_815 = arith.subi %sign3A_811, %sign3A_814 : i32
      %ne3A_816 = vector.broadcast %sign3A_815 : i32 to vector<16xi32>
      %ne3A_817 = arith.cmpi ne, %sign3A_808, %ne3A_816 : vector<16xi32>
      %rem3A_818 = vector.broadcast %jit3A_797 : i32 to vector<16xi32>
      %rem3A_819 = arith.remsi %add3A_796, %rem3A_818 : vector<16xi32>
      %ne3A_820 = arith.constant 0 : i32
      %ne3A_821 = vector.broadcast %ne3A_820 : i32 to vector<16xi32>
      %ne3A_822 = arith.cmpi ne, %rem3A_819, %ne3A_821 : vector<16xi32>
      %and3A_823 = arith.andi %ne3A_817, %ne3A_822 : vector<16xi1>
      %sub3A_824 = arith.constant 1 : i32
      %sub3A_825 = vector.broadcast %sub3A_824 : i32 to vector<16xi32>
      %sub3A_826 = arith.subi %div3A_799, %sub3A_825 : vector<16xi32>
      %select_n3A_827 = arith.select %and3A_823, %sub3A_826, %div3A_799 : vector<16xi1>, vector<16xi32>
      %jit3A_828 = arith.constant 128 : i32
      %eq3A_829 = arith.constant 0 : i32
      %eq3A_830 = arith.cmpi eq, %jit3A_828, %eq3A_829 : i32
      %jit3A_831 = arith.constant 1 : i32
      %select_n3A_832 = arith.select %eq3A_830, %jit3A_831, %jit3A_828 : i32
      %rem3A_833 = vector.broadcast %select_n3A_832 : i32 to vector<16xi32>
      %rem3A_834 = arith.remsi %add3A_796, %rem3A_833 : vector<16xi32>
      %ne3A_835 = arith.constant 0 : i32
      %ne3A_836 = vector.broadcast %ne3A_835 : i32 to vector<16xi32>
      %ne3A_837 = arith.cmpi ne, %rem3A_834, %ne3A_836 : vector<16xi32>
      %lt3A_838 = arith.constant 0 : i32
      %lt3A_839 = vector.broadcast %lt3A_838 : i32 to vector<16xi32>
      %lt3A_840 = arith.cmpi slt, %rem3A_834, %lt3A_839 : vector<16xi32>
      %lt3A_841 = arith.constant 0 : i32
      %lt3A_842 = arith.cmpi slt, %select_n3A_832, %lt3A_841 : i32
      %ne3A_843 = vector.broadcast %lt3A_842 : i1 to vector<16xi1>
      %ne3A_844 = vector.broadcast %ne3A_843 : vector<16xi1> to vector<16xi1>
      %ne3A_845 = arith.xori %lt3A_840, %ne3A_844 : vector<16xi1>
      %and3A_846 = arith.andi %ne3A_845, %ne3A_837 : vector<16xi1>
      %add3A_847 = vector.broadcast %select_n3A_832 : i32 to vector<16xi32>
      %add3A_848 = arith.addi %rem3A_834, %add3A_847 : vector<16xi32>
      %select_n3A_849 = arith.select %and3A_846, %add3A_848, %rem3A_834 : vector<16xi1>, vector<16xi32>
      %gather3A_850 = tpu.vector_load_idx %arg5[%select_n3A_827, %select_n3A_849] : memref<128x128xi32, #tpu.memory_space<vmem>>[vector<16xi32>, vector<16xi32>], vector<16xi32>,
      %mul3A_851 = arith.constant 16 : i32
      %mul3A_852 = arith.muli %scan3A_167, %mul3A_851 : i32
      %swap3A_853 = arith.constant 11 : i32
      %swap3A_854 = arith.index_cast %swap3A_853 : i32 to index
      %swap3A_855 = arith.index_cast %mul3A_852 : i32 to index
      %swap3A_856 = tpu.vector_load %arg6[%swap3A_854, %swap3A_855] {strides = array<i32>} : memref<32x512xi32, #tpu.memory_space<vmem>>, vector<16xi32>,
      tpu.vector_store %arg6[%swap3A_854, %swap3A_855], %gather3A_850 {strides = array<i32>} : memref<32x512xi32, #tpu.memory_space<vmem>>, vector<16xi32>,
      %add3A_857 = arith.constant 12 : i32
      %add3A_858 = vector.broadcast %add3A_857 : i32 to vector<16xi32>
      %add3A_859 = arith.addi %mul3A_175, %add3A_858 : vector<16xi32>
      %jit3A_860 = arith.constant 128 : i32
      %div3A_861 = vector.broadcast %jit3A_860 : i32 to vector<16xi32>
      %div3A_862 = arith.divsi %add3A_859, %div3A_861 : vector<16xi32>
      %sign3A_863 = arith.constant 0 : i32
      %sign3A_864 = vector.broadcast %sign3A_863 : i32 to vector<16xi32>
      %sign3A_865 = arith.cmpi sgt, %add3A_859, %sign3A_864 : vector<16xi32>
      %sign3A_866 = arith.extui %sign3A_865 : vector<16xi1> to vector<16xi32>
      %sign3A_867 = arith.constant 0 : i32
      %sign3A_868 = vector.broadcast %sign3A_867 : i32 to vector<16xi32>
      %sign3A_869 = arith.cmpi slt, %add3A_859, %sign3A_868 : vector<16xi32>
      %sign3A_870 = arith.extui %sign3A_869 : vector<16xi1> to vector<16xi32>
      %sign3A_871 = arith.subi %sign3A_866, %sign3A_870 : vector<16xi32>
      %sign3A_872 = arith.constant 0 : i32
      %sign3A_873 = arith.cmpi sgt, %jit3A_860, %sign3A_872 : i32
      %sign3A_874 = arith.extui %sign3A_873 : i1 to i32
      %sign3A_875 = arith.constant 0 : i32
      %sign3A_876 = arith.cmpi slt, %jit3A_860, %sign3A_875 : i32
      %sign3A_877 = arith.extui %sign3A_876 : i1 to i32
      %sign3A_878 = arith.subi %sign3A_874, %sign3A_877 : i32
      %ne3A_879 = vector.broadcast %sign3A_878 : i32 to vector<16xi32>
      %ne3A_880 = arith.cmpi ne, %sign3A_871, %ne3A_879 : vector<16xi32>
      %rem3A_881 = vector.broadcast %jit3A_860 : i32 to vector<16xi32>
      %rem3A_882 = arith.remsi %add3A_859, %rem3A_881 : vector<16xi32>
      %ne3A_883 = arith.constant 0 : i32
      %ne3A_884 = vector.broadcast %ne3A_883 : i32 to vector<16xi32>
      %ne3A_885 = arith.cmpi ne, %rem3A_882, %ne3A_884 : vector<16xi32>
      %and3A_886 = arith.andi %ne3A_880, %ne3A_885 : vector<16xi1>
      %sub3A_887 = arith.constant 1 : i32
      %sub3A_888 = vector.broadcast %sub3A_887 : i32 to vector<16xi32>
      %sub3A_889 = arith.subi %div3A_862, %sub3A_888 : vector<16xi32>
      %select_n3A_890 = arith.select %and3A_886, %sub3A_889, %div3A_862 : vector<16xi1>, vector<16xi32>
      %jit3A_891 = arith.constant 128 : i32
      %eq3A_892 = arith.constant 0 : i32
      %eq3A_893 = arith.cmpi eq, %jit3A_891, %eq3A_892 : i32
      %jit3A_894 = arith.constant 1 : i32
      %select_n3A_895 = arith.select %eq3A_893, %jit3A_894, %jit3A_891 : i32
      %rem3A_896 = vector.broadcast %select_n3A_895 : i32 to vector<16xi32>
      %rem3A_897 = arith.remsi %add3A_859, %rem3A_896 : vector<16xi32>
      %ne3A_898 = arith.constant 0 : i32
      %ne3A_899 = vector.broadcast %ne3A_898 : i32 to vector<16xi32>
      %ne3A_900 = arith.cmpi ne, %rem3A_897, %ne3A_899 : vector<16xi32>
      %lt3A_901 = arith.constant 0 : i32
      %lt3A_902 = vector.broadcast %lt3A_901 : i32 to vector<16xi32>
      %lt3A_903 = arith.cmpi slt, %rem3A_897, %lt3A_902 : vector<16xi32>
      %lt3A_904 = arith.constant 0 : i32
      %lt3A_905 = arith.cmpi slt, %select_n3A_895, %lt3A_904 : i32
      %ne3A_906 = vector.broadcast %lt3A_905 : i1 to vector<16xi1>
      %ne3A_907 = vector.broadcast %ne3A_906 : vector<16xi1> to vector<16xi1>
      %ne3A_908 = arith.xori %lt3A_903, %ne3A_907 : vector<16xi1>
      %and3A_909 = arith.andi %ne3A_908, %ne3A_900 : vector<16xi1>
      %add3A_910 = vector.broadcast %select_n3A_895 : i32 to vector<16xi32>
      %add3A_911 = arith.addi %rem3A_897, %add3A_910 : vector<16xi32>
      %select_n3A_912 = arith.select %and3A_909, %add3A_911, %rem3A_897 : vector<16xi1>, vector<16xi32>
      %gather3A_913 = tpu.vector_load_idx %arg5[%select_n3A_890, %select_n3A_912] : memref<128x128xi32, #tpu.memory_space<vmem>>[vector<16xi32>, vector<16xi32>], vector<16xi32>,
      %mul3A_914 = arith.constant 16 : i32
      %mul3A_915 = arith.muli %scan3A_167, %mul3A_914 : i32
      %swap3A_916 = arith.constant 12 : i32
      %swap3A_917 = arith.index_cast %swap3A_916 : i32 to index
      %swap3A_918 = arith.index_cast %mul3A_915 : i32 to index
      %swap3A_919 = tpu.vector_load %arg6[%swap3A_917, %swap3A_918] {strides = array<i32>} : memref<32x512xi32, #tpu.memory_space<vmem>>, vector<16xi32>,
      tpu.vector_store %arg6[%swap3A_917, %swap3A_918], %gather3A_913 {strides = array<i32>} : memref<32x512xi32, #tpu.memory_space<vmem>>, vector<16xi32>,
      %add3A_920 = arith.constant 13 : i32
      %add3A_921 = vector.broadcast %add3A_920 : i32 to vector<16xi32>
      %add3A_922 = arith.addi %mul3A_175, %add3A_921 : vector<16xi32>
      %jit3A_923 = arith.constant 128 : i32
      %div3A_924 = vector.broadcast %jit3A_923 : i32 to vector<16xi32>
      %div3A_925 = arith.divsi %add3A_922, %div3A_924 : vector<16xi32>
      %sign3A_926 = arith.constant 0 : i32
      %sign3A_927 = vector.broadcast %sign3A_926 : i32 to vector<16xi32>
      %sign3A_928 = arith.cmpi sgt, %add3A_922, %sign3A_927 : vector<16xi32>
      %sign3A_929 = arith.extui %sign3A_928 : vector<16xi1> to vector<16xi32>
      %sign3A_930 = arith.constant 0 : i32
      %sign3A_931 = vector.broadcast %sign3A_930 : i32 to vector<16xi32>
      %sign3A_932 = arith.cmpi slt, %add3A_922, %sign3A_931 : vector<16xi32>
      %sign3A_933 = arith.extui %sign3A_932 : vector<16xi1> to vector<16xi32>
      %sign3A_934 = arith.subi %sign3A_929, %sign3A_933 : vector<16xi32>
      %sign3A_935 = arith.constant 0 : i32
      %sign3A_936 = arith.cmpi sgt, %jit3A_923, %sign3A_935 : i32
      %sign3A_937 = arith.extui %sign3A_936 : i1 to i32
      %sign3A_938 = arith.constant 0 : i32
      %sign3A_939 = arith.cmpi slt, %jit3A_923, %sign3A_938 : i32
      %sign3A_940 = arith.extui %sign3A_939 : i1 to i32
      %sign3A_941 = arith.subi %sign3A_937, %sign3A_940 : i32
      %ne3A_942 = vector.broadcast %sign3A_941 : i32 to vector<16xi32>
      %ne3A_943 = arith.cmpi ne, %sign3A_934, %ne3A_942 : vector<16xi32>
      %rem3A_944 = vector.broadcast %jit3A_923 : i32 to vector<16xi32>
      %rem3A_945 = arith.remsi %add3A_922, %rem3A_944 : vector<16xi32>
      %ne3A_946 = arith.constant 0 : i32
      %ne3A_947 = vector.broadcast %ne3A_946 : i32 to vector<16xi32>
      %ne3A_948 = arith.cmpi ne, %rem3A_945, %ne3A_947 : vector<16xi32>
      %and3A_949 = arith.andi %ne3A_943, %ne3A_948 : vector<16xi1>
      %sub3A_950 = arith.constant 1 : i32
      %sub3A_951 = vector.broadcast %sub3A_950 : i32 to vector<16xi32>
      %sub3A_952 = arith.subi %div3A_925, %sub3A_951 : vector<16xi32>
      %select_n3A_953 = arith.select %and3A_949, %sub3A_952, %div3A_925 : vector<16xi1>, vector<16xi32>
      %jit3A_954 = arith.constant 128 : i32
      %eq3A_955 = arith.constant 0 : i32
      %eq3A_956 = arith.cmpi eq, %jit3A_954, %eq3A_955 : i32
      %jit3A_957 = arith.constant 1 : i32
      %select_n3A_958 = arith.select %eq3A_956, %jit3A_957, %jit3A_954 : i32
      %rem3A_959 = vector.broadcast %select_n3A_958 : i32 to vector<16xi32>
      %rem3A_960 = arith.remsi %add3A_922, %rem3A_959 : vector<16xi32>
      %ne3A_961 = arith.constant 0 : i32
      %ne3A_962 = vector.broadcast %ne3A_961 : i32 to vector<16xi32>
      %ne3A_963 = arith.cmpi ne, %rem3A_960, %ne3A_962 : vector<16xi32>
      %lt3A_964 = arith.constant 0 : i32
      %lt3A_965 = vector.broadcast %lt3A_964 : i32 to vector<16xi32>
      %lt3A_966 = arith.cmpi slt, %rem3A_960, %lt3A_965 : vector<16xi32>
      %lt3A_967 = arith.constant 0 : i32
      %lt3A_968 = arith.cmpi slt, %select_n3A_958, %lt3A_967 : i32
      %ne3A_969 = vector.broadcast %lt3A_968 : i1 to vector<16xi1>
      %ne3A_970 = vector.broadcast %ne3A_969 : vector<16xi1> to vector<16xi1>
      %ne3A_971 = arith.xori %lt3A_966, %ne3A_970 : vector<16xi1>
      %and3A_972 = arith.andi %ne3A_971, %ne3A_963 : vector<16xi1>
      %add3A_973 = vector.broadcast %select_n3A_958 : i32 to vector<16xi32>
      %add3A_974 = arith.addi %rem3A_960, %add3A_973 : vector<16xi32>
      %select_n3A_975 = arith.select %and3A_972, %add3A_974, %rem3A_960 : vector<16xi1>, vector<16xi32>
      %gather3A_976 = tpu.vector_load_idx %arg5[%select_n3A_953, %select_n3A_975] : memref<128x128xi32, #tpu.memory_space<vmem>>[vector<16xi32>, vector<16xi32>], vector<16xi32>,
      %mul3A_977 = arith.constant 16 : i32
      %mul3A_978 = arith.muli %scan3A_167, %mul3A_977 : i32
      %swap3A_979 = arith.constant 13 : i32
      %swap3A_980 = arith.index_cast %swap3A_979 : i32 to index
      %swap3A_981 = arith.index_cast %mul3A_978 : i32 to index
      %swap3A_982 = tpu.vector_load %arg6[%swap3A_980, %swap3A_981] {strides = array<i32>} : memref<32x512xi32, #tpu.memory_space<vmem>>, vector<16xi32>,
      tpu.vector_store %arg6[%swap3A_980, %swap3A_981], %gather3A_976 {strides = array<i32>} : memref<32x512xi32, #tpu.memory_space<vmem>>, vector<16xi32>,
      %add3A_983 = arith.constant 14 : i32
      %add3A_984 = vector.broadcast %add3A_983 : i32 to vector<16xi32>
      %add3A_985 = arith.addi %mul3A_175, %add3A_984 : vector<16xi32>
      %jit3A_986 = arith.constant 128 : i32
      %div3A_987 = vector.broadcast %jit3A_986 : i32 to vector<16xi32>
      %div3A_988 = arith.divsi %add3A_985, %div3A_987 : vector<16xi32>
      %sign3A_989 = arith.constant 0 : i32
      %sign3A_990 = vector.broadcast %sign3A_989 : i32 to vector<16xi32>
      %sign3A_991 = arith.cmpi sgt, %add3A_985, %sign3A_990 : vector<16xi32>
      %sign3A_992 = arith.extui %sign3A_991 : vector<16xi1> to vector<16xi32>
      %sign3A_993 = arith.constant 0 : i32
      %sign3A_994 = vector.broadcast %sign3A_993 : i32 to vector<16xi32>
      %sign3A_995 = arith.cmpi slt, %add3A_985, %sign3A_994 : vector<16xi32>
      %sign3A_996 = arith.extui %sign3A_995 : vector<16xi1> to vector<16xi32>
      %sign3A_997 = arith.subi %sign3A_992, %sign3A_996 : vector<16xi32>
      %sign3A_998 = arith.constant 0 : i32
      %sign3A_999 = arith.cmpi sgt, %jit3A_986, %sign3A_998 : i32
      %sign3A_1000 = arith.extui %sign3A_999 : i1 to i32
      %sign3A_1001 = arith.constant 0 : i32
      %sign3A_1002 = arith.cmpi slt, %jit3A_986, %sign3A_1001 : i32
      %sign3A_1003 = arith.extui %sign3A_1002 : i1 to i32
      %sign3A_1004 = arith.subi %sign3A_1000, %sign3A_1003 : i32
      %ne3A_1005 = vector.broadcast %sign3A_1004 : i32 to vector<16xi32>
      %ne3A_1006 = arith.cmpi ne, %sign3A_997, %ne3A_1005 : vector<16xi32>
      %rem3A_1007 = vector.broadcast %jit3A_986 : i32 to vector<16xi32>
      %rem3A_1008 = arith.remsi %add3A_985, %rem3A_1007 : vector<16xi32>
      %ne3A_1009 = arith.constant 0 : i32
      %ne3A_1010 = vector.broadcast %ne3A_1009 : i32 to vector<16xi32>
      %ne3A_1011 = arith.cmpi ne, %rem3A_1008, %ne3A_1010 : vector<16xi32>
      %and3A_1012 = arith.andi %ne3A_1006, %ne3A_1011 : vector<16xi1>
      %sub3A_1013 = arith.constant 1 : i32
      %sub3A_1014 = vector.broadcast %sub3A_1013 : i32 to vector<16xi32>
      %sub3A_1015 = arith.subi %div3A_988, %sub3A_1014 : vector<16xi32>
      %select_n3A_1016 = arith.select %and3A_1012, %sub3A_1015, %div3A_988 : vector<16xi1>, vector<16xi32>
      %jit3A_1017 = arith.constant 128 : i32
      %eq3A_1018 = arith.constant 0 : i32
      %eq3A_1019 = arith.cmpi eq, %jit3A_1017, %eq3A_1018 : i32
      %jit3A_1020 = arith.constant 1 : i32
      %select_n3A_1021 = arith.select %eq3A_1019, %jit3A_1020, %jit3A_1017 : i32
      %rem3A_1022 = vector.broadcast %select_n3A_1021 : i32 to vector<16xi32>
      %rem3A_1023 = arith.remsi %add3A_985, %rem3A_1022 : vector<16xi32>
      %ne3A_1024 = arith.constant 0 : i32
      %ne3A_1025 = vector.broadcast %ne3A_1024 : i32 to vector<16xi32>
      %ne3A_1026 = arith.cmpi ne, %rem3A_1023, %ne3A_1025 : vector<16xi32>
      %lt3A_1027 = arith.constant 0 : i32
      %lt3A_1028 = vector.broadcast %lt3A_1027 : i32 to vector<16xi32>
      %lt3A_1029 = arith.cmpi slt, %rem3A_1023, %lt3A_1028 : vector<16xi32>
      %lt3A_1030 = arith.constant 0 : i32
      %lt3A_1031 = arith.cmpi slt, %select_n3A_1021, %lt3A_1030 : i32
      %ne3A_1032 = vector.broadcast %lt3A_1031 : i1 to vector<16xi1>
      %ne3A_1033 = vector.broadcast %ne3A_1032 : vector<16xi1> to vector<16xi1>
      %ne3A_1034 = arith.xori %lt3A_1029, %ne3A_1033 : vector<16xi1>
      %and3A_1035 = arith.andi %ne3A_1034, %ne3A_1026 : vector<16xi1>
      %add3A_1036 = vector.broadcast %select_n3A_1021 : i32 to vector<16xi32>
      %add3A_1037 = arith.addi %rem3A_1023, %add3A_1036 : vector<16xi32>
      %select_n3A_1038 = arith.select %and3A_1035, %add3A_1037, %rem3A_1023 : vector<16xi1>, vector<16xi32>
      %gather3A_1039 = tpu.vector_load_idx %arg5[%select_n3A_1016, %select_n3A_1038] : memref<128x128xi32, #tpu.memory_space<vmem>>[vector<16xi32>, vector<16xi32>], vector<16xi32>,
      %mul3A_1040 = arith.constant 16 : i32
      %mul3A_1041 = arith.muli %scan3A_167, %mul3A_1040 : i32
      %swap3A_1042 = arith.constant 14 : i32
      %swap3A_1043 = arith.index_cast %swap3A_1042 : i32 to index
      %swap3A_1044 = arith.index_cast %mul3A_1041 : i32 to index
      %swap3A_1045 = tpu.vector_load %arg6[%swap3A_1043, %swap3A_1044] {strides = array<i32>} : memref<32x512xi32, #tpu.memory_space<vmem>>, vector<16xi32>,
      tpu.vector_store %arg6[%swap3A_1043, %swap3A_1044], %gather3A_1039 {strides = array<i32>} : memref<32x512xi32, #tpu.memory_space<vmem>>, vector<16xi32>,
      %add3A_1046 = arith.constant 15 : i32
      %add3A_1047 = vector.broadcast %add3A_1046 : i32 to vector<16xi32>
      %add3A_1048 = arith.addi %mul3A_175, %add3A_1047 : vector<16xi32>
      %jit3A_1049 = arith.constant 128 : i32
      %div3A_1050 = vector.broadcast %jit3A_1049 : i32 to vector<16xi32>
      %div3A_1051 = arith.divsi %add3A_1048, %div3A_1050 : vector<16xi32>
      %sign3A_1052 = arith.constant 0 : i32
      %sign3A_1053 = vector.broadcast %sign3A_1052 : i32 to vector<16xi32>
      %sign3A_1054 = arith.cmpi sgt, %add3A_1048, %sign3A_1053 : vector<16xi32>
      %sign3A_1055 = arith.extui %sign3A_1054 : vector<16xi1> to vector<16xi32>
      %sign3A_1056 = arith.constant 0 : i32
      %sign3A_1057 = vector.broadcast %sign3A_1056 : i32 to vector<16xi32>
      %sign3A_1058 = arith.cmpi slt, %add3A_1048, %sign3A_1057 : vector<16xi32>
      %sign3A_1059 = arith.extui %sign3A_1058 : vector<16xi1> to vector<16xi32>
      %sign3A_1060 = arith.subi %sign3A_1055, %sign3A_1059 : vector<16xi32>
      %sign3A_1061 = arith.constant 0 : i32
      %sign3A_1062 = arith.cmpi sgt, %jit3A_1049, %sign3A_1061 : i32
      %sign3A_1063 = arith.extui %sign3A_1062 : i1 to i32
      %sign3A_1064 = arith.constant 0 : i32
      %sign3A_1065 = arith.cmpi slt, %jit3A_1049, %sign3A_1064 : i32
      %sign3A_1066 = arith.extui %sign3A_1065 : i1 to i32
      %sign3A_1067 = arith.subi %sign3A_1063, %sign3A_1066 : i32
      %ne3A_1068 = vector.broadcast %sign3A_1067 : i32 to vector<16xi32>
      %ne3A_1069 = arith.cmpi ne, %sign3A_1060, %ne3A_1068 : vector<16xi32>
      %rem3A_1070 = vector.broadcast %jit3A_1049 : i32 to vector<16xi32>
      %rem3A_1071 = arith.remsi %add3A_1048, %rem3A_1070 : vector<16xi32>
      %ne3A_1072 = arith.constant 0 : i32
      %ne3A_1073 = vector.broadcast %ne3A_1072 : i32 to vector<16xi32>
      %ne3A_1074 = arith.cmpi ne, %rem3A_1071, %ne3A_1073 : vector<16xi32>
      %and3A_1075 = arith.andi %ne3A_1069, %ne3A_1074 : vector<16xi1>
      %sub3A_1076 = arith.constant 1 : i32
      %sub3A_1077 = vector.broadcast %sub3A_1076 : i32 to vector<16xi32>
      %sub3A_1078 = arith.subi %div3A_1051, %sub3A_1077 : vector<16xi32>
      %select_n3A_1079 = arith.select %and3A_1075, %sub3A_1078, %div3A_1051 : vector<16xi1>, vector<16xi32>
      %jit3A_1080 = arith.constant 128 : i32
      %eq3A_1081 = arith.constant 0 : i32
      %eq3A_1082 = arith.cmpi eq, %jit3A_1080, %eq3A_1081 : i32
      %jit3A_1083 = arith.constant 1 : i32
      %select_n3A_1084 = arith.select %eq3A_1082, %jit3A_1083, %jit3A_1080 : i32
      %rem3A_1085 = vector.broadcast %select_n3A_1084 : i32 to vector<16xi32>
      %rem3A_1086 = arith.remsi %add3A_1048, %rem3A_1085 : vector<16xi32>
      %ne3A_1087 = arith.constant 0 : i32
      %ne3A_1088 = vector.broadcast %ne3A_1087 : i32 to vector<16xi32>
      %ne3A_1089 = arith.cmpi ne, %rem3A_1086, %ne3A_1088 : vector<16xi32>
      %lt3A_1090 = arith.constant 0 : i32
      %lt3A_1091 = vector.broadcast %lt3A_1090 : i32 to vector<16xi32>
      %lt3A_1092 = arith.cmpi slt, %rem3A_1086, %lt3A_1091 : vector<16xi32>
      %lt3A_1093 = arith.constant 0 : i32
      %lt3A_1094 = arith.cmpi slt, %select_n3A_1084, %lt3A_1093 : i32
      %ne3A_1095 = vector.broadcast %lt3A_1094 : i1 to vector<16xi1>
      %ne3A_1096 = vector.broadcast %ne3A_1095 : vector<16xi1> to vector<16xi1>
      %ne3A_1097 = arith.xori %lt3A_1092, %ne3A_1096 : vector<16xi1>
      %and3A_1098 = arith.andi %ne3A_1097, %ne3A_1089 : vector<16xi1>
      %add3A_1099 = vector.broadcast %select_n3A_1084 : i32 to vector<16xi32>
      %add3A_1100 = arith.addi %rem3A_1086, %add3A_1099 : vector<16xi32>
      %select_n3A_1101 = arith.select %and3A_1098, %add3A_1100, %rem3A_1086 : vector<16xi1>, vector<16xi32>
      %gather3A_1102 = tpu.vector_load_idx %arg5[%select_n3A_1079, %select_n3A_1101] : memref<128x128xi32, #tpu.memory_space<vmem>>[vector<16xi32>, vector<16xi32>], vector<16xi32>,
      %mul3A_1103 = arith.constant 16 : i32
      %mul3A_1104 = arith.muli %scan3A_167, %mul3A_1103 : i32
      %swap3A_1105 = arith.constant 15 : i32
      %swap3A_1106 = arith.index_cast %swap3A_1105 : i32 to index
      %swap3A_1107 = arith.index_cast %mul3A_1104 : i32 to index
      %swap3A_1108 = tpu.vector_load %arg6[%swap3A_1106, %swap3A_1107] {strides = array<i32>} : memref<32x512xi32, #tpu.memory_space<vmem>>, vector<16xi32>,
      tpu.vector_store %arg6[%swap3A_1106, %swap3A_1107], %gather3A_1102 {strides = array<i32>} : memref<32x512xi32, #tpu.memory_space<vmem>>, vector<16xi32>,
      %add3A_1109 = arith.constant 16 : i32
      %add3A_1110 = vector.broadcast %add3A_1109 : i32 to vector<16xi32>
      %add3A_1111 = arith.addi %mul3A_175, %add3A_1110 : vector<16xi32>
      %jit3A_1112 = arith.constant 128 : i32
      %div3A_1113 = vector.broadcast %jit3A_1112 : i32 to vector<16xi32>
      %div3A_1114 = arith.divsi %add3A_1111, %div3A_1113 : vector<16xi32>
      %sign3A_1115 = arith.constant 0 : i32
      %sign3A_1116 = vector.broadcast %sign3A_1115 : i32 to vector<16xi32>
      %sign3A_1117 = arith.cmpi sgt, %add3A_1111, %sign3A_1116 : vector<16xi32>
      %sign3A_1118 = arith.extui %sign3A_1117 : vector<16xi1> to vector<16xi32>
      %sign3A_1119 = arith.constant 0 : i32
      %sign3A_1120 = vector.broadcast %sign3A_1119 : i32 to vector<16xi32>
      %sign3A_1121 = arith.cmpi slt, %add3A_1111, %sign3A_1120 : vector<16xi32>
      %sign3A_1122 = arith.extui %sign3A_1121 : vector<16xi1> to vector<16xi32>
      %sign3A_1123 = arith.subi %sign3A_1118, %sign3A_1122 : vector<16xi32>
      %sign3A_1124 = arith.constant 0 : i32
      %sign3A_1125 = arith.cmpi sgt, %jit3A_1112, %sign3A_1124 : i32
      %sign3A_1126 = arith.extui %sign3A_1125 : i1 to i32
      %sign3A_1127 = arith.constant 0 : i32
      %sign3A_1128 = arith.cmpi slt, %jit3A_1112, %sign3A_1127 : i32
      %sign3A_1129 = arith.extui %sign3A_1128 : i1 to i32
      %sign3A_1130 = arith.subi %sign3A_1126, %sign3A_1129 : i32
      %ne3A_1131 = vector.broadcast %sign3A_1130 : i32 to vector<16xi32>
      %ne3A_1132 = arith.cmpi ne, %sign3A_1123, %ne3A_1131 : vector<16xi32>
      %rem3A_1133 = vector.broadcast %jit3A_1112 : i32 to vector<16xi32>
      %rem3A_1134 = arith.remsi %add3A_1111, %rem3A_1133 : vector<16xi32>
      %ne3A_1135 = arith.constant 0 : i32
      %ne3A_1136 = vector.broadcast %ne3A_1135 : i32 to vector<16xi32>
      %ne3A_1137 = arith.cmpi ne, %rem3A_1134, %ne3A_1136 : vector<16xi32>
      %and3A_1138 = arith.andi %ne3A_1132, %ne3A_1137 : vector<16xi1>
      %sub3A_1139 = arith.constant 1 : i32
      %sub3A_1140 = vector.broadcast %sub3A_1139 : i32 to vector<16xi32>
      %sub3A_1141 = arith.subi %div3A_1114, %sub3A_1140 : vector<16xi32>
      %select_n3A_1142 = arith.select %and3A_1138, %sub3A_1141, %div3A_1114 : vector<16xi1>, vector<16xi32>
      %jit3A_1143 = arith.constant 128 : i32
      %eq3A_1144 = arith.constant 0 : i32
      %eq3A_1145 = arith.cmpi eq, %jit3A_1143, %eq3A_1144 : i32
      %jit3A_1146 = arith.constant 1 : i32
      %select_n3A_1147 = arith.select %eq3A_1145, %jit3A_1146, %jit3A_1143 : i32
      %rem3A_1148 = vector.broadcast %select_n3A_1147 : i32 to vector<16xi32>
      %rem3A_1149 = arith.remsi %add3A_1111, %rem3A_1148 : vector<16xi32>
      %ne3A_1150 = arith.constant 0 : i32
      %ne3A_1151 = vector.broadcast %ne3A_1150 : i32 to vector<16xi32>
      %ne3A_1152 = arith.cmpi ne, %rem3A_1149, %ne3A_1151 : vector<16xi32>
      %lt3A_1153 = arith.constant 0 : i32
      %lt3A_1154 = vector.broadcast %lt3A_1153 : i32 to vector<16xi32>
      %lt3A_1155 = arith.cmpi slt, %rem3A_1149, %lt3A_1154 : vector<16xi32>
      %lt3A_1156 = arith.constant 0 : i32
      %lt3A_1157 = arith.cmpi slt, %select_n3A_1147, %lt3A_1156 : i32
      %ne3A_1158 = vector.broadcast %lt3A_1157 : i1 to vector<16xi1>
      %ne3A_1159 = vector.broadcast %ne3A_1158 : vector<16xi1> to vector<16xi1>
      %ne3A_1160 = arith.xori %lt3A_1155, %ne3A_1159 : vector<16xi1>
      %and3A_1161 = arith.andi %ne3A_1160, %ne3A_1152 : vector<16xi1>
      %add3A_1162 = vector.broadcast %select_n3A_1147 : i32 to vector<16xi32>
      %add3A_1163 = arith.addi %rem3A_1149, %add3A_1162 : vector<16xi32>
      %select_n3A_1164 = arith.select %and3A_1161, %add3A_1163, %rem3A_1149 : vector<16xi1>, vector<16xi32>
      %gather3A_1165 = tpu.vector_load_idx %arg5[%select_n3A_1142, %select_n3A_1164] : memref<128x128xi32, #tpu.memory_space<vmem>>[vector<16xi32>, vector<16xi32>], vector<16xi32>,
      %mul3A_1166 = arith.constant 16 : i32
      %mul3A_1167 = arith.muli %scan3A_167, %mul3A_1166 : i32
      %swap3A_1168 = arith.constant 16 : i32
      %swap3A_1169 = arith.index_cast %swap3A_1168 : i32 to index
      %swap3A_1170 = arith.index_cast %mul3A_1167 : i32 to index
      %swap3A_1171 = tpu.vector_load %arg6[%swap3A_1169, %swap3A_1170] {strides = array<i32>} : memref<32x512xi32, #tpu.memory_space<vmem>>, vector<16xi32>,
      tpu.vector_store %arg6[%swap3A_1169, %swap3A_1170], %gather3A_1165 {strides = array<i32>} : memref<32x512xi32, #tpu.memory_space<vmem>>, vector<16xi32>,
      %add3A_1172 = arith.constant 17 : i32
      %add3A_1173 = vector.broadcast %add3A_1172 : i32 to vector<16xi32>
      %add3A_1174 = arith.addi %mul3A_175, %add3A_1173 : vector<16xi32>
      %jit3A_1175 = arith.constant 128 : i32
      %div3A_1176 = vector.broadcast %jit3A_1175 : i32 to vector<16xi32>
      %div3A_1177 = arith.divsi %add3A_1174, %div3A_1176 : vector<16xi32>
      %sign3A_1178 = arith.constant 0 : i32
      %sign3A_1179 = vector.broadcast %sign3A_1178 : i32 to vector<16xi32>
      %sign3A_1180 = arith.cmpi sgt, %add3A_1174, %sign3A_1179 : vector<16xi32>
      %sign3A_1181 = arith.extui %sign3A_1180 : vector<16xi1> to vector<16xi32>
      %sign3A_1182 = arith.constant 0 : i32
      %sign3A_1183 = vector.broadcast %sign3A_1182 : i32 to vector<16xi32>
      %sign3A_1184 = arith.cmpi slt, %add3A_1174, %sign3A_1183 : vector<16xi32>
      %sign3A_1185 = arith.extui %sign3A_1184 : vector<16xi1> to vector<16xi32>
      %sign3A_1186 = arith.subi %sign3A_1181, %sign3A_1185 : vector<16xi32>
      %sign3A_1187 = arith.constant 0 : i32
      %sign3A_1188 = arith.cmpi sgt, %jit3A_1175, %sign3A_1187 : i32
      %sign3A_1189 = arith.extui %sign3A_1188 : i1 to i32
      %sign3A_1190 = arith.constant 0 : i32
      %sign3A_1191 = arith.cmpi slt, %jit3A_1175, %sign3A_1190 : i32
      %sign3A_1192 = arith.extui %sign3A_1191 : i1 to i32
      %sign3A_1193 = arith.subi %sign3A_1189, %sign3A_1192 : i32
      %ne3A_1194 = vector.broadcast %sign3A_1193 : i32 to vector<16xi32>
      %ne3A_1195 = arith.cmpi ne, %sign3A_1186, %ne3A_1194 : vector<16xi32>
      %rem3A_1196 = vector.broadcast %jit3A_1175 : i32 to vector<16xi32>
      %rem3A_1197 = arith.remsi %add3A_1174, %rem3A_1196 : vector<16xi32>
      %ne3A_1198 = arith.constant 0 : i32
      %ne3A_1199 = vector.broadcast %ne3A_1198 : i32 to vector<16xi32>
      %ne3A_1200 = arith.cmpi ne, %rem3A_1197, %ne3A_1199 : vector<16xi32>
      %and3A_1201 = arith.andi %ne3A_1195, %ne3A_1200 : vector<16xi1>
      %sub3A_1202 = arith.constant 1 : i32
      %sub3A_1203 = vector.broadcast %sub3A_1202 : i32 to vector<16xi32>
      %sub3A_1204 = arith.subi %div3A_1177, %sub3A_1203 : vector<16xi32>
      %select_n3A_1205 = arith.select %and3A_1201, %sub3A_1204, %div3A_1177 : vector<16xi1>, vector<16xi32>
      %jit3A_1206 = arith.constant 128 : i32
      %eq3A_1207 = arith.constant 0 : i32
      %eq3A_1208 = arith.cmpi eq, %jit3A_1206, %eq3A_1207 : i32
      %jit3A_1209 = arith.constant 1 : i32
      %select_n3A_1210 = arith.select %eq3A_1208, %jit3A_1209, %jit3A_1206 : i32
      %rem3A_1211 = vector.broadcast %select_n3A_1210 : i32 to vector<16xi32>
      %rem3A_1212 = arith.remsi %add3A_1174, %rem3A_1211 : vector<16xi32>
      %ne3A_1213 = arith.constant 0 : i32
      %ne3A_1214 = vector.broadcast %ne3A_1213 : i32 to vector<16xi32>
      %ne3A_1215 = arith.cmpi ne, %rem3A_1212, %ne3A_1214 : vector<16xi32>
      %lt3A_1216 = arith.constant 0 : i32
      %lt3A_1217 = vector.broadcast %lt3A_1216 : i32 to vector<16xi32>
      %lt3A_1218 = arith.cmpi slt, %rem3A_1212, %lt3A_1217 : vector<16xi32>
      %lt3A_1219 = arith.constant 0 : i32
      %lt3A_1220 = arith.cmpi slt, %select_n3A_1210, %lt3A_1219 : i32
      %ne3A_1221 = vector.broadcast %lt3A_1220 : i1 to vector<16xi1>
      %ne3A_1222 = vector.broadcast %ne3A_1221 : vector<16xi1> to vector<16xi1>
      %ne3A_1223 = arith.xori %lt3A_1218, %ne3A_1222 : vector<16xi1>
      %and3A_1224 = arith.andi %ne3A_1223, %ne3A_1215 : vector<16xi1>
      %add3A_1225 = vector.broadcast %select_n3A_1210 : i32 to vector<16xi32>
      %add3A_1226 = arith.addi %rem3A_1212, %add3A_1225 : vector<16xi32>
      %select_n3A_1227 = arith.select %and3A_1224, %add3A_1226, %rem3A_1212 : vector<16xi1>, vector<16xi32>
      %gather3A_1228 = tpu.vector_load_idx %arg5[%select_n3A_1205, %select_n3A_1227] : memref<128x128xi32, #tpu.memory_space<vmem>>[vector<16xi32>, vector<16xi32>], vector<16xi32>,
      %mul3A_1229 = arith.constant 16 : i32
      %mul3A_1230 = arith.muli %scan3A_167, %mul3A_1229 : i32
      %swap3A_1231 = arith.constant 17 : i32
      %swap3A_1232 = arith.index_cast %swap3A_1231 : i32 to index
      %swap3A_1233 = arith.index_cast %mul3A_1230 : i32 to index
      %swap3A_1234 = tpu.vector_load %arg6[%swap3A_1232, %swap3A_1233] {strides = array<i32>} : memref<32x512xi32, #tpu.memory_space<vmem>>, vector<16xi32>,
      tpu.vector_store %arg6[%swap3A_1232, %swap3A_1233], %gather3A_1228 {strides = array<i32>} : memref<32x512xi32, #tpu.memory_space<vmem>>, vector<16xi32>,
      %add3A_1235 = arith.constant 18 : i32
      %add3A_1236 = vector.broadcast %add3A_1235 : i32 to vector<16xi32>
      %add3A_1237 = arith.addi %mul3A_175, %add3A_1236 : vector<16xi32>
      %jit3A_1238 = arith.constant 128 : i32
      %div3A_1239 = vector.broadcast %jit3A_1238 : i32 to vector<16xi32>
      %div3A_1240 = arith.divsi %add3A_1237, %div3A_1239 : vector<16xi32>
      %sign3A_1241 = arith.constant 0 : i32
      %sign3A_1242 = vector.broadcast %sign3A_1241 : i32 to vector<16xi32>
      %sign3A_1243 = arith.cmpi sgt, %add3A_1237, %sign3A_1242 : vector<16xi32>
      %sign3A_1244 = arith.extui %sign3A_1243 : vector<16xi1> to vector<16xi32>
      %sign3A_1245 = arith.constant 0 : i32
      %sign3A_1246 = vector.broadcast %sign3A_1245 : i32 to vector<16xi32>
      %sign3A_1247 = arith.cmpi slt, %add3A_1237, %sign3A_1246 : vector<16xi32>
      %sign3A_1248 = arith.extui %sign3A_1247 : vector<16xi1> to vector<16xi32>
      %sign3A_1249 = arith.subi %sign3A_1244, %sign3A_1248 : vector<16xi32>
      %sign3A_1250 = arith.constant 0 : i32
      %sign3A_1251 = arith.cmpi sgt, %jit3A_1238, %sign3A_1250 : i32
      %sign3A_1252 = arith.extui %sign3A_1251 : i1 to i32
      %sign3A_1253 = arith.constant 0 : i32
      %sign3A_1254 = arith.cmpi slt, %jit3A_1238, %sign3A_1253 : i32
      %sign3A_1255 = arith.extui %sign3A_1254 : i1 to i32
      %sign3A_1256 = arith.subi %sign3A_1252, %sign3A_1255 : i32
      %ne3A_1257 = vector.broadcast %sign3A_1256 : i32 to vector<16xi32>
      %ne3A_1258 = arith.cmpi ne, %sign3A_1249, %ne3A_1257 : vector<16xi32>
      %rem3A_1259 = vector.broadcast %jit3A_1238 : i32 to vector<16xi32>
      %rem3A_1260 = arith.remsi %add3A_1237, %rem3A_1259 : vector<16xi32>
      %ne3A_1261 = arith.constant 0 : i32
      %ne3A_1262 = vector.broadcast %ne3A_1261 : i32 to vector<16xi32>
      %ne3A_1263 = arith.cmpi ne, %rem3A_1260, %ne3A_1262 : vector<16xi32>
      %and3A_1264 = arith.andi %ne3A_1258, %ne3A_1263 : vector<16xi1>
      %sub3A_1265 = arith.constant 1 : i32
      %sub3A_1266 = vector.broadcast %sub3A_1265 : i32 to vector<16xi32>
      %sub3A_1267 = arith.subi %div3A_1240, %sub3A_1266 : vector<16xi32>
      %select_n3A_1268 = arith.select %and3A_1264, %sub3A_1267, %div3A_1240 : vector<16xi1>, vector<16xi32>
      %jit3A_1269 = arith.constant 128 : i32
      %eq3A_1270 = arith.constant 0 : i32
      %eq3A_1271 = arith.cmpi eq, %jit3A_1269, %eq3A_1270 : i32
      %jit3A_1272 = arith.constant 1 : i32
      %select_n3A_1273 = arith.select %eq3A_1271, %jit3A_1272, %jit3A_1269 : i32
      %rem3A_1274 = vector.broadcast %select_n3A_1273 : i32 to vector<16xi32>
      %rem3A_1275 = arith.remsi %add3A_1237, %rem3A_1274 : vector<16xi32>
      %ne3A_1276 = arith.constant 0 : i32
      %ne3A_1277 = vector.broadcast %ne3A_1276 : i32 to vector<16xi32>
      %ne3A_1278 = arith.cmpi ne, %rem3A_1275, %ne3A_1277 : vector<16xi32>
      %lt3A_1279 = arith.constant 0 : i32
      %lt3A_1280 = vector.broadcast %lt3A_1279 : i32 to vector<16xi32>
      %lt3A_1281 = arith.cmpi slt, %rem3A_1275, %lt3A_1280 : vector<16xi32>
      %lt3A_1282 = arith.constant 0 : i32
      %lt3A_1283 = arith.cmpi slt, %select_n3A_1273, %lt3A_1282 : i32
      %ne3A_1284 = vector.broadcast %lt3A_1283 : i1 to vector<16xi1>
      %ne3A_1285 = vector.broadcast %ne3A_1284 : vector<16xi1> to vector<16xi1>
      %ne3A_1286 = arith.xori %lt3A_1281, %ne3A_1285 : vector<16xi1>
      %and3A_1287 = arith.andi %ne3A_1286, %ne3A_1278 : vector<16xi1>
      %add3A_1288 = vector.broadcast %select_n3A_1273 : i32 to vector<16xi32>
      %add3A_1289 = arith.addi %rem3A_1275, %add3A_1288 : vector<16xi32>
      %select_n3A_1290 = arith.select %and3A_1287, %add3A_1289, %rem3A_1275 : vector<16xi1>, vector<16xi32>
      %gather3A_1291 = tpu.vector_load_idx %arg5[%select_n3A_1268, %select_n3A_1290] : memref<128x128xi32, #tpu.memory_space<vmem>>[vector<16xi32>, vector<16xi32>], vector<16xi32>,
      %mul3A_1292 = arith.constant 16 : i32
      %mul3A_1293 = arith.muli %scan3A_167, %mul3A_1292 : i32
      %swap3A_1294 = arith.constant 18 : i32
      %swap3A_1295 = arith.index_cast %swap3A_1294 : i32 to index
      %swap3A_1296 = arith.index_cast %mul3A_1293 : i32 to index
      %swap3A_1297 = tpu.vector_load %arg6[%swap3A_1295, %swap3A_1296] {strides = array<i32>} : memref<32x512xi32, #tpu.memory_space<vmem>>, vector<16xi32>,
      tpu.vector_store %arg6[%swap3A_1295, %swap3A_1296], %gather3A_1291 {strides = array<i32>} : memref<32x512xi32, #tpu.memory_space<vmem>>, vector<16xi32>,
      %add3A_1298 = arith.constant 19 : i32
      %add3A_1299 = vector.broadcast %add3A_1298 : i32 to vector<16xi32>
      %add3A_1300 = arith.addi %mul3A_175, %add3A_1299 : vector<16xi32>
      %jit3A_1301 = arith.constant 128 : i32
      %div3A_1302 = vector.broadcast %jit3A_1301 : i32 to vector<16xi32>
      %div3A_1303 = arith.divsi %add3A_1300, %div3A_1302 : vector<16xi32>
      %sign3A_1304 = arith.constant 0 : i32
      %sign3A_1305 = vector.broadcast %sign3A_1304 : i32 to vector<16xi32>
      %sign3A_1306 = arith.cmpi sgt, %add3A_1300, %sign3A_1305 : vector<16xi32>
      %sign3A_1307 = arith.extui %sign3A_1306 : vector<16xi1> to vector<16xi32>
      %sign3A_1308 = arith.constant 0 : i32
      %sign3A_1309 = vector.broadcast %sign3A_1308 : i32 to vector<16xi32>
      %sign3A_1310 = arith.cmpi slt, %add3A_1300, %sign3A_1309 : vector<16xi32>
      %sign3A_1311 = arith.extui %sign3A_1310 : vector<16xi1> to vector<16xi32>
      %sign3A_1312 = arith.subi %sign3A_1307, %sign3A_1311 : vector<16xi32>
      %sign3A_1313 = arith.constant 0 : i32
      %sign3A_1314 = arith.cmpi sgt, %jit3A_1301, %sign3A_1313 : i32
      %sign3A_1315 = arith.extui %sign3A_1314 : i1 to i32
      %sign3A_1316 = arith.constant 0 : i32
      %sign3A_1317 = arith.cmpi slt, %jit3A_1301, %sign3A_1316 : i32
      %sign3A_1318 = arith.extui %sign3A_1317 : i1 to i32
      %sign3A_1319 = arith.subi %sign3A_1315, %sign3A_1318 : i32
      %ne3A_1320 = vector.broadcast %sign3A_1319 : i32 to vector<16xi32>
      %ne3A_1321 = arith.cmpi ne, %sign3A_1312, %ne3A_1320 : vector<16xi32>
      %rem3A_1322 = vector.broadcast %jit3A_1301 : i32 to vector<16xi32>
      %rem3A_1323 = arith.remsi %add3A_1300, %rem3A_1322 : vector<16xi32>
      %ne3A_1324 = arith.constant 0 : i32
      %ne3A_1325 = vector.broadcast %ne3A_1324 : i32 to vector<16xi32>
      %ne3A_1326 = arith.cmpi ne, %rem3A_1323, %ne3A_1325 : vector<16xi32>
      %and3A_1327 = arith.andi %ne3A_1321, %ne3A_1326 : vector<16xi1>
      %sub3A_1328 = arith.constant 1 : i32
      %sub3A_1329 = vector.broadcast %sub3A_1328 : i32 to vector<16xi32>
      %sub3A_1330 = arith.subi %div3A_1303, %sub3A_1329 : vector<16xi32>
      %select_n3A_1331 = arith.select %and3A_1327, %sub3A_1330, %div3A_1303 : vector<16xi1>, vector<16xi32>
      %jit3A_1332 = arith.constant 128 : i32
      %eq3A_1333 = arith.constant 0 : i32
      %eq3A_1334 = arith.cmpi eq, %jit3A_1332, %eq3A_1333 : i32
      %jit3A_1335 = arith.constant 1 : i32
      %select_n3A_1336 = arith.select %eq3A_1334, %jit3A_1335, %jit3A_1332 : i32
      %rem3A_1337 = vector.broadcast %select_n3A_1336 : i32 to vector<16xi32>
      %rem3A_1338 = arith.remsi %add3A_1300, %rem3A_1337 : vector<16xi32>
      %ne3A_1339 = arith.constant 0 : i32
      %ne3A_1340 = vector.broadcast %ne3A_1339 : i32 to vector<16xi32>
      %ne3A_1341 = arith.cmpi ne, %rem3A_1338, %ne3A_1340 : vector<16xi32>
      %lt3A_1342 = arith.constant 0 : i32
      %lt3A_1343 = vector.broadcast %lt3A_1342 : i32 to vector<16xi32>
      %lt3A_1344 = arith.cmpi slt, %rem3A_1338, %lt3A_1343 : vector<16xi32>
      %lt3A_1345 = arith.constant 0 : i32
      %lt3A_1346 = arith.cmpi slt, %select_n3A_1336, %lt3A_1345 : i32
      %ne3A_1347 = vector.broadcast %lt3A_1346 : i1 to vector<16xi1>
      %ne3A_1348 = vector.broadcast %ne3A_1347 : vector<16xi1> to vector<16xi1>
      %ne3A_1349 = arith.xori %lt3A_1344, %ne3A_1348 : vector<16xi1>
      %and3A_1350 = arith.andi %ne3A_1349, %ne3A_1341 : vector<16xi1>
      %add3A_1351 = vector.broadcast %select_n3A_1336 : i32 to vector<16xi32>
      %add3A_1352 = arith.addi %rem3A_1338, %add3A_1351 : vector<16xi32>
      %select_n3A_1353 = arith.select %and3A_1350, %add3A_1352, %rem3A_1338 : vector<16xi1>, vector<16xi32>
      %gather3A_1354 = tpu.vector_load_idx %arg5[%select_n3A_1331, %select_n3A_1353] : memref<128x128xi32, #tpu.memory_space<vmem>>[vector<16xi32>, vector<16xi32>], vector<16xi32>,
      %mul3A_1355 = arith.constant 16 : i32
      %mul3A_1356 = arith.muli %scan3A_167, %mul3A_1355 : i32
      %swap3A_1357 = arith.constant 19 : i32
      %swap3A_1358 = arith.index_cast %swap3A_1357 : i32 to index
      %swap3A_1359 = arith.index_cast %mul3A_1356 : i32 to index
      %swap3A_1360 = tpu.vector_load %arg6[%swap3A_1358, %swap3A_1359] {strides = array<i32>} : memref<32x512xi32, #tpu.memory_space<vmem>>, vector<16xi32>,
      tpu.vector_store %arg6[%swap3A_1358, %swap3A_1359], %gather3A_1354 {strides = array<i32>} : memref<32x512xi32, #tpu.memory_space<vmem>>, vector<16xi32>,
      %add3A_1361 = arith.constant 20 : i32
      %add3A_1362 = vector.broadcast %add3A_1361 : i32 to vector<16xi32>
      %add3A_1363 = arith.addi %mul3A_175, %add3A_1362 : vector<16xi32>
      %jit3A_1364 = arith.constant 128 : i32
      %div3A_1365 = vector.broadcast %jit3A_1364 : i32 to vector<16xi32>
      %div3A_1366 = arith.divsi %add3A_1363, %div3A_1365 : vector<16xi32>
      %sign3A_1367 = arith.constant 0 : i32
      %sign3A_1368 = vector.broadcast %sign3A_1367 : i32 to vector<16xi32>
      %sign3A_1369 = arith.cmpi sgt, %add3A_1363, %sign3A_1368 : vector<16xi32>
      %sign3A_1370 = arith.extui %sign3A_1369 : vector<16xi1> to vector<16xi32>
      %sign3A_1371 = arith.constant 0 : i32
      %sign3A_1372 = vector.broadcast %sign3A_1371 : i32 to vector<16xi32>
      %sign3A_1373 = arith.cmpi slt, %add3A_1363, %sign3A_1372 : vector<16xi32>
      %sign3A_1374 = arith.extui %sign3A_1373 : vector<16xi1> to vector<16xi32>
      %sign3A_1375 = arith.subi %sign3A_1370, %sign3A_1374 : vector<16xi32>
      %sign3A_1376 = arith.constant 0 : i32
      %sign3A_1377 = arith.cmpi sgt, %jit3A_1364, %sign3A_1376 : i32
      %sign3A_1378 = arith.extui %sign3A_1377 : i1 to i32
      %sign3A_1379 = arith.constant 0 : i32
      %sign3A_1380 = arith.cmpi slt, %jit3A_1364, %sign3A_1379 : i32
      %sign3A_1381 = arith.extui %sign3A_1380 : i1 to i32
      %sign3A_1382 = arith.subi %sign3A_1378, %sign3A_1381 : i32
      %ne3A_1383 = vector.broadcast %sign3A_1382 : i32 to vector<16xi32>
      %ne3A_1384 = arith.cmpi ne, %sign3A_1375, %ne3A_1383 : vector<16xi32>
      %rem3A_1385 = vector.broadcast %jit3A_1364 : i32 to vector<16xi32>
      %rem3A_1386 = arith.remsi %add3A_1363, %rem3A_1385 : vector<16xi32>
      %ne3A_1387 = arith.constant 0 : i32
      %ne3A_1388 = vector.broadcast %ne3A_1387 : i32 to vector<16xi32>
      %ne3A_1389 = arith.cmpi ne, %rem3A_1386, %ne3A_1388 : vector<16xi32>
      %and3A_1390 = arith.andi %ne3A_1384, %ne3A_1389 : vector<16xi1>
      %sub3A_1391 = arith.constant 1 : i32
      %sub3A_1392 = vector.broadcast %sub3A_1391 : i32 to vector<16xi32>
      %sub3A_1393 = arith.subi %div3A_1366, %sub3A_1392 : vector<16xi32>
      %select_n3A_1394 = arith.select %and3A_1390, %sub3A_1393, %div3A_1366 : vector<16xi1>, vector<16xi32>
      %jit3A_1395 = arith.constant 128 : i32
      %eq3A_1396 = arith.constant 0 : i32
      %eq3A_1397 = arith.cmpi eq, %jit3A_1395, %eq3A_1396 : i32
      %jit3A_1398 = arith.constant 1 : i32
      %select_n3A_1399 = arith.select %eq3A_1397, %jit3A_1398, %jit3A_1395 : i32
      %rem3A_1400 = vector.broadcast %select_n3A_1399 : i32 to vector<16xi32>
      %rem3A_1401 = arith.remsi %add3A_1363, %rem3A_1400 : vector<16xi32>
      %ne3A_1402 = arith.constant 0 : i32
      %ne3A_1403 = vector.broadcast %ne3A_1402 : i32 to vector<16xi32>
      %ne3A_1404 = arith.cmpi ne, %rem3A_1401, %ne3A_1403 : vector<16xi32>
      %lt3A_1405 = arith.constant 0 : i32
      %lt3A_1406 = vector.broadcast %lt3A_1405 : i32 to vector<16xi32>
      %lt3A_1407 = arith.cmpi slt, %rem3A_1401, %lt3A_1406 : vector<16xi32>
      %lt3A_1408 = arith.constant 0 : i32
      %lt3A_1409 = arith.cmpi slt, %select_n3A_1399, %lt3A_1408 : i32
      %ne3A_1410 = vector.broadcast %lt3A_1409 : i1 to vector<16xi1>
      %ne3A_1411 = vector.broadcast %ne3A_1410 : vector<16xi1> to vector<16xi1>
      %ne3A_1412 = arith.xori %lt3A_1407, %ne3A_1411 : vector<16xi1>
      %and3A_1413 = arith.andi %ne3A_1412, %ne3A_1404 : vector<16xi1>
      %add3A_1414 = vector.broadcast %select_n3A_1399 : i32 to vector<16xi32>
      %add3A_1415 = arith.addi %rem3A_1401, %add3A_1414 : vector<16xi32>
      %select_n3A_1416 = arith.select %and3A_1413, %add3A_1415, %rem3A_1401 : vector<16xi1>, vector<16xi32>
      %gather3A_1417 = tpu.vector_load_idx %arg5[%select_n3A_1394, %select_n3A_1416] : memref<128x128xi32, #tpu.memory_space<vmem>>[vector<16xi32>, vector<16xi32>], vector<16xi32>,
      %mul3A_1418 = arith.constant 16 : i32
      %mul3A_1419 = arith.muli %scan3A_167, %mul3A_1418 : i32
      %swap3A_1420 = arith.constant 20 : i32
      %swap3A_1421 = arith.index_cast %swap3A_1420 : i32 to index
      %swap3A_1422 = arith.index_cast %mul3A_1419 : i32 to index
      %swap3A_1423 = tpu.vector_load %arg6[%swap3A_1421, %swap3A_1422] {strides = array<i32>} : memref<32x512xi32, #tpu.memory_space<vmem>>, vector<16xi32>,
      tpu.vector_store %arg6[%swap3A_1421, %swap3A_1422], %gather3A_1417 {strides = array<i32>} : memref<32x512xi32, #tpu.memory_space<vmem>>, vector<16xi32>,
      %add3A_1424 = arith.constant 21 : i32
      %add3A_1425 = vector.broadcast %add3A_1424 : i32 to vector<16xi32>
      %add3A_1426 = arith.addi %mul3A_175, %add3A_1425 : vector<16xi32>
      %jit3A_1427 = arith.constant 128 : i32
      %div3A_1428 = vector.broadcast %jit3A_1427 : i32 to vector<16xi32>
      %div3A_1429 = arith.divsi %add3A_1426, %div3A_1428 : vector<16xi32>
      %sign3A_1430 = arith.constant 0 : i32
      %sign3A_1431 = vector.broadcast %sign3A_1430 : i32 to vector<16xi32>
      %sign3A_1432 = arith.cmpi sgt, %add3A_1426, %sign3A_1431 : vector<16xi32>
      %sign3A_1433 = arith.extui %sign3A_1432 : vector<16xi1> to vector<16xi32>
      %sign3A_1434 = arith.constant 0 : i32
      %sign3A_1435 = vector.broadcast %sign3A_1434 : i32 to vector<16xi32>
      %sign3A_1436 = arith.cmpi slt, %add3A_1426, %sign3A_1435 : vector<16xi32>
      %sign3A_1437 = arith.extui %sign3A_1436 : vector<16xi1> to vector<16xi32>
      %sign3A_1438 = arith.subi %sign3A_1433, %sign3A_1437 : vector<16xi32>
      %sign3A_1439 = arith.constant 0 : i32
      %sign3A_1440 = arith.cmpi sgt, %jit3A_1427, %sign3A_1439 : i32
      %sign3A_1441 = arith.extui %sign3A_1440 : i1 to i32
      %sign3A_1442 = arith.constant 0 : i32
      %sign3A_1443 = arith.cmpi slt, %jit3A_1427, %sign3A_1442 : i32
      %sign3A_1444 = arith.extui %sign3A_1443 : i1 to i32
      %sign3A_1445 = arith.subi %sign3A_1441, %sign3A_1444 : i32
      %ne3A_1446 = vector.broadcast %sign3A_1445 : i32 to vector<16xi32>
      %ne3A_1447 = arith.cmpi ne, %sign3A_1438, %ne3A_1446 : vector<16xi32>
      %rem3A_1448 = vector.broadcast %jit3A_1427 : i32 to vector<16xi32>
      %rem3A_1449 = arith.remsi %add3A_1426, %rem3A_1448 : vector<16xi32>
      %ne3A_1450 = arith.constant 0 : i32
      %ne3A_1451 = vector.broadcast %ne3A_1450 : i32 to vector<16xi32>
      %ne3A_1452 = arith.cmpi ne, %rem3A_1449, %ne3A_1451 : vector<16xi32>
      %and3A_1453 = arith.andi %ne3A_1447, %ne3A_1452 : vector<16xi1>
      %sub3A_1454 = arith.constant 1 : i32
      %sub3A_1455 = vector.broadcast %sub3A_1454 : i32 to vector<16xi32>
      %sub3A_1456 = arith.subi %div3A_1429, %sub3A_1455 : vector<16xi32>
      %select_n3A_1457 = arith.select %and3A_1453, %sub3A_1456, %div3A_1429 : vector<16xi1>, vector<16xi32>
      %jit3A_1458 = arith.constant 128 : i32
      %eq3A_1459 = arith.constant 0 : i32
      %eq3A_1460 = arith.cmpi eq, %jit3A_1458, %eq3A_1459 : i32
      %jit3A_1461 = arith.constant 1 : i32
      %select_n3A_1462 = arith.select %eq3A_1460, %jit3A_1461, %jit3A_1458 : i32
      %rem3A_1463 = vector.broadcast %select_n3A_1462 : i32 to vector<16xi32>
      %rem3A_1464 = arith.remsi %add3A_1426, %rem3A_1463 : vector<16xi32>
      %ne3A_1465 = arith.constant 0 : i32
      %ne3A_1466 = vector.broadcast %ne3A_1465 : i32 to vector<16xi32>
      %ne3A_1467 = arith.cmpi ne, %rem3A_1464, %ne3A_1466 : vector<16xi32>
      %lt3A_1468 = arith.constant 0 : i32
      %lt3A_1469 = vector.broadcast %lt3A_1468 : i32 to vector<16xi32>
      %lt3A_1470 = arith.cmpi slt, %rem3A_1464, %lt3A_1469 : vector<16xi32>
      %lt3A_1471 = arith.constant 0 : i32
      %lt3A_1472 = arith.cmpi slt, %select_n3A_1462, %lt3A_1471 : i32
      %ne3A_1473 = vector.broadcast %lt3A_1472 : i1 to vector<16xi1>
      %ne3A_1474 = vector.broadcast %ne3A_1473 : vector<16xi1> to vector<16xi1>
      %ne3A_1475 = arith.xori %lt3A_1470, %ne3A_1474 : vector<16xi1>
      %and3A_1476 = arith.andi %ne3A_1475, %ne3A_1467 : vector<16xi1>
      %add3A_1477 = vector.broadcast %select_n3A_1462 : i32 to vector<16xi32>
      %add3A_1478 = arith.addi %rem3A_1464, %add3A_1477 : vector<16xi32>
      %select_n3A_1479 = arith.select %and3A_1476, %add3A_1478, %rem3A_1464 : vector<16xi1>, vector<16xi32>
      %gather3A_1480 = tpu.vector_load_idx %arg5[%select_n3A_1457, %select_n3A_1479] : memref<128x128xi32, #tpu.memory_space<vmem>>[vector<16xi32>, vector<16xi32>], vector<16xi32>,
      %mul3A_1481 = arith.constant 16 : i32
      %mul3A_1482 = arith.muli %scan3A_167, %mul3A_1481 : i32
      %swap3A_1483 = arith.constant 21 : i32
      %swap3A_1484 = arith.index_cast %swap3A_1483 : i32 to index
      %swap3A_1485 = arith.index_cast %mul3A_1482 : i32 to index
      %swap3A_1486 = tpu.vector_load %arg6[%swap3A_1484, %swap3A_1485] {strides = array<i32>} : memref<32x512xi32, #tpu.memory_space<vmem>>, vector<16xi32>,
      tpu.vector_store %arg6[%swap3A_1484, %swap3A_1485], %gather3A_1480 {strides = array<i32>} : memref<32x512xi32, #tpu.memory_space<vmem>>, vector<16xi32>,
      %add3A_1487 = arith.constant 22 : i32
      %add3A_1488 = vector.broadcast %add3A_1487 : i32 to vector<16xi32>
      %add3A_1489 = arith.addi %mul3A_175, %add3A_1488 : vector<16xi32>
      %jit3A_1490 = arith.constant 128 : i32
      %div3A_1491 = vector.broadcast %jit3A_1490 : i32 to vector<16xi32>
      %div3A_1492 = arith.divsi %add3A_1489, %div3A_1491 : vector<16xi32>
      %sign3A_1493 = arith.constant 0 : i32
      %sign3A_1494 = vector.broadcast %sign3A_1493 : i32 to vector<16xi32>
      %sign3A_1495 = arith.cmpi sgt, %add3A_1489, %sign3A_1494 : vector<16xi32>
      %sign3A_1496 = arith.extui %sign3A_1495 : vector<16xi1> to vector<16xi32>
      %sign3A_1497 = arith.constant 0 : i32
      %sign3A_1498 = vector.broadcast %sign3A_1497 : i32 to vector<16xi32>
      %sign3A_1499 = arith.cmpi slt, %add3A_1489, %sign3A_1498 : vector<16xi32>
      %sign3A_1500 = arith.extui %sign3A_1499 : vector<16xi1> to vector<16xi32>
      %sign3A_1501 = arith.subi %sign3A_1496, %sign3A_1500 : vector<16xi32>
      %sign3A_1502 = arith.constant 0 : i32
      %sign3A_1503 = arith.cmpi sgt, %jit3A_1490, %sign3A_1502 : i32
      %sign3A_1504 = arith.extui %sign3A_1503 : i1 to i32
      %sign3A_1505 = arith.constant 0 : i32
      %sign3A_1506 = arith.cmpi slt, %jit3A_1490, %sign3A_1505 : i32
      %sign3A_1507 = arith.extui %sign3A_1506 : i1 to i32
      %sign3A_1508 = arith.subi %sign3A_1504, %sign3A_1507 : i32
      %ne3A_1509 = vector.broadcast %sign3A_1508 : i32 to vector<16xi32>
      %ne3A_1510 = arith.cmpi ne, %sign3A_1501, %ne3A_1509 : vector<16xi32>
      %rem3A_1511 = vector.broadcast %jit3A_1490 : i32 to vector<16xi32>
      %rem3A_1512 = arith.remsi %add3A_1489, %rem3A_1511 : vector<16xi32>
      %ne3A_1513 = arith.constant 0 : i32
      %ne3A_1514 = vector.broadcast %ne3A_1513 : i32 to vector<16xi32>
      %ne3A_1515 = arith.cmpi ne, %rem3A_1512, %ne3A_1514 : vector<16xi32>
      %and3A_1516 = arith.andi %ne3A_1510, %ne3A_1515 : vector<16xi1>
      %sub3A_1517 = arith.constant 1 : i32
      %sub3A_1518 = vector.broadcast %sub3A_1517 : i32 to vector<16xi32>
      %sub3A_1519 = arith.subi %div3A_1492, %sub3A_1518 : vector<16xi32>
      %select_n3A_1520 = arith.select %and3A_1516, %sub3A_1519, %div3A_1492 : vector<16xi1>, vector<16xi32>
      %jit3A_1521 = arith.constant 128 : i32
      %eq3A_1522 = arith.constant 0 : i32
      %eq3A_1523 = arith.cmpi eq, %jit3A_1521, %eq3A_1522 : i32
      %jit3A_1524 = arith.constant 1 : i32
      %select_n3A_1525 = arith.select %eq3A_1523, %jit3A_1524, %jit3A_1521 : i32
      %rem3A_1526 = vector.broadcast %select_n3A_1525 : i32 to vector<16xi32>
      %rem3A_1527 = arith.remsi %add3A_1489, %rem3A_1526 : vector<16xi32>
      %ne3A_1528 = arith.constant 0 : i32
      %ne3A_1529 = vector.broadcast %ne3A_1528 : i32 to vector<16xi32>
      %ne3A_1530 = arith.cmpi ne, %rem3A_1527, %ne3A_1529 : vector<16xi32>
      %lt3A_1531 = arith.constant 0 : i32
      %lt3A_1532 = vector.broadcast %lt3A_1531 : i32 to vector<16xi32>
      %lt3A_1533 = arith.cmpi slt, %rem3A_1527, %lt3A_1532 : vector<16xi32>
      %lt3A_1534 = arith.constant 0 : i32
      %lt3A_1535 = arith.cmpi slt, %select_n3A_1525, %lt3A_1534 : i32
      %ne3A_1536 = vector.broadcast %lt3A_1535 : i1 to vector<16xi1>
      %ne3A_1537 = vector.broadcast %ne3A_1536 : vector<16xi1> to vector<16xi1>
      %ne3A_1538 = arith.xori %lt3A_1533, %ne3A_1537 : vector<16xi1>
      %and3A_1539 = arith.andi %ne3A_1538, %ne3A_1530 : vector<16xi1>
      %add3A_1540 = vector.broadcast %select_n3A_1525 : i32 to vector<16xi32>
      %add3A_1541 = arith.addi %rem3A_1527, %add3A_1540 : vector<16xi32>
      %select_n3A_1542 = arith.select %and3A_1539, %add3A_1541, %rem3A_1527 : vector<16xi1>, vector<16xi32>
      %gather3A_1543 = tpu.vector_load_idx %arg5[%select_n3A_1520, %select_n3A_1542] : memref<128x128xi32, #tpu.memory_space<vmem>>[vector<16xi32>, vector<16xi32>], vector<16xi32>,
      %mul3A_1544 = arith.constant 16 : i32
      %mul3A_1545 = arith.muli %scan3A_167, %mul3A_1544 : i32
      %swap3A_1546 = arith.constant 22 : i32
      %swap3A_1547 = arith.index_cast %swap3A_1546 : i32 to index
      %swap3A_1548 = arith.index_cast %mul3A_1545 : i32 to index
      %swap3A_1549 = tpu.vector_load %arg6[%swap3A_1547, %swap3A_1548] {strides = array<i32>} : memref<32x512xi32, #tpu.memory_space<vmem>>, vector<16xi32>,
      tpu.vector_store %arg6[%swap3A_1547, %swap3A_1548], %gather3A_1543 {strides = array<i32>} : memref<32x512xi32, #tpu.memory_space<vmem>>, vector<16xi32>,
      %add3A_1550 = arith.constant 23 : i32
      %add3A_1551 = vector.broadcast %add3A_1550 : i32 to vector<16xi32>
      %add3A_1552 = arith.addi %mul3A_175, %add3A_1551 : vector<16xi32>
      %jit3A_1553 = arith.constant 128 : i32
      %div3A_1554 = vector.broadcast %jit3A_1553 : i32 to vector<16xi32>
      %div3A_1555 = arith.divsi %add3A_1552, %div3A_1554 : vector<16xi32>
      %sign3A_1556 = arith.constant 0 : i32
      %sign3A_1557 = vector.broadcast %sign3A_1556 : i32 to vector<16xi32>
      %sign3A_1558 = arith.cmpi sgt, %add3A_1552, %sign3A_1557 : vector<16xi32>
      %sign3A_1559 = arith.extui %sign3A_1558 : vector<16xi1> to vector<16xi32>
      %sign3A_1560 = arith.constant 0 : i32
      %sign3A_1561 = vector.broadcast %sign3A_1560 : i32 to vector<16xi32>
      %sign3A_1562 = arith.cmpi slt, %add3A_1552, %sign3A_1561 : vector<16xi32>
      %sign3A_1563 = arith.extui %sign3A_1562 : vector<16xi1> to vector<16xi32>
      %sign3A_1564 = arith.subi %sign3A_1559, %sign3A_1563 : vector<16xi32>
      %sign3A_1565 = arith.constant 0 : i32
      %sign3A_1566 = arith.cmpi sgt, %jit3A_1553, %sign3A_1565 : i32
      %sign3A_1567 = arith.extui %sign3A_1566 : i1 to i32
      %sign3A_1568 = arith.constant 0 : i32
      %sign3A_1569 = arith.cmpi slt, %jit3A_1553, %sign3A_1568 : i32
      %sign3A_1570 = arith.extui %sign3A_1569 : i1 to i32
      %sign3A_1571 = arith.subi %sign3A_1567, %sign3A_1570 : i32
      %ne3A_1572 = vector.broadcast %sign3A_1571 : i32 to vector<16xi32>
      %ne3A_1573 = arith.cmpi ne, %sign3A_1564, %ne3A_1572 : vector<16xi32>
      %rem3A_1574 = vector.broadcast %jit3A_1553 : i32 to vector<16xi32>
      %rem3A_1575 = arith.remsi %add3A_1552, %rem3A_1574 : vector<16xi32>
      %ne3A_1576 = arith.constant 0 : i32
      %ne3A_1577 = vector.broadcast %ne3A_1576 : i32 to vector<16xi32>
      %ne3A_1578 = arith.cmpi ne, %rem3A_1575, %ne3A_1577 : vector<16xi32>
      %and3A_1579 = arith.andi %ne3A_1573, %ne3A_1578 : vector<16xi1>
      %sub3A_1580 = arith.constant 1 : i32
      %sub3A_1581 = vector.broadcast %sub3A_1580 : i32 to vector<16xi32>
      %sub3A_1582 = arith.subi %div3A_1555, %sub3A_1581 : vector<16xi32>
      %select_n3A_1583 = arith.select %and3A_1579, %sub3A_1582, %div3A_1555 : vector<16xi1>, vector<16xi32>
      %jit3A_1584 = arith.constant 128 : i32
      %eq3A_1585 = arith.constant 0 : i32
      %eq3A_1586 = arith.cmpi eq, %jit3A_1584, %eq3A_1585 : i32
      %jit3A_1587 = arith.constant 1 : i32
      %select_n3A_1588 = arith.select %eq3A_1586, %jit3A_1587, %jit3A_1584 : i32
      %rem3A_1589 = vector.broadcast %select_n3A_1588 : i32 to vector<16xi32>
      %rem3A_1590 = arith.remsi %add3A_1552, %rem3A_1589 : vector<16xi32>
      %ne3A_1591 = arith.constant 0 : i32
      %ne3A_1592 = vector.broadcast %ne3A_1591 : i32 to vector<16xi32>
      %ne3A_1593 = arith.cmpi ne, %rem3A_1590, %ne3A_1592 : vector<16xi32>
      %lt3A_1594 = arith.constant 0 : i32
      %lt3A_1595 = vector.broadcast %lt3A_1594 : i32 to vector<16xi32>
      %lt3A_1596 = arith.cmpi slt, %rem3A_1590, %lt3A_1595 : vector<16xi32>
      %lt3A_1597 = arith.constant 0 : i32
      %lt3A_1598 = arith.cmpi slt, %select_n3A_1588, %lt3A_1597 : i32
      %ne3A_1599 = vector.broadcast %lt3A_1598 : i1 to vector<16xi1>
      %ne3A_1600 = vector.broadcast %ne3A_1599 : vector<16xi1> to vector<16xi1>
      %ne3A_1601 = arith.xori %lt3A_1596, %ne3A_1600 : vector<16xi1>
      %and3A_1602 = arith.andi %ne3A_1601, %ne3A_1593 : vector<16xi1>
      %add3A_1603 = vector.broadcast %select_n3A_1588 : i32 to vector<16xi32>
      %add3A_1604 = arith.addi %rem3A_1590, %add3A_1603 : vector<16xi32>
      %select_n3A_1605 = arith.select %and3A_1602, %add3A_1604, %rem3A_1590 : vector<16xi1>, vector<16xi32>
      %gather3A_1606 = tpu.vector_load_idx %arg5[%select_n3A_1583, %select_n3A_1605] : memref<128x128xi32, #tpu.memory_space<vmem>>[vector<16xi32>, vector<16xi32>], vector<16xi32>,
      %mul3A_1607 = arith.constant 16 : i32
      %mul3A_1608 = arith.muli %scan3A_167, %mul3A_1607 : i32
      %swap3A_1609 = arith.constant 23 : i32
      %swap3A_1610 = arith.index_cast %swap3A_1609 : i32 to index
      %swap3A_1611 = arith.index_cast %mul3A_1608 : i32 to index
      %swap3A_1612 = tpu.vector_load %arg6[%swap3A_1610, %swap3A_1611] {strides = array<i32>} : memref<32x512xi32, #tpu.memory_space<vmem>>, vector<16xi32>,
      tpu.vector_store %arg6[%swap3A_1610, %swap3A_1611], %gather3A_1606 {strides = array<i32>} : memref<32x512xi32, #tpu.memory_space<vmem>>, vector<16xi32>,
      %add3A_1613 = arith.constant 24 : i32
      %add3A_1614 = vector.broadcast %add3A_1613 : i32 to vector<16xi32>
      %add3A_1615 = arith.addi %mul3A_175, %add3A_1614 : vector<16xi32>
      %jit3A_1616 = arith.constant 128 : i32
      %div3A_1617 = vector.broadcast %jit3A_1616 : i32 to vector<16xi32>
      %div3A_1618 = arith.divsi %add3A_1615, %div3A_1617 : vector<16xi32>
      %sign3A_1619 = arith.constant 0 : i32
      %sign3A_1620 = vector.broadcast %sign3A_1619 : i32 to vector<16xi32>
      %sign3A_1621 = arith.cmpi sgt, %add3A_1615, %sign3A_1620 : vector<16xi32>
      %sign3A_1622 = arith.extui %sign3A_1621 : vector<16xi1> to vector<16xi32>
      %sign3A_1623 = arith.constant 0 : i32
      %sign3A_1624 = vector.broadcast %sign3A_1623 : i32 to vector<16xi32>
      %sign3A_1625 = arith.cmpi slt, %add3A_1615, %sign3A_1624 : vector<16xi32>
      %sign3A_1626 = arith.extui %sign3A_1625 : vector<16xi1> to vector<16xi32>
      %sign3A_1627 = arith.subi %sign3A_1622, %sign3A_1626 : vector<16xi32>
      %sign3A_1628 = arith.constant 0 : i32
      %sign3A_1629 = arith.cmpi sgt, %jit3A_1616, %sign3A_1628 : i32
      %sign3A_1630 = arith.extui %sign3A_1629 : i1 to i32
      %sign3A_1631 = arith.constant 0 : i32
      %sign3A_1632 = arith.cmpi slt, %jit3A_1616, %sign3A_1631 : i32
      %sign3A_1633 = arith.extui %sign3A_1632 : i1 to i32
      %sign3A_1634 = arith.subi %sign3A_1630, %sign3A_1633 : i32
      %ne3A_1635 = vector.broadcast %sign3A_1634 : i32 to vector<16xi32>
      %ne3A_1636 = arith.cmpi ne, %sign3A_1627, %ne3A_1635 : vector<16xi32>
      %rem3A_1637 = vector.broadcast %jit3A_1616 : i32 to vector<16xi32>
      %rem3A_1638 = arith.remsi %add3A_1615, %rem3A_1637 : vector<16xi32>
      %ne3A_1639 = arith.constant 0 : i32
      %ne3A_1640 = vector.broadcast %ne3A_1639 : i32 to vector<16xi32>
      %ne3A_1641 = arith.cmpi ne, %rem3A_1638, %ne3A_1640 : vector<16xi32>
      %and3A_1642 = arith.andi %ne3A_1636, %ne3A_1641 : vector<16xi1>
      %sub3A_1643 = arith.constant 1 : i32
      %sub3A_1644 = vector.broadcast %sub3A_1643 : i32 to vector<16xi32>
      %sub3A_1645 = arith.subi %div3A_1618, %sub3A_1644 : vector<16xi32>
      %select_n3A_1646 = arith.select %and3A_1642, %sub3A_1645, %div3A_1618 : vector<16xi1>, vector<16xi32>
      %jit3A_1647 = arith.constant 128 : i32
      %eq3A_1648 = arith.constant 0 : i32
      %eq3A_1649 = arith.cmpi eq, %jit3A_1647, %eq3A_1648 : i32
      %jit3A_1650 = arith.constant 1 : i32
      %select_n3A_1651 = arith.select %eq3A_1649, %jit3A_1650, %jit3A_1647 : i32
      %rem3A_1652 = vector.broadcast %select_n3A_1651 : i32 to vector<16xi32>
      %rem3A_1653 = arith.remsi %add3A_1615, %rem3A_1652 : vector<16xi32>
      %ne3A_1654 = arith.constant 0 : i32
      %ne3A_1655 = vector.broadcast %ne3A_1654 : i32 to vector<16xi32>
      %ne3A_1656 = arith.cmpi ne, %rem3A_1653, %ne3A_1655 : vector<16xi32>
      %lt3A_1657 = arith.constant 0 : i32
      %lt3A_1658 = vector.broadcast %lt3A_1657 : i32 to vector<16xi32>
      %lt3A_1659 = arith.cmpi slt, %rem3A_1653, %lt3A_1658 : vector<16xi32>
      %lt3A_1660 = arith.constant 0 : i32
      %lt3A_1661 = arith.cmpi slt, %select_n3A_1651, %lt3A_1660 : i32
      %ne3A_1662 = vector.broadcast %lt3A_1661 : i1 to vector<16xi1>
      %ne3A_1663 = vector.broadcast %ne3A_1662 : vector<16xi1> to vector<16xi1>
      %ne3A_1664 = arith.xori %lt3A_1659, %ne3A_1663 : vector<16xi1>
      %and3A_1665 = arith.andi %ne3A_1664, %ne3A_1656 : vector<16xi1>
      %add3A_1666 = vector.broadcast %select_n3A_1651 : i32 to vector<16xi32>
      %add3A_1667 = arith.addi %rem3A_1653, %add3A_1666 : vector<16xi32>
      %select_n3A_1668 = arith.select %and3A_1665, %add3A_1667, %rem3A_1653 : vector<16xi1>, vector<16xi32>
      %gather3A_1669 = tpu.vector_load_idx %arg5[%select_n3A_1646, %select_n3A_1668] : memref<128x128xi32, #tpu.memory_space<vmem>>[vector<16xi32>, vector<16xi32>], vector<16xi32>,
      %mul3A_1670 = arith.constant 16 : i32
      %mul3A_1671 = arith.muli %scan3A_167, %mul3A_1670 : i32
      %swap3A_1672 = arith.constant 24 : i32
      %swap3A_1673 = arith.index_cast %swap3A_1672 : i32 to index
      %swap3A_1674 = arith.index_cast %mul3A_1671 : i32 to index
      %swap3A_1675 = tpu.vector_load %arg6[%swap3A_1673, %swap3A_1674] {strides = array<i32>} : memref<32x512xi32, #tpu.memory_space<vmem>>, vector<16xi32>,
      tpu.vector_store %arg6[%swap3A_1673, %swap3A_1674], %gather3A_1669 {strides = array<i32>} : memref<32x512xi32, #tpu.memory_space<vmem>>, vector<16xi32>,
      %add3A_1676 = arith.constant 25 : i32
      %add3A_1677 = vector.broadcast %add3A_1676 : i32 to vector<16xi32>
      %add3A_1678 = arith.addi %mul3A_175, %add3A_1677 : vector<16xi32>
      %jit3A_1679 = arith.constant 128 : i32
      %div3A_1680 = vector.broadcast %jit3A_1679 : i32 to vector<16xi32>
      %div3A_1681 = arith.divsi %add3A_1678, %div3A_1680 : vector<16xi32>
      %sign3A_1682 = arith.constant 0 : i32
      %sign3A_1683 = vector.broadcast %sign3A_1682 : i32 to vector<16xi32>
      %sign3A_1684 = arith.cmpi sgt, %add3A_1678, %sign3A_1683 : vector<16xi32>
      %sign3A_1685 = arith.extui %sign3A_1684 : vector<16xi1> to vector<16xi32>
      %sign3A_1686 = arith.constant 0 : i32
      %sign3A_1687 = vector.broadcast %sign3A_1686 : i32 to vector<16xi32>
      %sign3A_1688 = arith.cmpi slt, %add3A_1678, %sign3A_1687 : vector<16xi32>
      %sign3A_1689 = arith.extui %sign3A_1688 : vector<16xi1> to vector<16xi32>
      %sign3A_1690 = arith.subi %sign3A_1685, %sign3A_1689 : vector<16xi32>
      %sign3A_1691 = arith.constant 0 : i32
      %sign3A_1692 = arith.cmpi sgt, %jit3A_1679, %sign3A_1691 : i32
      %sign3A_1693 = arith.extui %sign3A_1692 : i1 to i32
      %sign3A_1694 = arith.constant 0 : i32
      %sign3A_1695 = arith.cmpi slt, %jit3A_1679, %sign3A_1694 : i32
      %sign3A_1696 = arith.extui %sign3A_1695 : i1 to i32
      %sign3A_1697 = arith.subi %sign3A_1693, %sign3A_1696 : i32
      %ne3A_1698 = vector.broadcast %sign3A_1697 : i32 to vector<16xi32>
      %ne3A_1699 = arith.cmpi ne, %sign3A_1690, %ne3A_1698 : vector<16xi32>
      %rem3A_1700 = vector.broadcast %jit3A_1679 : i32 to vector<16xi32>
      %rem3A_1701 = arith.remsi %add3A_1678, %rem3A_1700 : vector<16xi32>
      %ne3A_1702 = arith.constant 0 : i32
      %ne3A_1703 = vector.broadcast %ne3A_1702 : i32 to vector<16xi32>
      %ne3A_1704 = arith.cmpi ne, %rem3A_1701, %ne3A_1703 : vector<16xi32>
      %and3A_1705 = arith.andi %ne3A_1699, %ne3A_1704 : vector<16xi1>
      %sub3A_1706 = arith.constant 1 : i32
      %sub3A_1707 = vector.broadcast %sub3A_1706 : i32 to vector<16xi32>
      %sub3A_1708 = arith.subi %div3A_1681, %sub3A_1707 : vector<16xi32>
      %select_n3A_1709 = arith.select %and3A_1705, %sub3A_1708, %div3A_1681 : vector<16xi1>, vector<16xi32>
      %jit3A_1710 = arith.constant 128 : i32
      %eq3A_1711 = arith.constant 0 : i32
      %eq3A_1712 = arith.cmpi eq, %jit3A_1710, %eq3A_1711 : i32
      %jit3A_1713 = arith.constant 1 : i32
      %select_n3A_1714 = arith.select %eq3A_1712, %jit3A_1713, %jit3A_1710 : i32
      %rem3A_1715 = vector.broadcast %select_n3A_1714 : i32 to vector<16xi32>
      %rem3A_1716 = arith.remsi %add3A_1678, %rem3A_1715 : vector<16xi32>
      %ne3A_1717 = arith.constant 0 : i32
      %ne3A_1718 = vector.broadcast %ne3A_1717 : i32 to vector<16xi32>
      %ne3A_1719 = arith.cmpi ne, %rem3A_1716, %ne3A_1718 : vector<16xi32>
      %lt3A_1720 = arith.constant 0 : i32
      %lt3A_1721 = vector.broadcast %lt3A_1720 : i32 to vector<16xi32>
      %lt3A_1722 = arith.cmpi slt, %rem3A_1716, %lt3A_1721 : vector<16xi32>
      %lt3A_1723 = arith.constant 0 : i32
      %lt3A_1724 = arith.cmpi slt, %select_n3A_1714, %lt3A_1723 : i32
      %ne3A_1725 = vector.broadcast %lt3A_1724 : i1 to vector<16xi1>
      %ne3A_1726 = vector.broadcast %ne3A_1725 : vector<16xi1> to vector<16xi1>
      %ne3A_1727 = arith.xori %lt3A_1722, %ne3A_1726 : vector<16xi1>
      %and3A_1728 = arith.andi %ne3A_1727, %ne3A_1719 : vector<16xi1>
      %add3A_1729 = vector.broadcast %select_n3A_1714 : i32 to vector<16xi32>
      %add3A_1730 = arith.addi %rem3A_1716, %add3A_1729 : vector<16xi32>
      %select_n3A_1731 = arith.select %and3A_1728, %add3A_1730, %rem3A_1716 : vector<16xi1>, vector<16xi32>
      %gather3A_1732 = tpu.vector_load_idx %arg5[%select_n3A_1709, %select_n3A_1731] : memref<128x128xi32, #tpu.memory_space<vmem>>[vector<16xi32>, vector<16xi32>], vector<16xi32>,
      %mul3A_1733 = arith.constant 16 : i32
      %mul3A_1734 = arith.muli %scan3A_167, %mul3A_1733 : i32
      %swap3A_1735 = arith.constant 25 : i32
      %swap3A_1736 = arith.index_cast %swap3A_1735 : i32 to index
      %swap3A_1737 = arith.index_cast %mul3A_1734 : i32 to index
      %swap3A_1738 = tpu.vector_load %arg6[%swap3A_1736, %swap3A_1737] {strides = array<i32>} : memref<32x512xi32, #tpu.memory_space<vmem>>, vector<16xi32>,
      tpu.vector_store %arg6[%swap3A_1736, %swap3A_1737], %gather3A_1732 {strides = array<i32>} : memref<32x512xi32, #tpu.memory_space<vmem>>, vector<16xi32>,
      %add3A_1739 = arith.constant 26 : i32
      %add3A_1740 = vector.broadcast %add3A_1739 : i32 to vector<16xi32>
      %add3A_1741 = arith.addi %mul3A_175, %add3A_1740 : vector<16xi32>
      %jit3A_1742 = arith.constant 128 : i32
      %div3A_1743 = vector.broadcast %jit3A_1742 : i32 to vector<16xi32>
      %div3A_1744 = arith.divsi %add3A_1741, %div3A_1743 : vector<16xi32>
      %sign3A_1745 = arith.constant 0 : i32
      %sign3A_1746 = vector.broadcast %sign3A_1745 : i32 to vector<16xi32>
      %sign3A_1747 = arith.cmpi sgt, %add3A_1741, %sign3A_1746 : vector<16xi32>
      %sign3A_1748 = arith.extui %sign3A_1747 : vector<16xi1> to vector<16xi32>
      %sign3A_1749 = arith.constant 0 : i32
      %sign3A_1750 = vector.broadcast %sign3A_1749 : i32 to vector<16xi32>
      %sign3A_1751 = arith.cmpi slt, %add3A_1741, %sign3A_1750 : vector<16xi32>
      %sign3A_1752 = arith.extui %sign3A_1751 : vector<16xi1> to vector<16xi32>
      %sign3A_1753 = arith.subi %sign3A_1748, %sign3A_1752 : vector<16xi32>
      %sign3A_1754 = arith.constant 0 : i32
      %sign3A_1755 = arith.cmpi sgt, %jit3A_1742, %sign3A_1754 : i32
      %sign3A_1756 = arith.extui %sign3A_1755 : i1 to i32
      %sign3A_1757 = arith.constant 0 : i32
      %sign3A_1758 = arith.cmpi slt, %jit3A_1742, %sign3A_1757 : i32
      %sign3A_1759 = arith.extui %sign3A_1758 : i1 to i32
      %sign3A_1760 = arith.subi %sign3A_1756, %sign3A_1759 : i32
      %ne3A_1761 = vector.broadcast %sign3A_1760 : i32 to vector<16xi32>
      %ne3A_1762 = arith.cmpi ne, %sign3A_1753, %ne3A_1761 : vector<16xi32>
      %rem3A_1763 = vector.broadcast %jit3A_1742 : i32 to vector<16xi32>
      %rem3A_1764 = arith.remsi %add3A_1741, %rem3A_1763 : vector<16xi32>
      %ne3A_1765 = arith.constant 0 : i32
      %ne3A_1766 = vector.broadcast %ne3A_1765 : i32 to vector<16xi32>
      %ne3A_1767 = arith.cmpi ne, %rem3A_1764, %ne3A_1766 : vector<16xi32>
      %and3A_1768 = arith.andi %ne3A_1762, %ne3A_1767 : vector<16xi1>
      %sub3A_1769 = arith.constant 1 : i32
      %sub3A_1770 = vector.broadcast %sub3A_1769 : i32 to vector<16xi32>
      %sub3A_1771 = arith.subi %div3A_1744, %sub3A_1770 : vector<16xi32>
      %select_n3A_1772 = arith.select %and3A_1768, %sub3A_1771, %div3A_1744 : vector<16xi1>, vector<16xi32>
      %jit3A_1773 = arith.constant 128 : i32
      %eq3A_1774 = arith.constant 0 : i32
      %eq3A_1775 = arith.cmpi eq, %jit3A_1773, %eq3A_1774 : i32
      %jit3A_1776 = arith.constant 1 : i32
      %select_n3A_1777 = arith.select %eq3A_1775, %jit3A_1776, %jit3A_1773 : i32
      %rem3A_1778 = vector.broadcast %select_n3A_1777 : i32 to vector<16xi32>
      %rem3A_1779 = arith.remsi %add3A_1741, %rem3A_1778 : vector<16xi32>
      %ne3A_1780 = arith.constant 0 : i32
      %ne3A_1781 = vector.broadcast %ne3A_1780 : i32 to vector<16xi32>
      %ne3A_1782 = arith.cmpi ne, %rem3A_1779, %ne3A_1781 : vector<16xi32>
      %lt3A_1783 = arith.constant 0 : i32
      %lt3A_1784 = vector.broadcast %lt3A_1783 : i32 to vector<16xi32>
      %lt3A_1785 = arith.cmpi slt, %rem3A_1779, %lt3A_1784 : vector<16xi32>
      %lt3A_1786 = arith.constant 0 : i32
      %lt3A_1787 = arith.cmpi slt, %select_n3A_1777, %lt3A_1786 : i32
      %ne3A_1788 = vector.broadcast %lt3A_1787 : i1 to vector<16xi1>
      %ne3A_1789 = vector.broadcast %ne3A_1788 : vector<16xi1> to vector<16xi1>
      %ne3A_1790 = arith.xori %lt3A_1785, %ne3A_1789 : vector<16xi1>
      %and3A_1791 = arith.andi %ne3A_1790, %ne3A_1782 : vector<16xi1>
      %add3A_1792 = vector.broadcast %select_n3A_1777 : i32 to vector<16xi32>
      %add3A_1793 = arith.addi %rem3A_1779, %add3A_1792 : vector<16xi32>
      %select_n3A_1794 = arith.select %and3A_1791, %add3A_1793, %rem3A_1779 : vector<16xi1>, vector<16xi32>
      %gather3A_1795 = tpu.vector_load_idx %arg5[%select_n3A_1772, %select_n3A_1794] : memref<128x128xi32, #tpu.memory_space<vmem>>[vector<16xi32>, vector<16xi32>], vector<16xi32>,
      %mul3A_1796 = arith.constant 16 : i32
      %mul3A_1797 = arith.muli %scan3A_167, %mul3A_1796 : i32
      %swap3A_1798 = arith.constant 26 : i32
      %swap3A_1799 = arith.index_cast %swap3A_1798 : i32 to index
      %swap3A_1800 = arith.index_cast %mul3A_1797 : i32 to index
      %swap3A_1801 = tpu.vector_load %arg6[%swap3A_1799, %swap3A_1800] {strides = array<i32>} : memref<32x512xi32, #tpu.memory_space<vmem>>, vector<16xi32>,
      tpu.vector_store %arg6[%swap3A_1799, %swap3A_1800], %gather3A_1795 {strides = array<i32>} : memref<32x512xi32, #tpu.memory_space<vmem>>, vector<16xi32>,
      %add3A_1802 = arith.constant 27 : i32
      %add3A_1803 = vector.broadcast %add3A_1802 : i32 to vector<16xi32>
      %add3A_1804 = arith.addi %mul3A_175, %add3A_1803 : vector<16xi32>
      %jit3A_1805 = arith.constant 128 : i32
      %div3A_1806 = vector.broadcast %jit3A_1805 : i32 to vector<16xi32>
      %div3A_1807 = arith.divsi %add3A_1804, %div3A_1806 : vector<16xi32>
      %sign3A_1808 = arith.constant 0 : i32
      %sign3A_1809 = vector.broadcast %sign3A_1808 : i32 to vector<16xi32>
      %sign3A_1810 = arith.cmpi sgt, %add3A_1804, %sign3A_1809 : vector<16xi32>
      %sign3A_1811 = arith.extui %sign3A_1810 : vector<16xi1> to vector<16xi32>
      %sign3A_1812 = arith.constant 0 : i32
      %sign3A_1813 = vector.broadcast %sign3A_1812 : i32 to vector<16xi32>
      %sign3A_1814 = arith.cmpi slt, %add3A_1804, %sign3A_1813 : vector<16xi32>
      %sign3A_1815 = arith.extui %sign3A_1814 : vector<16xi1> to vector<16xi32>
      %sign3A_1816 = arith.subi %sign3A_1811, %sign3A_1815 : vector<16xi32>
      %sign3A_1817 = arith.constant 0 : i32
      %sign3A_1818 = arith.cmpi sgt, %jit3A_1805, %sign3A_1817 : i32
      %sign3A_1819 = arith.extui %sign3A_1818 : i1 to i32
      %sign3A_1820 = arith.constant 0 : i32
      %sign3A_1821 = arith.cmpi slt, %jit3A_1805, %sign3A_1820 : i32
      %sign3A_1822 = arith.extui %sign3A_1821 : i1 to i32
      %sign3A_1823 = arith.subi %sign3A_1819, %sign3A_1822 : i32
      %ne3A_1824 = vector.broadcast %sign3A_1823 : i32 to vector<16xi32>
      %ne3A_1825 = arith.cmpi ne, %sign3A_1816, %ne3A_1824 : vector<16xi32>
      %rem3A_1826 = vector.broadcast %jit3A_1805 : i32 to vector<16xi32>
      %rem3A_1827 = arith.remsi %add3A_1804, %rem3A_1826 : vector<16xi32>
      %ne3A_1828 = arith.constant 0 : i32
      %ne3A_1829 = vector.broadcast %ne3A_1828 : i32 to vector<16xi32>
      %ne3A_1830 = arith.cmpi ne, %rem3A_1827, %ne3A_1829 : vector<16xi32>
      %and3A_1831 = arith.andi %ne3A_1825, %ne3A_1830 : vector<16xi1>
      %sub3A_1832 = arith.constant 1 : i32
      %sub3A_1833 = vector.broadcast %sub3A_1832 : i32 to vector<16xi32>
      %sub3A_1834 = arith.subi %div3A_1807, %sub3A_1833 : vector<16xi32>
      %select_n3A_1835 = arith.select %and3A_1831, %sub3A_1834, %div3A_1807 : vector<16xi1>, vector<16xi32>
      %jit3A_1836 = arith.constant 128 : i32
      %eq3A_1837 = arith.constant 0 : i32
      %eq3A_1838 = arith.cmpi eq, %jit3A_1836, %eq3A_1837 : i32
      %jit3A_1839 = arith.constant 1 : i32
      %select_n3A_1840 = arith.select %eq3A_1838, %jit3A_1839, %jit3A_1836 : i32
      %rem3A_1841 = vector.broadcast %select_n3A_1840 : i32 to vector<16xi32>
      %rem3A_1842 = arith.remsi %add3A_1804, %rem3A_1841 : vector<16xi32>
      %ne3A_1843 = arith.constant 0 : i32
      %ne3A_1844 = vector.broadcast %ne3A_1843 : i32 to vector<16xi32>
      %ne3A_1845 = arith.cmpi ne, %rem3A_1842, %ne3A_1844 : vector<16xi32>
      %lt3A_1846 = arith.constant 0 : i32
      %lt3A_1847 = vector.broadcast %lt3A_1846 : i32 to vector<16xi32>
      %lt3A_1848 = arith.cmpi slt, %rem3A_1842, %lt3A_1847 : vector<16xi32>
      %lt3A_1849 = arith.constant 0 : i32
      %lt3A_1850 = arith.cmpi slt, %select_n3A_1840, %lt3A_1849 : i32
      %ne3A_1851 = vector.broadcast %lt3A_1850 : i1 to vector<16xi1>
      %ne3A_1852 = vector.broadcast %ne3A_1851 : vector<16xi1> to vector<16xi1>
      %ne3A_1853 = arith.xori %lt3A_1848, %ne3A_1852 : vector<16xi1>
      %and3A_1854 = arith.andi %ne3A_1853, %ne3A_1845 : vector<16xi1>
      %add3A_1855 = vector.broadcast %select_n3A_1840 : i32 to vector<16xi32>
      %add3A_1856 = arith.addi %rem3A_1842, %add3A_1855 : vector<16xi32>
      %select_n3A_1857 = arith.select %and3A_1854, %add3A_1856, %rem3A_1842 : vector<16xi1>, vector<16xi32>
      %gather3A_1858 = tpu.vector_load_idx %arg5[%select_n3A_1835, %select_n3A_1857] : memref<128x128xi32, #tpu.memory_space<vmem>>[vector<16xi32>, vector<16xi32>], vector<16xi32>,
      %mul3A_1859 = arith.constant 16 : i32
      %mul3A_1860 = arith.muli %scan3A_167, %mul3A_1859 : i32
      %swap3A_1861 = arith.constant 27 : i32
      %swap3A_1862 = arith.index_cast %swap3A_1861 : i32 to index
      %swap3A_1863 = arith.index_cast %mul3A_1860 : i32 to index
      %swap3A_1864 = tpu.vector_load %arg6[%swap3A_1862, %swap3A_1863] {strides = array<i32>} : memref<32x512xi32, #tpu.memory_space<vmem>>, vector<16xi32>,
      tpu.vector_store %arg6[%swap3A_1862, %swap3A_1863], %gather3A_1858 {strides = array<i32>} : memref<32x512xi32, #tpu.memory_space<vmem>>, vector<16xi32>,
      %add3A_1865 = arith.constant 28 : i32
      %add3A_1866 = vector.broadcast %add3A_1865 : i32 to vector<16xi32>
      %add3A_1867 = arith.addi %mul3A_175, %add3A_1866 : vector<16xi32>
      %jit3A_1868 = arith.constant 128 : i32
      %div3A_1869 = vector.broadcast %jit3A_1868 : i32 to vector<16xi32>
      %div3A_1870 = arith.divsi %add3A_1867, %div3A_1869 : vector<16xi32>
      %sign3A_1871 = arith.constant 0 : i32
      %sign3A_1872 = vector.broadcast %sign3A_1871 : i32 to vector<16xi32>
      %sign3A_1873 = arith.cmpi sgt, %add3A_1867, %sign3A_1872 : vector<16xi32>
      %sign3A_1874 = arith.extui %sign3A_1873 : vector<16xi1> to vector<16xi32>
      %sign3A_1875 = arith.constant 0 : i32
      %sign3A_1876 = vector.broadcast %sign3A_1875 : i32 to vector<16xi32>
      %sign3A_1877 = arith.cmpi slt, %add3A_1867, %sign3A_1876 : vector<16xi32>
      %sign3A_1878 = arith.extui %sign3A_1877 : vector<16xi1> to vector<16xi32>
      %sign3A_1879 = arith.subi %sign3A_1874, %sign3A_1878 : vector<16xi32>
      %sign3A_1880 = arith.constant 0 : i32
      %sign3A_1881 = arith.cmpi sgt, %jit3A_1868, %sign3A_1880 : i32
      %sign3A_1882 = arith.extui %sign3A_1881 : i1 to i32
      %sign3A_1883 = arith.constant 0 : i32
      %sign3A_1884 = arith.cmpi slt, %jit3A_1868, %sign3A_1883 : i32
      %sign3A_1885 = arith.extui %sign3A_1884 : i1 to i32
      %sign3A_1886 = arith.subi %sign3A_1882, %sign3A_1885 : i32
      %ne3A_1887 = vector.broadcast %sign3A_1886 : i32 to vector<16xi32>
      %ne3A_1888 = arith.cmpi ne, %sign3A_1879, %ne3A_1887 : vector<16xi32>
      %rem3A_1889 = vector.broadcast %jit3A_1868 : i32 to vector<16xi32>
      %rem3A_1890 = arith.remsi %add3A_1867, %rem3A_1889 : vector<16xi32>
      %ne3A_1891 = arith.constant 0 : i32
      %ne3A_1892 = vector.broadcast %ne3A_1891 : i32 to vector<16xi32>
      %ne3A_1893 = arith.cmpi ne, %rem3A_1890, %ne3A_1892 : vector<16xi32>
      %and3A_1894 = arith.andi %ne3A_1888, %ne3A_1893 : vector<16xi1>
      %sub3A_1895 = arith.constant 1 : i32
      %sub3A_1896 = vector.broadcast %sub3A_1895 : i32 to vector<16xi32>
      %sub3A_1897 = arith.subi %div3A_1870, %sub3A_1896 : vector<16xi32>
      %select_n3A_1898 = arith.select %and3A_1894, %sub3A_1897, %div3A_1870 : vector<16xi1>, vector<16xi32>
      %jit3A_1899 = arith.constant 128 : i32
      %eq3A_1900 = arith.constant 0 : i32
      %eq3A_1901 = arith.cmpi eq, %jit3A_1899, %eq3A_1900 : i32
      %jit3A_1902 = arith.constant 1 : i32
      %select_n3A_1903 = arith.select %eq3A_1901, %jit3A_1902, %jit3A_1899 : i32
      %rem3A_1904 = vector.broadcast %select_n3A_1903 : i32 to vector<16xi32>
      %rem3A_1905 = arith.remsi %add3A_1867, %rem3A_1904 : vector<16xi32>
      %ne3A_1906 = arith.constant 0 : i32
      %ne3A_1907 = vector.broadcast %ne3A_1906 : i32 to vector<16xi32>
      %ne3A_1908 = arith.cmpi ne, %rem3A_1905, %ne3A_1907 : vector<16xi32>
      %lt3A_1909 = arith.constant 0 : i32
      %lt3A_1910 = vector.broadcast %lt3A_1909 : i32 to vector<16xi32>
      %lt3A_1911 = arith.cmpi slt, %rem3A_1905, %lt3A_1910 : vector<16xi32>
      %lt3A_1912 = arith.constant 0 : i32
      %lt3A_1913 = arith.cmpi slt, %select_n3A_1903, %lt3A_1912 : i32
      %ne3A_1914 = vector.broadcast %lt3A_1913 : i1 to vector<16xi1>
      %ne3A_1915 = vector.broadcast %ne3A_1914 : vector<16xi1> to vector<16xi1>
      %ne3A_1916 = arith.xori %lt3A_1911, %ne3A_1915 : vector<16xi1>
      %and3A_1917 = arith.andi %ne3A_1916, %ne3A_1908 : vector<16xi1>
      %add3A_1918 = vector.broadcast %select_n3A_1903 : i32 to vector<16xi32>
      %add3A_1919 = arith.addi %rem3A_1905, %add3A_1918 : vector<16xi32>
      %select_n3A_1920 = arith.select %and3A_1917, %add3A_1919, %rem3A_1905 : vector<16xi1>, vector<16xi32>
      %gather3A_1921 = tpu.vector_load_idx %arg5[%select_n3A_1898, %select_n3A_1920] : memref<128x128xi32, #tpu.memory_space<vmem>>[vector<16xi32>, vector<16xi32>], vector<16xi32>,
      %mul3A_1922 = arith.constant 16 : i32
      %mul3A_1923 = arith.muli %scan3A_167, %mul3A_1922 : i32
      %swap3A_1924 = arith.constant 28 : i32
      %swap3A_1925 = arith.index_cast %swap3A_1924 : i32 to index
      %swap3A_1926 = arith.index_cast %mul3A_1923 : i32 to index
      %swap3A_1927 = tpu.vector_load %arg6[%swap3A_1925, %swap3A_1926] {strides = array<i32>} : memref<32x512xi32, #tpu.memory_space<vmem>>, vector<16xi32>,
      tpu.vector_store %arg6[%swap3A_1925, %swap3A_1926], %gather3A_1921 {strides = array<i32>} : memref<32x512xi32, #tpu.memory_space<vmem>>, vector<16xi32>,
      %add3A_1928 = arith.constant 29 : i32
      %add3A_1929 = vector.broadcast %add3A_1928 : i32 to vector<16xi32>
      %add3A_1930 = arith.addi %mul3A_175, %add3A_1929 : vector<16xi32>
      %jit3A_1931 = arith.constant 128 : i32
      %div3A_1932 = vector.broadcast %jit3A_1931 : i32 to vector<16xi32>
      %div3A_1933 = arith.divsi %add3A_1930, %div3A_1932 : vector<16xi32>
      %sign3A_1934 = arith.constant 0 : i32
      %sign3A_1935 = vector.broadcast %sign3A_1934 : i32 to vector<16xi32>
      %sign3A_1936 = arith.cmpi sgt, %add3A_1930, %sign3A_1935 : vector<16xi32>
      %sign3A_1937 = arith.extui %sign3A_1936 : vector<16xi1> to vector<16xi32>
      %sign3A_1938 = arith.constant 0 : i32
      %sign3A_1939 = vector.broadcast %sign3A_1938 : i32 to vector<16xi32>
      %sign3A_1940 = arith.cmpi slt, %add3A_1930, %sign3A_1939 : vector<16xi32>
      %sign3A_1941 = arith.extui %sign3A_1940 : vector<16xi1> to vector<16xi32>
      %sign3A_1942 = arith.subi %sign3A_1937, %sign3A_1941 : vector<16xi32>
      %sign3A_1943 = arith.constant 0 : i32
      %sign3A_1944 = arith.cmpi sgt, %jit3A_1931, %sign3A_1943 : i32
      %sign3A_1945 = arith.extui %sign3A_1944 : i1 to i32
      %sign3A_1946 = arith.constant 0 : i32
      %sign3A_1947 = arith.cmpi slt, %jit3A_1931, %sign3A_1946 : i32
      %sign3A_1948 = arith.extui %sign3A_1947 : i1 to i32
      %sign3A_1949 = arith.subi %sign3A_1945, %sign3A_1948 : i32
      %ne3A_1950 = vector.broadcast %sign3A_1949 : i32 to vector<16xi32>
      %ne3A_1951 = arith.cmpi ne, %sign3A_1942, %ne3A_1950 : vector<16xi32>
      %rem3A_1952 = vector.broadcast %jit3A_1931 : i32 to vector<16xi32>
      %rem3A_1953 = arith.remsi %add3A_1930, %rem3A_1952 : vector<16xi32>
      %ne3A_1954 = arith.constant 0 : i32
      %ne3A_1955 = vector.broadcast %ne3A_1954 : i32 to vector<16xi32>
      %ne3A_1956 = arith.cmpi ne, %rem3A_1953, %ne3A_1955 : vector<16xi32>
      %and3A_1957 = arith.andi %ne3A_1951, %ne3A_1956 : vector<16xi1>
      %sub3A_1958 = arith.constant 1 : i32
      %sub3A_1959 = vector.broadcast %sub3A_1958 : i32 to vector<16xi32>
      %sub3A_1960 = arith.subi %div3A_1933, %sub3A_1959 : vector<16xi32>
      %select_n3A_1961 = arith.select %and3A_1957, %sub3A_1960, %div3A_1933 : vector<16xi1>, vector<16xi32>
      %jit3A_1962 = arith.constant 128 : i32
      %eq3A_1963 = arith.constant 0 : i32
      %eq3A_1964 = arith.cmpi eq, %jit3A_1962, %eq3A_1963 : i32
      %jit3A_1965 = arith.constant 1 : i32
      %select_n3A_1966 = arith.select %eq3A_1964, %jit3A_1965, %jit3A_1962 : i32
      %rem3A_1967 = vector.broadcast %select_n3A_1966 : i32 to vector<16xi32>
      %rem3A_1968 = arith.remsi %add3A_1930, %rem3A_1967 : vector<16xi32>
      %ne3A_1969 = arith.constant 0 : i32
      %ne3A_1970 = vector.broadcast %ne3A_1969 : i32 to vector<16xi32>
      %ne3A_1971 = arith.cmpi ne, %rem3A_1968, %ne3A_1970 : vector<16xi32>
      %lt3A_1972 = arith.constant 0 : i32
      %lt3A_1973 = vector.broadcast %lt3A_1972 : i32 to vector<16xi32>
      %lt3A_1974 = arith.cmpi slt, %rem3A_1968, %lt3A_1973 : vector<16xi32>
      %lt3A_1975 = arith.constant 0 : i32
      %lt3A_1976 = arith.cmpi slt, %select_n3A_1966, %lt3A_1975 : i32
      %ne3A_1977 = vector.broadcast %lt3A_1976 : i1 to vector<16xi1>
      %ne3A_1978 = vector.broadcast %ne3A_1977 : vector<16xi1> to vector<16xi1>
      %ne3A_1979 = arith.xori %lt3A_1974, %ne3A_1978 : vector<16xi1>
      %and3A_1980 = arith.andi %ne3A_1979, %ne3A_1971 : vector<16xi1>
      %add3A_1981 = vector.broadcast %select_n3A_1966 : i32 to vector<16xi32>
      %add3A_1982 = arith.addi %rem3A_1968, %add3A_1981 : vector<16xi32>
      %select_n3A_1983 = arith.select %and3A_1980, %add3A_1982, %rem3A_1968 : vector<16xi1>, vector<16xi32>
      %gather3A_1984 = tpu.vector_load_idx %arg5[%select_n3A_1961, %select_n3A_1983] : memref<128x128xi32, #tpu.memory_space<vmem>>[vector<16xi32>, vector<16xi32>], vector<16xi32>,
      %mul3A_1985 = arith.constant 16 : i32
      %mul3A_1986 = arith.muli %scan3A_167, %mul3A_1985 : i32
      %swap3A_1987 = arith.constant 29 : i32
      %swap3A_1988 = arith.index_cast %swap3A_1987 : i32 to index
      %swap3A_1989 = arith.index_cast %mul3A_1986 : i32 to index
      %swap3A_1990 = tpu.vector_load %arg6[%swap3A_1988, %swap3A_1989] {strides = array<i32>} : memref<32x512xi32, #tpu.memory_space<vmem>>, vector<16xi32>,
      tpu.vector_store %arg6[%swap3A_1988, %swap3A_1989], %gather3A_1984 {strides = array<i32>} : memref<32x512xi32, #tpu.memory_space<vmem>>, vector<16xi32>,
      %add3A_1991 = arith.constant 30 : i32
      %add3A_1992 = vector.broadcast %add3A_1991 : i32 to vector<16xi32>
      %add3A_1993 = arith.addi %mul3A_175, %add3A_1992 : vector<16xi32>
      %jit3A_1994 = arith.constant 128 : i32
      %div3A_1995 = vector.broadcast %jit3A_1994 : i32 to vector<16xi32>
      %div3A_1996 = arith.divsi %add3A_1993, %div3A_1995 : vector<16xi32>
      %sign3A_1997 = arith.constant 0 : i32
      %sign3A_1998 = vector.broadcast %sign3A_1997 : i32 to vector<16xi32>
      %sign3A_1999 = arith.cmpi sgt, %add3A_1993, %sign3A_1998 : vector<16xi32>
      %sign3A_2000 = arith.extui %sign3A_1999 : vector<16xi1> to vector<16xi32>
      %sign3A_2001 = arith.constant 0 : i32
      %sign3A_2002 = vector.broadcast %sign3A_2001 : i32 to vector<16xi32>
      %sign3A_2003 = arith.cmpi slt, %add3A_1993, %sign3A_2002 : vector<16xi32>
      %sign3A_2004 = arith.extui %sign3A_2003 : vector<16xi1> to vector<16xi32>
      %sign3A_2005 = arith.subi %sign3A_2000, %sign3A_2004 : vector<16xi32>
      %sign3A_2006 = arith.constant 0 : i32
      %sign3A_2007 = arith.cmpi sgt, %jit3A_1994, %sign3A_2006 : i32
      %sign3A_2008 = arith.extui %sign3A_2007 : i1 to i32
      %sign3A_2009 = arith.constant 0 : i32
      %sign3A_2010 = arith.cmpi slt, %jit3A_1994, %sign3A_2009 : i32
      %sign3A_2011 = arith.extui %sign3A_2010 : i1 to i32
      %sign3A_2012 = arith.subi %sign3A_2008, %sign3A_2011 : i32
      %ne3A_2013 = vector.broadcast %sign3A_2012 : i32 to vector<16xi32>
      %ne3A_2014 = arith.cmpi ne, %sign3A_2005, %ne3A_2013 : vector<16xi32>
      %rem3A_2015 = vector.broadcast %jit3A_1994 : i32 to vector<16xi32>
      %rem3A_2016 = arith.remsi %add3A_1993, %rem3A_2015 : vector<16xi32>
      %ne3A_2017 = arith.constant 0 : i32
      %ne3A_2018 = vector.broadcast %ne3A_2017 : i32 to vector<16xi32>
      %ne3A_2019 = arith.cmpi ne, %rem3A_2016, %ne3A_2018 : vector<16xi32>
      %and3A_2020 = arith.andi %ne3A_2014, %ne3A_2019 : vector<16xi1>
      %sub3A_2021 = arith.constant 1 : i32
      %sub3A_2022 = vector.broadcast %sub3A_2021 : i32 to vector<16xi32>
      %sub3A_2023 = arith.subi %div3A_1996, %sub3A_2022 : vector<16xi32>
      %select_n3A_2024 = arith.select %and3A_2020, %sub3A_2023, %div3A_1996 : vector<16xi1>, vector<16xi32>
      %jit3A_2025 = arith.constant 128 : i32
      %eq3A_2026 = arith.constant 0 : i32
      %eq3A_2027 = arith.cmpi eq, %jit3A_2025, %eq3A_2026 : i32
      %jit3A_2028 = arith.constant 1 : i32
      %select_n3A_2029 = arith.select %eq3A_2027, %jit3A_2028, %jit3A_2025 : i32
      %rem3A_2030 = vector.broadcast %select_n3A_2029 : i32 to vector<16xi32>
      %rem3A_2031 = arith.remsi %add3A_1993, %rem3A_2030 : vector<16xi32>
      %ne3A_2032 = arith.constant 0 : i32
      %ne3A_2033 = vector.broadcast %ne3A_2032 : i32 to vector<16xi32>
      %ne3A_2034 = arith.cmpi ne, %rem3A_2031, %ne3A_2033 : vector<16xi32>
      %lt3A_2035 = arith.constant 0 : i32
      %lt3A_2036 = vector.broadcast %lt3A_2035 : i32 to vector<16xi32>
      %lt3A_2037 = arith.cmpi slt, %rem3A_2031, %lt3A_2036 : vector<16xi32>
      %lt3A_2038 = arith.constant 0 : i32
      %lt3A_2039 = arith.cmpi slt, %select_n3A_2029, %lt3A_2038 : i32
      %ne3A_2040 = vector.broadcast %lt3A_2039 : i1 to vector<16xi1>
      %ne3A_2041 = vector.broadcast %ne3A_2040 : vector<16xi1> to vector<16xi1>
      %ne3A_2042 = arith.xori %lt3A_2037, %ne3A_2041 : vector<16xi1>
      %and3A_2043 = arith.andi %ne3A_2042, %ne3A_2034 : vector<16xi1>
      %add3A_2044 = vector.broadcast %select_n3A_2029 : i32 to vector<16xi32>
      %add3A_2045 = arith.addi %rem3A_2031, %add3A_2044 : vector<16xi32>
      %select_n3A_2046 = arith.select %and3A_2043, %add3A_2045, %rem3A_2031 : vector<16xi1>, vector<16xi32>
      %gather3A_2047 = tpu.vector_load_idx %arg5[%select_n3A_2024, %select_n3A_2046] : memref<128x128xi32, #tpu.memory_space<vmem>>[vector<16xi32>, vector<16xi32>], vector<16xi32>,
      %mul3A_2048 = arith.constant 16 : i32
      %mul3A_2049 = arith.muli %scan3A_167, %mul3A_2048 : i32
      %swap3A_2050 = arith.constant 30 : i32
      %swap3A_2051 = arith.index_cast %swap3A_2050 : i32 to index
      %swap3A_2052 = arith.index_cast %mul3A_2049 : i32 to index
      %swap3A_2053 = tpu.vector_load %arg6[%swap3A_2051, %swap3A_2052] {strides = array<i32>} : memref<32x512xi32, #tpu.memory_space<vmem>>, vector<16xi32>,
      tpu.vector_store %arg6[%swap3A_2051, %swap3A_2052], %gather3A_2047 {strides = array<i32>} : memref<32x512xi32, #tpu.memory_space<vmem>>, vector<16xi32>,
      %add3A_2054 = arith.constant 31 : i32
      %add3A_2055 = vector.broadcast %add3A_2054 : i32 to vector<16xi32>
      %add3A_2056 = arith.addi %mul3A_175, %add3A_2055 : vector<16xi32>
      %jit3A_2057 = arith.constant 128 : i32
      %div3A_2058 = vector.broadcast %jit3A_2057 : i32 to vector<16xi32>
      %div3A_2059 = arith.divsi %add3A_2056, %div3A_2058 : vector<16xi32>
      %sign3A_2060 = arith.constant 0 : i32
      %sign3A_2061 = vector.broadcast %sign3A_2060 : i32 to vector<16xi32>
      %sign3A_2062 = arith.cmpi sgt, %add3A_2056, %sign3A_2061 : vector<16xi32>
      %sign3A_2063 = arith.extui %sign3A_2062 : vector<16xi1> to vector<16xi32>
      %sign3A_2064 = arith.constant 0 : i32
      %sign3A_2065 = vector.broadcast %sign3A_2064 : i32 to vector<16xi32>
      %sign3A_2066 = arith.cmpi slt, %add3A_2056, %sign3A_2065 : vector<16xi32>
      %sign3A_2067 = arith.extui %sign3A_2066 : vector<16xi1> to vector<16xi32>
      %sign3A_2068 = arith.subi %sign3A_2063, %sign3A_2067 : vector<16xi32>
      %sign3A_2069 = arith.constant 0 : i32
      %sign3A_2070 = arith.cmpi sgt, %jit3A_2057, %sign3A_2069 : i32
      %sign3A_2071 = arith.extui %sign3A_2070 : i1 to i32
      %sign3A_2072 = arith.constant 0 : i32
      %sign3A_2073 = arith.cmpi slt, %jit3A_2057, %sign3A_2072 : i32
      %sign3A_2074 = arith.extui %sign3A_2073 : i1 to i32
      %sign3A_2075 = arith.subi %sign3A_2071, %sign3A_2074 : i32
      %ne3A_2076 = vector.broadcast %sign3A_2075 : i32 to vector<16xi32>
      %ne3A_2077 = arith.cmpi ne, %sign3A_2068, %ne3A_2076 : vector<16xi32>
      %rem3A_2078 = vector.broadcast %jit3A_2057 : i32 to vector<16xi32>
      %rem3A_2079 = arith.remsi %add3A_2056, %rem3A_2078 : vector<16xi32>
      %ne3A_2080 = arith.constant 0 : i32
      %ne3A_2081 = vector.broadcast %ne3A_2080 : i32 to vector<16xi32>
      %ne3A_2082 = arith.cmpi ne, %rem3A_2079, %ne3A_2081 : vector<16xi32>
      %and3A_2083 = arith.andi %ne3A_2077, %ne3A_2082 : vector<16xi1>
      %sub3A_2084 = arith.constant 1 : i32
      %sub3A_2085 = vector.broadcast %sub3A_2084 : i32 to vector<16xi32>
      %sub3A_2086 = arith.subi %div3A_2059, %sub3A_2085 : vector<16xi32>
      %select_n3A_2087 = arith.select %and3A_2083, %sub3A_2086, %div3A_2059 : vector<16xi1>, vector<16xi32>
      %jit3A_2088 = arith.constant 128 : i32
      %eq3A_2089 = arith.constant 0 : i32
      %eq3A_2090 = arith.cmpi eq, %jit3A_2088, %eq3A_2089 : i32
      %jit3A_2091 = arith.constant 1 : i32
      %select_n3A_2092 = arith.select %eq3A_2090, %jit3A_2091, %jit3A_2088 : i32
      %rem3A_2093 = vector.broadcast %select_n3A_2092 : i32 to vector<16xi32>
      %rem3A_2094 = arith.remsi %add3A_2056, %rem3A_2093 : vector<16xi32>
      %ne3A_2095 = arith.constant 0 : i32
      %ne3A_2096 = vector.broadcast %ne3A_2095 : i32 to vector<16xi32>
      %ne3A_2097 = arith.cmpi ne, %rem3A_2094, %ne3A_2096 : vector<16xi32>
      %lt3A_2098 = arith.constant 0 : i32
      %lt3A_2099 = vector.broadcast %lt3A_2098 : i32 to vector<16xi32>
      %lt3A_2100 = arith.cmpi slt, %rem3A_2094, %lt3A_2099 : vector<16xi32>
      %lt3A_2101 = arith.constant 0 : i32
      %lt3A_2102 = arith.cmpi slt, %select_n3A_2092, %lt3A_2101 : i32
      %ne3A_2103 = vector.broadcast %lt3A_2102 : i1 to vector<16xi1>
      %ne3A_2104 = vector.broadcast %ne3A_2103 : vector<16xi1> to vector<16xi1>
      %ne3A_2105 = arith.xori %lt3A_2100, %ne3A_2104 : vector<16xi1>
      %and3A_2106 = arith.andi %ne3A_2105, %ne3A_2097 : vector<16xi1>
      %add3A_2107 = vector.broadcast %select_n3A_2092 : i32 to vector<16xi32>
      %add3A_2108 = arith.addi %rem3A_2094, %add3A_2107 : vector<16xi32>
      %select_n3A_2109 = arith.select %and3A_2106, %add3A_2108, %rem3A_2094 : vector<16xi1>, vector<16xi32>
      %gather3A_2110 = tpu.vector_load_idx %arg5[%select_n3A_2087, %select_n3A_2109] : memref<128x128xi32, #tpu.memory_space<vmem>>[vector<16xi32>, vector<16xi32>], vector<16xi32>,
      %mul3A_2111 = arith.constant 16 : i32
      %mul3A_2112 = arith.muli %scan3A_167, %mul3A_2111 : i32
      %swap3A_2113 = arith.constant 31 : i32
      %swap3A_2114 = arith.index_cast %swap3A_2113 : i32 to index
      %swap3A_2115 = arith.index_cast %mul3A_2112 : i32 to index
      %swap3A_2116 = tpu.vector_load %arg6[%swap3A_2114, %swap3A_2115] {strides = array<i32>} : memref<32x512xi32, #tpu.memory_space<vmem>>, vector<16xi32>,
      tpu.vector_store %arg6[%swap3A_2114, %swap3A_2115], %gather3A_2110 {strides = array<i32>} : memref<32x512xi32, #tpu.memory_space<vmem>>, vector<16xi32>,
      %scan3A_2117 = arith.constant 0 : i32
      scf.yield %scan3A_2117 : i32
    }
    %scan3A_136 = arith.constant 32 : i32
    %scan3A_137 = arith.constant 0 : i32
    %scan3A_138 = arith.constant 1 : i32
    %scan3A_139 = arith.constant 32 : i32
    %scan3A_140 = arith.addi %scan3A_138, %scan3A_139 : i32
    %scan3A_141 = arith.constant 1 : i32
    %scan3A_142 = scf.for %scan3A_167 = %scan3A_138 to %scan3A_140 step %scan3A_141 iter_args(%scan3A_168 = %scan3A_137) -> (i32)  : i32 {
      %dma_wait3A = arith.constant 0 : i32
      %dma_wait3A_169 = arith.constant 0 : i32
      %dma_wait3A_170 = arith.constant 0 : i32
      %dma_wait3A_171 = arith.constant 0 : i32
      %dma_wait3A_172 = arith.constant 0 : i32
      %dma_wait3A_173 = tpu.memref_slice %arg7[%dma_wait3A_169, %dma_wait3A_171, %dma_wait3A_172] : memref<8x64x128xf32, #tpu.memory_space<vmem>> -> memref<1x64x128xf32, #tpu.memory_space<vmem>>
      %dma_wait3A_174 = tpu.memref_squeeze %dma_wait3A_173 : memref<1x64x128xf32, #tpu.memory_space<vmem>> -> memref<64x128xf32, #tpu.memory_space<vmem>>
      %dma_wait3A_175 = arith.constant 0 : i32
      %dma_wait3A_176 = tpu.memref_slice %arg6[%dma_wait3A, %dma_wait3A_175] : memref<32x512xi32, #tpu.memory_space<vmem>> -> memref<1x64xi32, #tpu.memory_space<vmem>>
      %dma_wait3A_177 = tpu.memref_squeeze %dma_wait3A_176 : memref<1x64xi32, #tpu.memory_space<vmem>> -> memref<64xi32, #tpu.memory_space<vmem>>
      %dma_wait3A_178 = arith.constant 0 : i32
      %dma_wait3A_179 = arith.constant 0 : i32
      %dma_wait3A_180 = tpu.memref_slice %arg3[%dma_wait3A_178, %dma_wait3A_179] : memref<100000x128xf32, #tpu.memory_space<hbm>> -> memref<100000x128xf32, #tpu.memory_space<hbm>>
      %dma_wait3A_181 = tpu.memref_slice %arg9[%dma_wait3A_170] : memref<8x!tpu.dma_semaphore, #tpu.memory_space<semaphore_mem>> -> memref<1x!tpu.dma_semaphore, #tpu.memory_space<semaphore_mem>>
      %dma_wait3A_182 = tpu.memref_squeeze %dma_wait3A_181 : memref<1x!tpu.dma_semaphore, #tpu.memory_space<semaphore_mem>> -> memref<!tpu.dma_semaphore, #tpu.memory_space<semaphore_mem>>
      tpu.wait_indirect_dma semaphore(%dma_wait3A_182 : memref<!tpu.dma_semaphore, #tpu.memory_space<semaphore_mem>>) src(%dma_wait3A_180 : memref<100000x128xf32, #tpu.memory_space<hbm>>) dst(%dma_wait3A_174 : memref<64x128xf32, #tpu.memory_space<vmem>>)
      %lt3A = arith.constant 32 : i32
      %lt3A_183 = arith.cmpi slt, %scan3A_167, %lt3A : i32
      %convert_element_type3A = arith.extui %lt3A_183 : i1 to i32
      %cond3A = arith.constant 0 : i32
      %cond3A_184 = arith.cmpi ne, %convert_element_type3A, %cond3A : i32
      scf.if %cond3A_184 {
        %dma_start3A_326 = arith.constant 0 : i32
        %dma_start3A_327 = arith.constant 0 : i32
        %dma_start3A_328 = arith.constant 0 : i32
        %dma_start3A_329 = arith.constant 0 : i32
        %dma_start3A_330 = tpu.memref_slice %arg7[%dma_start3A_326, %dma_start3A_328, %dma_start3A_329] : memref<8x64x128xf32, #tpu.memory_space<vmem>> -> memref<1x64x128xf32, #tpu.memory_space<vmem>>
        %dma_start3A_331 = tpu.memref_squeeze %dma_start3A_330 : memref<1x64x128xf32, #tpu.memory_space<vmem>> -> memref<64x128xf32, #tpu.memory_space<vmem>>
        %dma_start3A_332 = arith.constant 0 : i32
        %dma_start3A_333 = tpu.memref_slice %arg6[%scan3A_167, %dma_start3A_332] : memref<32x512xi32, #tpu.memory_space<vmem>> -> memref<1x64xi32, #tpu.memory_space<vmem>>
        %dma_start3A_334 = tpu.memref_squeeze %dma_start3A_333 : memref<1x64xi32, #tpu.memory_space<vmem>> -> memref<64xi32, #tpu.memory_space<vmem>>
        %dma_start3A_335 = arith.constant 0 : i32
        %dma_start3A_336 = arith.constant 0 : i32
        %dma_start3A_337 = tpu.memref_slice %arg3[%dma_start3A_335, %dma_start3A_336] : memref<100000x128xf32, #tpu.memory_space<hbm>> -> memref<100000x128xf32, #tpu.memory_space<hbm>>
        %dma_start3A_338 = tpu.memref_slice %arg9[%dma_start3A_327] : memref<8x!tpu.dma_semaphore, #tpu.memory_space<semaphore_mem>> -> memref<1x!tpu.dma_semaphore, #tpu.memory_space<semaphore_mem>>
        %dma_start3A_339 = tpu.memref_squeeze %dma_start3A_338 : memref<1x!tpu.dma_semaphore, #tpu.memory_space<semaphore_mem>> -> memref<!tpu.dma_semaphore, #tpu.memory_space<semaphore_mem>>
        tpu.enqueue_indirect_dma source(%dma_start3A_337 : memref<100000x128xf32, #tpu.memory_space<hbm>>) target(%dma_start3A_331 : memref<64x128xf32, #tpu.memory_space<vmem>>) offsets(%dma_start3A_334 : memref<64xi32, #tpu.memory_space<vmem>>) semaphore(%dma_start3A_339 : memref<!tpu.dma_semaphore, #tpu.memory_space<semaphore_mem>>) {add = true}
      } else {
      }
      %dma_wait3A_185 = arith.constant 0 : i32
      %dma_wait3A_186 = arith.constant 1 : i32
      %dma_wait3A_187 = arith.constant 1 : i32
      %dma_wait3A_188 = arith.constant 0 : i32
      %dma_wait3A_189 = arith.constant 0 : i32
      %dma_wait3A_190 = tpu.memref_slice %arg7[%dma_wait3A_186, %dma_wait3A_188, %dma_wait3A_189] : memref<8x64x128xf32, #tpu.memory_space<vmem>> -> memref<1x64x128xf32, #tpu.memory_space<vmem>>
      %dma_wait3A_191 = tpu.memref_squeeze %dma_wait3A_190 : memref<1x64x128xf32, #tpu.memory_space<vmem>> -> memref<64x128xf32, #tpu.memory_space<vmem>>
      %dma_wait3A_192 = arith.constant 64 : i32
      %dma_wait3A_193 = tpu.memref_slice %arg6[%dma_wait3A_185, %dma_wait3A_192] : memref<32x512xi32, #tpu.memory_space<vmem>> -> memref<1x64xi32, #tpu.memory_space<vmem>>
      %dma_wait3A_194 = tpu.memref_squeeze %dma_wait3A_193 : memref<1x64xi32, #tpu.memory_space<vmem>> -> memref<64xi32, #tpu.memory_space<vmem>>
      %dma_wait3A_195 = arith.constant 0 : i32
      %dma_wait3A_196 = arith.constant 0 : i32
      %dma_wait3A_197 = tpu.memref_slice %arg3[%dma_wait3A_195, %dma_wait3A_196] : memref<100000x128xf32, #tpu.memory_space<hbm>> -> memref<100000x128xf32, #tpu.memory_space<hbm>>
      %dma_wait3A_198 = tpu.memref_slice %arg9[%dma_wait3A_187] : memref<8x!tpu.dma_semaphore, #tpu.memory_space<semaphore_mem>> -> memref<1x!tpu.dma_semaphore, #tpu.memory_space<semaphore_mem>>
      %dma_wait3A_199 = tpu.memref_squeeze %dma_wait3A_198 : memref<1x!tpu.dma_semaphore, #tpu.memory_space<semaphore_mem>> -> memref<!tpu.dma_semaphore, #tpu.memory_space<semaphore_mem>>
      tpu.wait_indirect_dma semaphore(%dma_wait3A_199 : memref<!tpu.dma_semaphore, #tpu.memory_space<semaphore_mem>>) src(%dma_wait3A_197 : memref<100000x128xf32, #tpu.memory_space<hbm>>) dst(%dma_wait3A_191 : memref<64x128xf32, #tpu.memory_space<vmem>>)
      %lt3A_200 = arith.constant 32 : i32
      %lt3A_201 = arith.cmpi slt, %scan3A_167, %lt3A_200 : i32
      %convert_element_type3A_202 = arith.extui %lt3A_201 : i1 to i32
      %cond3A_203 = arith.constant 0 : i32
      %cond3A_204 = arith.cmpi ne, %convert_element_type3A_202, %cond3A_203 : i32
      scf.if %cond3A_204 {
        %dma_start3A_326 = arith.constant 1 : i32
        %dma_start3A_327 = arith.constant 1 : i32
        %dma_start3A_328 = arith.constant 0 : i32
        %dma_start3A_329 = arith.constant 0 : i32
        %dma_start3A_330 = tpu.memref_slice %arg7[%dma_start3A_326, %dma_start3A_328, %dma_start3A_329] : memref<8x64x128xf32, #tpu.memory_space<vmem>> -> memref<1x64x128xf32, #tpu.memory_space<vmem>>
        %dma_start3A_331 = tpu.memref_squeeze %dma_start3A_330 : memref<1x64x128xf32, #tpu.memory_space<vmem>> -> memref<64x128xf32, #tpu.memory_space<vmem>>
        %dma_start3A_332 = arith.constant 64 : i32
        %dma_start3A_333 = tpu.memref_slice %arg6[%scan3A_167, %dma_start3A_332] : memref<32x512xi32, #tpu.memory_space<vmem>> -> memref<1x64xi32, #tpu.memory_space<vmem>>
        %dma_start3A_334 = tpu.memref_squeeze %dma_start3A_333 : memref<1x64xi32, #tpu.memory_space<vmem>> -> memref<64xi32, #tpu.memory_space<vmem>>
        %dma_start3A_335 = arith.constant 0 : i32
        %dma_start3A_336 = arith.constant 0 : i32
        %dma_start3A_337 = tpu.memref_slice %arg3[%dma_start3A_335, %dma_start3A_336] : memref<100000x128xf32, #tpu.memory_space<hbm>> -> memref<100000x128xf32, #tpu.memory_space<hbm>>
        %dma_start3A_338 = tpu.memref_slice %arg9[%dma_start3A_327] : memref<8x!tpu.dma_semaphore, #tpu.memory_space<semaphore_mem>> -> memref<1x!tpu.dma_semaphore, #tpu.memory_space<semaphore_mem>>
        %dma_start3A_339 = tpu.memref_squeeze %dma_start3A_338 : memref<1x!tpu.dma_semaphore, #tpu.memory_space<semaphore_mem>> -> memref<!tpu.dma_semaphore, #tpu.memory_space<semaphore_mem>>
        tpu.enqueue_indirect_dma source(%dma_start3A_337 : memref<100000x128xf32, #tpu.memory_space<hbm>>) target(%dma_start3A_331 : memref<64x128xf32, #tpu.memory_space<vmem>>) offsets(%dma_start3A_334 : memref<64xi32, #tpu.memory_space<vmem>>) semaphore(%dma_start3A_339 : memref<!tpu.dma_semaphore, #tpu.memory_space<semaphore_mem>>) {add = true}
      } else {
      }
      %dma_wait3A_205 = arith.constant 0 : i32
      %dma_wait3A_206 = arith.constant 2 : i32
      %dma_wait3A_207 = arith.constant 2 : i32
      %dma_wait3A_208 = arith.constant 0 : i32
      %dma_wait3A_209 = arith.constant 0 : i32
      %dma_wait3A_210 = tpu.memref_slice %arg7[%dma_wait3A_206, %dma_wait3A_208, %dma_wait3A_209] : memref<8x64x128xf32, #tpu.memory_space<vmem>> -> memref<1x64x128xf32, #tpu.memory_space<vmem>>
      %dma_wait3A_211 = tpu.memref_squeeze %dma_wait3A_210 : memref<1x64x128xf32, #tpu.memory_space<vmem>> -> memref<64x128xf32, #tpu.memory_space<vmem>>
      %dma_wait3A_212 = arith.constant 128 : i32
      %dma_wait3A_213 = tpu.memref_slice %arg6[%dma_wait3A_205, %dma_wait3A_212] : memref<32x512xi32, #tpu.memory_space<vmem>> -> memref<1x64xi32, #tpu.memory_space<vmem>>
      %dma_wait3A_214 = tpu.memref_squeeze %dma_wait3A_213 : memref<1x64xi32, #tpu.memory_space<vmem>> -> memref<64xi32, #tpu.memory_space<vmem>>
      %dma_wait3A_215 = arith.constant 0 : i32
      %dma_wait3A_216 = arith.constant 0 : i32
      %dma_wait3A_217 = tpu.memref_slice %arg3[%dma_wait3A_215, %dma_wait3A_216] : memref<100000x128xf32, #tpu.memory_space<hbm>> -> memref<100000x128xf32, #tpu.memory_space<hbm>>
      %dma_wait3A_218 = tpu.memref_slice %arg9[%dma_wait3A_207] : memref<8x!tpu.dma_semaphore, #tpu.memory_space<semaphore_mem>> -> memref<1x!tpu.dma_semaphore, #tpu.memory_space<semaphore_mem>>
      %dma_wait3A_219 = tpu.memref_squeeze %dma_wait3A_218 : memref<1x!tpu.dma_semaphore, #tpu.memory_space<semaphore_mem>> -> memref<!tpu.dma_semaphore, #tpu.memory_space<semaphore_mem>>
      tpu.wait_indirect_dma semaphore(%dma_wait3A_219 : memref<!tpu.dma_semaphore, #tpu.memory_space<semaphore_mem>>) src(%dma_wait3A_217 : memref<100000x128xf32, #tpu.memory_space<hbm>>) dst(%dma_wait3A_211 : memref<64x128xf32, #tpu.memory_space<vmem>>)
      %lt3A_220 = arith.constant 32 : i32
      %lt3A_221 = arith.cmpi slt, %scan3A_167, %lt3A_220 : i32
      %convert_element_type3A_222 = arith.extui %lt3A_221 : i1 to i32
      %cond3A_223 = arith.constant 0 : i32
      %cond3A_224 = arith.cmpi ne, %convert_element_type3A_222, %cond3A_223 : i32
      scf.if %cond3A_224 {
        %dma_start3A_326 = arith.constant 2 : i32
        %dma_start3A_327 = arith.constant 2 : i32
        %dma_start3A_328 = arith.constant 0 : i32
        %dma_start3A_329 = arith.constant 0 : i32
        %dma_start3A_330 = tpu.memref_slice %arg7[%dma_start3A_326, %dma_start3A_328, %dma_start3A_329] : memref<8x64x128xf32, #tpu.memory_space<vmem>> -> memref<1x64x128xf32, #tpu.memory_space<vmem>>
        %dma_start3A_331 = tpu.memref_squeeze %dma_start3A_330 : memref<1x64x128xf32, #tpu.memory_space<vmem>> -> memref<64x128xf32, #tpu.memory_space<vmem>>
        %dma_start3A_332 = arith.constant 128 : i32
        %dma_start3A_333 = tpu.memref_slice %arg6[%scan3A_167, %dma_start3A_332] : memref<32x512xi32, #tpu.memory_space<vmem>> -> memref<1x64xi32, #tpu.memory_space<vmem>>
        %dma_start3A_334 = tpu.memref_squeeze %dma_start3A_333 : memref<1x64xi32, #tpu.memory_space<vmem>> -> memref<64xi32, #tpu.memory_space<vmem>>
        %dma_start3A_335 = arith.constant 0 : i32
        %dma_start3A_336 = arith.constant 0 : i32
        %dma_start3A_337 = tpu.memref_slice %arg3[%dma_start3A_335, %dma_start3A_336] : memref<100000x128xf32, #tpu.memory_space<hbm>> -> memref<100000x128xf32, #tpu.memory_space<hbm>>
        %dma_start3A_338 = tpu.memref_slice %arg9[%dma_start3A_327] : memref<8x!tpu.dma_semaphore, #tpu.memory_space<semaphore_mem>> -> memref<1x!tpu.dma_semaphore, #tpu.memory_space<semaphore_mem>>
        %dma_start3A_339 = tpu.memref_squeeze %dma_start3A_338 : memref<1x!tpu.dma_semaphore, #tpu.memory_space<semaphore_mem>> -> memref<!tpu.dma_semaphore, #tpu.memory_space<semaphore_mem>>
        tpu.enqueue_indirect_dma source(%dma_start3A_337 : memref<100000x128xf32, #tpu.memory_space<hbm>>) target(%dma_start3A_331 : memref<64x128xf32, #tpu.memory_space<vmem>>) offsets(%dma_start3A_334 : memref<64xi32, #tpu.memory_space<vmem>>) semaphore(%dma_start3A_339 : memref<!tpu.dma_semaphore, #tpu.memory_space<semaphore_mem>>) {add = true}
      } else {
      }
      %dma_wait3A_225 = arith.constant 0 : i32
      %dma_wait3A_226 = arith.constant 3 : i32
      %dma_wait3A_227 = arith.constant 3 : i32
      %dma_wait3A_228 = arith.constant 0 : i32
      %dma_wait3A_229 = arith.constant 0 : i32
      %dma_wait3A_230 = tpu.memref_slice %arg7[%dma_wait3A_226, %dma_wait3A_228, %dma_wait3A_229] : memref<8x64x128xf32, #tpu.memory_space<vmem>> -> memref<1x64x128xf32, #tpu.memory_space<vmem>>
      %dma_wait3A_231 = tpu.memref_squeeze %dma_wait3A_230 : memref<1x64x128xf32, #tpu.memory_space<vmem>> -> memref<64x128xf32, #tpu.memory_space<vmem>>
      %dma_wait3A_232 = arith.constant 192 : i32
      %dma_wait3A_233 = tpu.memref_slice %arg6[%dma_wait3A_225, %dma_wait3A_232] : memref<32x512xi32, #tpu.memory_space<vmem>> -> memref<1x64xi32, #tpu.memory_space<vmem>>
      %dma_wait3A_234 = tpu.memref_squeeze %dma_wait3A_233 : memref<1x64xi32, #tpu.memory_space<vmem>> -> memref<64xi32, #tpu.memory_space<vmem>>
      %dma_wait3A_235 = arith.constant 0 : i32
      %dma_wait3A_236 = arith.constant 0 : i32
      %dma_wait3A_237 = tpu.memref_slice %arg3[%dma_wait3A_235, %dma_wait3A_236] : memref<100000x128xf32, #tpu.memory_space<hbm>> -> memref<100000x128xf32, #tpu.memory_space<hbm>>
      %dma_wait3A_238 = tpu.memref_slice %arg9[%dma_wait3A_227] : memref<8x!tpu.dma_semaphore, #tpu.memory_space<semaphore_mem>> -> memref<1x!tpu.dma_semaphore, #tpu.memory_space<semaphore_mem>>
      %dma_wait3A_239 = tpu.memref_squeeze %dma_wait3A_238 : memref<1x!tpu.dma_semaphore, #tpu.memory_space<semaphore_mem>> -> memref<!tpu.dma_semaphore, #tpu.memory_space<semaphore_mem>>
      tpu.wait_indirect_dma semaphore(%dma_wait3A_239 : memref<!tpu.dma_semaphore, #tpu.memory_space<semaphore_mem>>) src(%dma_wait3A_237 : memref<100000x128xf32, #tpu.memory_space<hbm>>) dst(%dma_wait3A_231 : memref<64x128xf32, #tpu.memory_space<vmem>>)
      %lt3A_240 = arith.constant 32 : i32
      %lt3A_241 = arith.cmpi slt, %scan3A_167, %lt3A_240 : i32
      %convert_element_type3A_242 = arith.extui %lt3A_241 : i1 to i32
      %cond3A_243 = arith.constant 0 : i32
      %cond3A_244 = arith.cmpi ne, %convert_element_type3A_242, %cond3A_243 : i32
      scf.if %cond3A_244 {
        %dma_start3A_326 = arith.constant 3 : i32
        %dma_start3A_327 = arith.constant 3 : i32
        %dma_start3A_328 = arith.constant 0 : i32
        %dma_start3A_329 = arith.constant 0 : i32
        %dma_start3A_330 = tpu.memref_slice %arg7[%dma_start3A_326, %dma_start3A_328, %dma_start3A_329] : memref<8x64x128xf32, #tpu.memory_space<vmem>> -> memref<1x64x128xf32, #tpu.memory_space<vmem>>
        %dma_start3A_331 = tpu.memref_squeeze %dma_start3A_330 : memref<1x64x128xf32, #tpu.memory_space<vmem>> -> memref<64x128xf32, #tpu.memory_space<vmem>>
        %dma_start3A_332 = arith.constant 192 : i32
        %dma_start3A_333 = tpu.memref_slice %arg6[%scan3A_167, %dma_start3A_332] : memref<32x512xi32, #tpu.memory_space<vmem>> -> memref<1x64xi32, #tpu.memory_space<vmem>>
        %dma_start3A_334 = tpu.memref_squeeze %dma_start3A_333 : memref<1x64xi32, #tpu.memory_space<vmem>> -> memref<64xi32, #tpu.memory_space<vmem>>
        %dma_start3A_335 = arith.constant 0 : i32
        %dma_start3A_336 = arith.constant 0 : i32
        %dma_start3A_337 = tpu.memref_slice %arg3[%dma_start3A_335, %dma_start3A_336] : memref<100000x128xf32, #tpu.memory_space<hbm>> -> memref<100000x128xf32, #tpu.memory_space<hbm>>
        %dma_start3A_338 = tpu.memref_slice %arg9[%dma_start3A_327] : memref<8x!tpu.dma_semaphore, #tpu.memory_space<semaphore_mem>> -> memref<1x!tpu.dma_semaphore, #tpu.memory_space<semaphore_mem>>
        %dma_start3A_339 = tpu.memref_squeeze %dma_start3A_338 : memref<1x!tpu.dma_semaphore, #tpu.memory_space<semaphore_mem>> -> memref<!tpu.dma_semaphore, #tpu.memory_space<semaphore_mem>>
        tpu.enqueue_indirect_dma source(%dma_start3A_337 : memref<100000x128xf32, #tpu.memory_space<hbm>>) target(%dma_start3A_331 : memref<64x128xf32, #tpu.memory_space<vmem>>) offsets(%dma_start3A_334 : memref<64xi32, #tpu.memory_space<vmem>>) semaphore(%dma_start3A_339 : memref<!tpu.dma_semaphore, #tpu.memory_space<semaphore_mem>>) {add = true}
      } else {
      }
      %dma_wait3A_245 = arith.constant 0 : i32
      %dma_wait3A_246 = arith.constant 4 : i32
      %dma_wait3A_247 = arith.constant 4 : i32
      %dma_wait3A_248 = arith.constant 0 : i32
      %dma_wait3A_249 = arith.constant 0 : i32
      %dma_wait3A_250 = tpu.memref_slice %arg7[%dma_wait3A_246, %dma_wait3A_248, %dma_wait3A_249] : memref<8x64x128xf32, #tpu.memory_space<vmem>> -> memref<1x64x128xf32, #tpu.memory_space<vmem>>
      %dma_wait3A_251 = tpu.memref_squeeze %dma_wait3A_250 : memref<1x64x128xf32, #tpu.memory_space<vmem>> -> memref<64x128xf32, #tpu.memory_space<vmem>>
      %dma_wait3A_252 = arith.constant 256 : i32
      %dma_wait3A_253 = tpu.memref_slice %arg6[%dma_wait3A_245, %dma_wait3A_252] : memref<32x512xi32, #tpu.memory_space<vmem>> -> memref<1x64xi32, #tpu.memory_space<vmem>>
      %dma_wait3A_254 = tpu.memref_squeeze %dma_wait3A_253 : memref<1x64xi32, #tpu.memory_space<vmem>> -> memref<64xi32, #tpu.memory_space<vmem>>
      %dma_wait3A_255 = arith.constant 0 : i32
      %dma_wait3A_256 = arith.constant 0 : i32
      %dma_wait3A_257 = tpu.memref_slice %arg3[%dma_wait3A_255, %dma_wait3A_256] : memref<100000x128xf32, #tpu.memory_space<hbm>> -> memref<100000x128xf32, #tpu.memory_space<hbm>>
      %dma_wait3A_258 = tpu.memref_slice %arg9[%dma_wait3A_247] : memref<8x!tpu.dma_semaphore, #tpu.memory_space<semaphore_mem>> -> memref<1x!tpu.dma_semaphore, #tpu.memory_space<semaphore_mem>>
      %dma_wait3A_259 = tpu.memref_squeeze %dma_wait3A_258 : memref<1x!tpu.dma_semaphore, #tpu.memory_space<semaphore_mem>> -> memref<!tpu.dma_semaphore, #tpu.memory_space<semaphore_mem>>
      tpu.wait_indirect_dma semaphore(%dma_wait3A_259 : memref<!tpu.dma_semaphore, #tpu.memory_space<semaphore_mem>>) src(%dma_wait3A_257 : memref<100000x128xf32, #tpu.memory_space<hbm>>) dst(%dma_wait3A_251 : memref<64x128xf32, #tpu.memory_space<vmem>>)
      %lt3A_260 = arith.constant 32 : i32
      %lt3A_261 = arith.cmpi slt, %scan3A_167, %lt3A_260 : i32
      %convert_element_type3A_262 = arith.extui %lt3A_261 : i1 to i32
      %cond3A_263 = arith.constant 0 : i32
      %cond3A_264 = arith.cmpi ne, %convert_element_type3A_262, %cond3A_263 : i32
      scf.if %cond3A_264 {
        %dma_start3A_326 = arith.constant 4 : i32
        %dma_start3A_327 = arith.constant 4 : i32
        %dma_start3A_328 = arith.constant 0 : i32
        %dma_start3A_329 = arith.constant 0 : i32
        %dma_start3A_330 = tpu.memref_slice %arg7[%dma_start3A_326, %dma_start3A_328, %dma_start3A_329] : memref<8x64x128xf32, #tpu.memory_space<vmem>> -> memref<1x64x128xf32, #tpu.memory_space<vmem>>
        %dma_start3A_331 = tpu.memref_squeeze %dma_start3A_330 : memref<1x64x128xf32, #tpu.memory_space<vmem>> -> memref<64x128xf32, #tpu.memory_space<vmem>>
        %dma_start3A_332 = arith.constant 256 : i32
        %dma_start3A_333 = tpu.memref_slice %arg6[%scan3A_167, %dma_start3A_332] : memref<32x512xi32, #tpu.memory_space<vmem>> -> memref<1x64xi32, #tpu.memory_space<vmem>>
        %dma_start3A_334 = tpu.memref_squeeze %dma_start3A_333 : memref<1x64xi32, #tpu.memory_space<vmem>> -> memref<64xi32, #tpu.memory_space<vmem>>
        %dma_start3A_335 = arith.constant 0 : i32
        %dma_start3A_336 = arith.constant 0 : i32
        %dma_start3A_337 = tpu.memref_slice %arg3[%dma_start3A_335, %dma_start3A_336] : memref<100000x128xf32, #tpu.memory_space<hbm>> -> memref<100000x128xf32, #tpu.memory_space<hbm>>
        %dma_start3A_338 = tpu.memref_slice %arg9[%dma_start3A_327] : memref<8x!tpu.dma_semaphore, #tpu.memory_space<semaphore_mem>> -> memref<1x!tpu.dma_semaphore, #tpu.memory_space<semaphore_mem>>
        %dma_start3A_339 = tpu.memref_squeeze %dma_start3A_338 : memref<1x!tpu.dma_semaphore, #tpu.memory_space<semaphore_mem>> -> memref<!tpu.dma_semaphore, #tpu.memory_space<semaphore_mem>>
        tpu.enqueue_indirect_dma source(%dma_start3A_337 : memref<100000x128xf32, #tpu.memory_space<hbm>>) target(%dma_start3A_331 : memref<64x128xf32, #tpu.memory_space<vmem>>) offsets(%dma_start3A_334 : memref<64xi32, #tpu.memory_space<vmem>>) semaphore(%dma_start3A_339 : memref<!tpu.dma_semaphore, #tpu.memory_space<semaphore_mem>>) {add = true}
      } else {
      }
      %dma_wait3A_265 = arith.constant 0 : i32
      %dma_wait3A_266 = arith.constant 5 : i32
      %dma_wait3A_267 = arith.constant 5 : i32
      %dma_wait3A_268 = arith.constant 0 : i32
      %dma_wait3A_269 = arith.constant 0 : i32
      %dma_wait3A_270 = tpu.memref_slice %arg7[%dma_wait3A_266, %dma_wait3A_268, %dma_wait3A_269] : memref<8x64x128xf32, #tpu.memory_space<vmem>> -> memref<1x64x128xf32, #tpu.memory_space<vmem>>
      %dma_wait3A_271 = tpu.memref_squeeze %dma_wait3A_270 : memref<1x64x128xf32, #tpu.memory_space<vmem>> -> memref<64x128xf32, #tpu.memory_space<vmem>>
      %dma_wait3A_272 = arith.constant 320 : i32
      %dma_wait3A_273 = tpu.memref_slice %arg6[%dma_wait3A_265, %dma_wait3A_272] : memref<32x512xi32, #tpu.memory_space<vmem>> -> memref<1x64xi32, #tpu.memory_space<vmem>>
      %dma_wait3A_274 = tpu.memref_squeeze %dma_wait3A_273 : memref<1x64xi32, #tpu.memory_space<vmem>> -> memref<64xi32, #tpu.memory_space<vmem>>
      %dma_wait3A_275 = arith.constant 0 : i32
      %dma_wait3A_276 = arith.constant 0 : i32
      %dma_wait3A_277 = tpu.memref_slice %arg3[%dma_wait3A_275, %dma_wait3A_276] : memref<100000x128xf32, #tpu.memory_space<hbm>> -> memref<100000x128xf32, #tpu.memory_space<hbm>>
      %dma_wait3A_278 = tpu.memref_slice %arg9[%dma_wait3A_267] : memref<8x!tpu.dma_semaphore, #tpu.memory_space<semaphore_mem>> -> memref<1x!tpu.dma_semaphore, #tpu.memory_space<semaphore_mem>>
      %dma_wait3A_279 = tpu.memref_squeeze %dma_wait3A_278 : memref<1x!tpu.dma_semaphore, #tpu.memory_space<semaphore_mem>> -> memref<!tpu.dma_semaphore, #tpu.memory_space<semaphore_mem>>
      tpu.wait_indirect_dma semaphore(%dma_wait3A_279 : memref<!tpu.dma_semaphore, #tpu.memory_space<semaphore_mem>>) src(%dma_wait3A_277 : memref<100000x128xf32, #tpu.memory_space<hbm>>) dst(%dma_wait3A_271 : memref<64x128xf32, #tpu.memory_space<vmem>>)
      %lt3A_280 = arith.constant 32 : i32
      %lt3A_281 = arith.cmpi slt, %scan3A_167, %lt3A_280 : i32
      %convert_element_type3A_282 = arith.extui %lt3A_281 : i1 to i32
      %cond3A_283 = arith.constant 0 : i32
      %cond3A_284 = arith.cmpi ne, %convert_element_type3A_282, %cond3A_283 : i32
      scf.if %cond3A_284 {
        %dma_start3A_326 = arith.constant 5 : i32
        %dma_start3A_327 = arith.constant 5 : i32
        %dma_start3A_328 = arith.constant 0 : i32
        %dma_start3A_329 = arith.constant 0 : i32
        %dma_start3A_330 = tpu.memref_slice %arg7[%dma_start3A_326, %dma_start3A_328, %dma_start3A_329] : memref<8x64x128xf32, #tpu.memory_space<vmem>> -> memref<1x64x128xf32, #tpu.memory_space<vmem>>
        %dma_start3A_331 = tpu.memref_squeeze %dma_start3A_330 : memref<1x64x128xf32, #tpu.memory_space<vmem>> -> memref<64x128xf32, #tpu.memory_space<vmem>>
        %dma_start3A_332 = arith.constant 320 : i32
        %dma_start3A_333 = tpu.memref_slice %arg6[%scan3A_167, %dma_start3A_332] : memref<32x512xi32, #tpu.memory_space<vmem>> -> memref<1x64xi32, #tpu.memory_space<vmem>>
        %dma_start3A_334 = tpu.memref_squeeze %dma_start3A_333 : memref<1x64xi32, #tpu.memory_space<vmem>> -> memref<64xi32, #tpu.memory_space<vmem>>
        %dma_start3A_335 = arith.constant 0 : i32
        %dma_start3A_336 = arith.constant 0 : i32
        %dma_start3A_337 = tpu.memref_slice %arg3[%dma_start3A_335, %dma_start3A_336] : memref<100000x128xf32, #tpu.memory_space<hbm>> -> memref<100000x128xf32, #tpu.memory_space<hbm>>
        %dma_start3A_338 = tpu.memref_slice %arg9[%dma_start3A_327] : memref<8x!tpu.dma_semaphore, #tpu.memory_space<semaphore_mem>> -> memref<1x!tpu.dma_semaphore, #tpu.memory_space<semaphore_mem>>
        %dma_start3A_339 = tpu.memref_squeeze %dma_start3A_338 : memref<1x!tpu.dma_semaphore, #tpu.memory_space<semaphore_mem>> -> memref<!tpu.dma_semaphore, #tpu.memory_space<semaphore_mem>>
        tpu.enqueue_indirect_dma source(%dma_start3A_337 : memref<100000x128xf32, #tpu.memory_space<hbm>>) target(%dma_start3A_331 : memref<64x128xf32, #tpu.memory_space<vmem>>) offsets(%dma_start3A_334 : memref<64xi32, #tpu.memory_space<vmem>>) semaphore(%dma_start3A_339 : memref<!tpu.dma_semaphore, #tpu.memory_space<semaphore_mem>>) {add = true}
      } else {
      }
      %dma_wait3A_285 = arith.constant 0 : i32
      %dma_wait3A_286 = arith.constant 6 : i32
      %dma_wait3A_287 = arith.constant 6 : i32
      %dma_wait3A_288 = arith.constant 0 : i32
      %dma_wait3A_289 = arith.constant 0 : i32
      %dma_wait3A_290 = tpu.memref_slice %arg7[%dma_wait3A_286, %dma_wait3A_288, %dma_wait3A_289] : memref<8x64x128xf32, #tpu.memory_space<vmem>> -> memref<1x64x128xf32, #tpu.memory_space<vmem>>
      %dma_wait3A_291 = tpu.memref_squeeze %dma_wait3A_290 : memref<1x64x128xf32, #tpu.memory_space<vmem>> -> memref<64x128xf32, #tpu.memory_space<vmem>>
      %dma_wait3A_292 = arith.constant 384 : i32
      %dma_wait3A_293 = tpu.memref_slice %arg6[%dma_wait3A_285, %dma_wait3A_292] : memref<32x512xi32, #tpu.memory_space<vmem>> -> memref<1x64xi32, #tpu.memory_space<vmem>>
      %dma_wait3A_294 = tpu.memref_squeeze %dma_wait3A_293 : memref<1x64xi32, #tpu.memory_space<vmem>> -> memref<64xi32, #tpu.memory_space<vmem>>
      %dma_wait3A_295 = arith.constant 0 : i32
      %dma_wait3A_296 = arith.constant 0 : i32
      %dma_wait3A_297 = tpu.memref_slice %arg3[%dma_wait3A_295, %dma_wait3A_296] : memref<100000x128xf32, #tpu.memory_space<hbm>> -> memref<100000x128xf32, #tpu.memory_space<hbm>>
      %dma_wait3A_298 = tpu.memref_slice %arg9[%dma_wait3A_287] : memref<8x!tpu.dma_semaphore, #tpu.memory_space<semaphore_mem>> -> memref<1x!tpu.dma_semaphore, #tpu.memory_space<semaphore_mem>>
      %dma_wait3A_299 = tpu.memref_squeeze %dma_wait3A_298 : memref<1x!tpu.dma_semaphore, #tpu.memory_space<semaphore_mem>> -> memref<!tpu.dma_semaphore, #tpu.memory_space<semaphore_mem>>
      tpu.wait_indirect_dma semaphore(%dma_wait3A_299 : memref<!tpu.dma_semaphore, #tpu.memory_space<semaphore_mem>>) src(%dma_wait3A_297 : memref<100000x128xf32, #tpu.memory_space<hbm>>) dst(%dma_wait3A_291 : memref<64x128xf32, #tpu.memory_space<vmem>>)
      %lt3A_300 = arith.constant 32 : i32
      %lt3A_301 = arith.cmpi slt, %scan3A_167, %lt3A_300 : i32
      %convert_element_type3A_302 = arith.extui %lt3A_301 : i1 to i32
      %cond3A_303 = arith.constant 0 : i32
      %cond3A_304 = arith.cmpi ne, %convert_element_type3A_302, %cond3A_303 : i32
      scf.if %cond3A_304 {
        %dma_start3A_326 = arith.constant 6 : i32
        %dma_start3A_327 = arith.constant 6 : i32
        %dma_start3A_328 = arith.constant 0 : i32
        %dma_start3A_329 = arith.constant 0 : i32
        %dma_start3A_330 = tpu.memref_slice %arg7[%dma_start3A_326, %dma_start3A_328, %dma_start3A_329] : memref<8x64x128xf32, #tpu.memory_space<vmem>> -> memref<1x64x128xf32, #tpu.memory_space<vmem>>
        %dma_start3A_331 = tpu.memref_squeeze %dma_start3A_330 : memref<1x64x128xf32, #tpu.memory_space<vmem>> -> memref<64x128xf32, #tpu.memory_space<vmem>>
        %dma_start3A_332 = arith.constant 384 : i32
        %dma_start3A_333 = tpu.memref_slice %arg6[%scan3A_167, %dma_start3A_332] : memref<32x512xi32, #tpu.memory_space<vmem>> -> memref<1x64xi32, #tpu.memory_space<vmem>>
        %dma_start3A_334 = tpu.memref_squeeze %dma_start3A_333 : memref<1x64xi32, #tpu.memory_space<vmem>> -> memref<64xi32, #tpu.memory_space<vmem>>
        %dma_start3A_335 = arith.constant 0 : i32
        %dma_start3A_336 = arith.constant 0 : i32
        %dma_start3A_337 = tpu.memref_slice %arg3[%dma_start3A_335, %dma_start3A_336] : memref<100000x128xf32, #tpu.memory_space<hbm>> -> memref<100000x128xf32, #tpu.memory_space<hbm>>
        %dma_start3A_338 = tpu.memref_slice %arg9[%dma_start3A_327] : memref<8x!tpu.dma_semaphore, #tpu.memory_space<semaphore_mem>> -> memref<1x!tpu.dma_semaphore, #tpu.memory_space<semaphore_mem>>
        %dma_start3A_339 = tpu.memref_squeeze %dma_start3A_338 : memref<1x!tpu.dma_semaphore, #tpu.memory_space<semaphore_mem>> -> memref<!tpu.dma_semaphore, #tpu.memory_space<semaphore_mem>>
        tpu.enqueue_indirect_dma source(%dma_start3A_337 : memref<100000x128xf32, #tpu.memory_space<hbm>>) target(%dma_start3A_331 : memref<64x128xf32, #tpu.memory_space<vmem>>) offsets(%dma_start3A_334 : memref<64xi32, #tpu.memory_space<vmem>>) semaphore(%dma_start3A_339 : memref<!tpu.dma_semaphore, #tpu.memory_space<semaphore_mem>>) {add = true}
      } else {
      }
      %dma_wait3A_305 = arith.constant 0 : i32
      %dma_wait3A_306 = arith.constant 7 : i32
      %dma_wait3A_307 = arith.constant 7 : i32
      %dma_wait3A_308 = arith.constant 0 : i32
      %dma_wait3A_309 = arith.constant 0 : i32
      %dma_wait3A_310 = tpu.memref_slice %arg7[%dma_wait3A_306, %dma_wait3A_308, %dma_wait3A_309] : memref<8x64x128xf32, #tpu.memory_space<vmem>> -> memref<1x64x128xf32, #tpu.memory_space<vmem>>
      %dma_wait3A_311 = tpu.memref_squeeze %dma_wait3A_310 : memref<1x64x128xf32, #tpu.memory_space<vmem>> -> memref<64x128xf32, #tpu.memory_space<vmem>>
      %dma_wait3A_312 = arith.constant 448 : i32
      %dma_wait3A_313 = tpu.memref_slice %arg6[%dma_wait3A_305, %dma_wait3A_312] : memref<32x512xi32, #tpu.memory_space<vmem>> -> memref<1x64xi32, #tpu.memory_space<vmem>>
      %dma_wait3A_314 = tpu.memref_squeeze %dma_wait3A_313 : memref<1x64xi32, #tpu.memory_space<vmem>> -> memref<64xi32, #tpu.memory_space<vmem>>
      %dma_wait3A_315 = arith.constant 0 : i32
      %dma_wait3A_316 = arith.constant 0 : i32
      %dma_wait3A_317 = tpu.memref_slice %arg3[%dma_wait3A_315, %dma_wait3A_316] : memref<100000x128xf32, #tpu.memory_space<hbm>> -> memref<100000x128xf32, #tpu.memory_space<hbm>>
      %dma_wait3A_318 = tpu.memref_slice %arg9[%dma_wait3A_307] : memref<8x!tpu.dma_semaphore, #tpu.memory_space<semaphore_mem>> -> memref<1x!tpu.dma_semaphore, #tpu.memory_space<semaphore_mem>>
      %dma_wait3A_319 = tpu.memref_squeeze %dma_wait3A_318 : memref<1x!tpu.dma_semaphore, #tpu.memory_space<semaphore_mem>> -> memref<!tpu.dma_semaphore, #tpu.memory_space<semaphore_mem>>
      tpu.wait_indirect_dma semaphore(%dma_wait3A_319 : memref<!tpu.dma_semaphore, #tpu.memory_space<semaphore_mem>>) src(%dma_wait3A_317 : memref<100000x128xf32, #tpu.memory_space<hbm>>) dst(%dma_wait3A_311 : memref<64x128xf32, #tpu.memory_space<vmem>>)
      %lt3A_320 = arith.constant 32 : i32
      %lt3A_321 = arith.cmpi slt, %scan3A_167, %lt3A_320 : i32
      %convert_element_type3A_322 = arith.extui %lt3A_321 : i1 to i32
      %cond3A_323 = arith.constant 0 : i32
      %cond3A_324 = arith.cmpi ne, %convert_element_type3A_322, %cond3A_323 : i32
      scf.if %cond3A_324 {
        %dma_start3A_326 = arith.constant 7 : i32
        %dma_start3A_327 = arith.constant 7 : i32
        %dma_start3A_328 = arith.constant 0 : i32
        %dma_start3A_329 = arith.constant 0 : i32
        %dma_start3A_330 = tpu.memref_slice %arg7[%dma_start3A_326, %dma_start3A_328, %dma_start3A_329] : memref<8x64x128xf32, #tpu.memory_space<vmem>> -> memref<1x64x128xf32, #tpu.memory_space<vmem>>
        %dma_start3A_331 = tpu.memref_squeeze %dma_start3A_330 : memref<1x64x128xf32, #tpu.memory_space<vmem>> -> memref<64x128xf32, #tpu.memory_space<vmem>>
        %dma_start3A_332 = arith.constant 448 : i32
        %dma_start3A_333 = tpu.memref_slice %arg6[%scan3A_167, %dma_start3A_332] : memref<32x512xi32, #tpu.memory_space<vmem>> -> memref<1x64xi32, #tpu.memory_space<vmem>>
        %dma_start3A_334 = tpu.memref_squeeze %dma_start3A_333 : memref<1x64xi32, #tpu.memory_space<vmem>> -> memref<64xi32, #tpu.memory_space<vmem>>
        %dma_start3A_335 = arith.constant 0 : i32
        %dma_start3A_336 = arith.constant 0 : i32
        %dma_start3A_337 = tpu.memref_slice %arg3[%dma_start3A_335, %dma_start3A_336] : memref<100000x128xf32, #tpu.memory_space<hbm>> -> memref<100000x128xf32, #tpu.memory_space<hbm>>
        %dma_start3A_338 = tpu.memref_slice %arg9[%dma_start3A_327] : memref<8x!tpu.dma_semaphore, #tpu.memory_space<semaphore_mem>> -> memref<1x!tpu.dma_semaphore, #tpu.memory_space<semaphore_mem>>
        %dma_start3A_339 = tpu.memref_squeeze %dma_start3A_338 : memref<1x!tpu.dma_semaphore, #tpu.memory_space<semaphore_mem>> -> memref<!tpu.dma_semaphore, #tpu.memory_space<semaphore_mem>>
        tpu.enqueue_indirect_dma source(%dma_start3A_337 : memref<100000x128xf32, #tpu.memory_space<hbm>>) target(%dma_start3A_331 : memref<64x128xf32, #tpu.memory_space<vmem>>) offsets(%dma_start3A_334 : memref<64xi32, #tpu.memory_space<vmem>>) semaphore(%dma_start3A_339 : memref<!tpu.dma_semaphore, #tpu.memory_space<semaphore_mem>>) {add = true}
      } else {
      }
      %scan3A_325 = arith.constant 0 : i32
      scf.yield %scan3A_325 : i32
    }
    %scan3A_143 = arith.constant 32 : i32
    %add3A_144 = arith.constant 0 : i32
    %add3A_145 = arith.addi %mul3A_2, %add3A_144 : i32
    %run_scoped3A = arith.constant 0 : i32
    "tpu.region"() ({
      %run_scoped3A_167 = tpu.sem_alloc : memref<!tpu.dma_semaphore, #tpu.memory_space<semaphore_mem>>
      %dma_start3A_168 = arith.constant 0 : i32
      %dma_start3A_169 = arith.constant 0 : i32
      %dma_start3A_170 = tpu.memref_slice %arg7[%run_scoped3A, %dma_start3A_168, %dma_start3A_169] : memref<8x64x128xf32, #tpu.memory_space<vmem>> -> memref<1x64x128xf32, #tpu.memory_space<vmem>>
      %dma_start3A_171 = tpu.memref_squeeze %dma_start3A_170 : memref<1x64x128xf32, #tpu.memory_space<vmem>> -> memref<64x128xf32, #tpu.memory_space<vmem>>
      %dma_start3A_172 = arith.constant 0 : i32
      %dma_start3A_173 = tpu.memref_slice %arg4[%add3A_145, %dma_start3A_172] : memref<16384x128xf32, #tpu.memory_space<hbm>> -> memref<64x128xf32, #tpu.memory_space<hbm>>
      %dma_start3A_174 = arith.constant 0 : i32
      %dma_start3A_175 = tpu.memref_slice %arg4[%add3A_145, %dma_start3A_174] : memref<16384x128xf32, #tpu.memory_space<hbm>> -> memref<64x128xf32, #tpu.memory_space<hbm>>
      %dma_start3A_176 = arith.constant 0 : i32
      %dma_start3A_177 = arith.constant 0 : i32
      %dma_start3A_178 = tpu.memref_slice %arg7[%run_scoped3A, %dma_start3A_176, %dma_start3A_177] : memref<8x64x128xf32, #tpu.memory_space<vmem>> -> memref<1x64x128xf32, #tpu.memory_space<vmem>>
      %dma_start3A_179 = tpu.memref_squeeze %dma_start3A_178 : memref<1x64x128xf32, #tpu.memory_space<vmem>> -> memref<64x128xf32, #tpu.memory_space<vmem>>
      tpu.enqueue_dma source(%dma_start3A_179 : memref<64x128xf32, #tpu.memory_space<vmem>>) target(%dma_start3A_175 : memref<64x128xf32, #tpu.memory_space<hbm>>) target_semaphore(%run_scoped3A_167 : memref<!tpu.dma_semaphore, #tpu.memory_space<semaphore_mem>>)
      %dma_wait3A = arith.constant 0 : i32
      %dma_wait3A_180 = arith.constant 0 : i32
      %dma_wait3A_181 = tpu.memref_slice %arg7[%run_scoped3A, %dma_wait3A, %dma_wait3A_180] : memref<8x64x128xf32, #tpu.memory_space<vmem>> -> memref<1x64x128xf32, #tpu.memory_space<vmem>>
      %dma_wait3A_182 = tpu.memref_squeeze %dma_wait3A_181 : memref<1x64x128xf32, #tpu.memory_space<vmem>> -> memref<64x128xf32, #tpu.memory_space<vmem>>
      %dma_wait3A_183 = arith.constant 0 : i32
      %dma_wait3A_184 = tpu.memref_slice %arg4[%add3A_145, %dma_wait3A_183] : memref<16384x128xf32, #tpu.memory_space<hbm>> -> memref<64x128xf32, #tpu.memory_space<hbm>>
      %dma_wait3A_185 = arith.constant 0 : i32
      %dma_wait3A_186 = tpu.memref_slice %arg4[%add3A_145, %dma_wait3A_185] : memref<16384x128xf32, #tpu.memory_space<hbm>> -> memref<64x128xf32, #tpu.memory_space<hbm>>
      %dma_wait3A_187 = arith.constant 0 : i32
      %dma_wait3A_188 = arith.constant 0 : i32
      %dma_wait3A_189 = tpu.memref_slice %arg7[%run_scoped3A, %dma_wait3A_187, %dma_wait3A_188] : memref<8x64x128xf32, #tpu.memory_space<vmem>> -> memref<1x64x128xf32, #tpu.memory_space<vmem>>
      %dma_wait3A_190 = tpu.memref_squeeze %dma_wait3A_189 : memref<1x64x128xf32, #tpu.memory_space<vmem>> -> memref<64x128xf32, #tpu.memory_space<vmem>>
      tpu.wait_dma2 semaphore(%run_scoped3A_167 : memref<!tpu.dma_semaphore, #tpu.memory_space<semaphore_mem>>) src(%dma_wait3A_190 : memref<64x128xf32, #tpu.memory_space<vmem>>) dst(%dma_wait3A_186 : memref<64x128xf32, #tpu.memory_space<hbm>>)
      tpu.yield
    }) : () -> ()
    %add3A_146 = arith.constant 64 : i32
    %add3A_147 = arith.addi %mul3A_2, %add3A_146 : i32
    %run_scoped3A_148 = arith.constant 1 : i32
    "tpu.region"() ({
      %run_scoped3A_167 = tpu.sem_alloc : memref<!tpu.dma_semaphore, #tpu.memory_space<semaphore_mem>>
      %dma_start3A_168 = arith.constant 0 : i32
      %dma_start3A_169 = arith.constant 0 : i32
      %dma_start3A_170 = tpu.memref_slice %arg7[%run_scoped3A_148, %dma_start3A_168, %dma_start3A_169] : memref<8x64x128xf32, #tpu.memory_space<vmem>> -> memref<1x64x128xf32, #tpu.memory_space<vmem>>
      %dma_start3A_171 = tpu.memref_squeeze %dma_start3A_170 : memref<1x64x128xf32, #tpu.memory_space<vmem>> -> memref<64x128xf32, #tpu.memory_space<vmem>>
      %dma_start3A_172 = arith.constant 0 : i32
      %dma_start3A_173 = tpu.memref_slice %arg4[%add3A_147, %dma_start3A_172] : memref<16384x128xf32, #tpu.memory_space<hbm>> -> memref<64x128xf32, #tpu.memory_space<hbm>>
      %dma_start3A_174 = arith.constant 0 : i32
      %dma_start3A_175 = tpu.memref_slice %arg4[%add3A_147, %dma_start3A_174] : memref<16384x128xf32, #tpu.memory_space<hbm>> -> memref<64x128xf32, #tpu.memory_space<hbm>>
      %dma_start3A_176 = arith.constant 0 : i32
      %dma_start3A_177 = arith.constant 0 : i32
      %dma_start3A_178 = tpu.memref_slice %arg7[%run_scoped3A_148, %dma_start3A_176, %dma_start3A_177] : memref<8x64x128xf32, #tpu.memory_space<vmem>> -> memref<1x64x128xf32, #tpu.memory_space<vmem>>
      %dma_start3A_179 = tpu.memref_squeeze %dma_start3A_178 : memref<1x64x128xf32, #tpu.memory_space<vmem>> -> memref<64x128xf32, #tpu.memory_space<vmem>>
      tpu.enqueue_dma source(%dma_start3A_179 : memref<64x128xf32, #tpu.memory_space<vmem>>) target(%dma_start3A_175 : memref<64x128xf32, #tpu.memory_space<hbm>>) target_semaphore(%run_scoped3A_167 : memref<!tpu.dma_semaphore, #tpu.memory_space<semaphore_mem>>)
      %dma_wait3A = arith.constant 0 : i32
      %dma_wait3A_180 = arith.constant 0 : i32
      %dma_wait3A_181 = tpu.memref_slice %arg7[%run_scoped3A_148, %dma_wait3A, %dma_wait3A_180] : memref<8x64x128xf32, #tpu.memory_space<vmem>> -> memref<1x64x128xf32, #tpu.memory_space<vmem>>
      %dma_wait3A_182 = tpu.memref_squeeze %dma_wait3A_181 : memref<1x64x128xf32, #tpu.memory_space<vmem>> -> memref<64x128xf32, #tpu.memory_space<vmem>>
      %dma_wait3A_183 = arith.constant 0 : i32
      %dma_wait3A_184 = tpu.memref_slice %arg4[%add3A_147, %dma_wait3A_183] : memref<16384x128xf32, #tpu.memory_space<hbm>> -> memref<64x128xf32, #tpu.memory_space<hbm>>
      %dma_wait3A_185 = arith.constant 0 : i32
      %dma_wait3A_186 = tpu.memref_slice %arg4[%add3A_147, %dma_wait3A_185] : memref<16384x128xf32, #tpu.memory_space<hbm>> -> memref<64x128xf32, #tpu.memory_space<hbm>>
      %dma_wait3A_187 = arith.constant 0 : i32
      %dma_wait3A_188 = arith.constant 0 : i32
      %dma_wait3A_189 = tpu.memref_slice %arg7[%run_scoped3A_148, %dma_wait3A_187, %dma_wait3A_188] : memref<8x64x128xf32, #tpu.memory_space<vmem>> -> memref<1x64x128xf32, #tpu.memory_space<vmem>>
      %dma_wait3A_190 = tpu.memref_squeeze %dma_wait3A_189 : memref<1x64x128xf32, #tpu.memory_space<vmem>> -> memref<64x128xf32, #tpu.memory_space<vmem>>
      tpu.wait_dma2 semaphore(%run_scoped3A_167 : memref<!tpu.dma_semaphore, #tpu.memory_space<semaphore_mem>>) src(%dma_wait3A_190 : memref<64x128xf32, #tpu.memory_space<vmem>>) dst(%dma_wait3A_186 : memref<64x128xf32, #tpu.memory_space<hbm>>)
      tpu.yield
    }) : () -> ()
    %add3A_149 = arith.constant 128 : i32
    %add3A_150 = arith.addi %mul3A_2, %add3A_149 : i32
    %run_scoped3A_151 = arith.constant 2 : i32
    "tpu.region"() ({
      %run_scoped3A_167 = tpu.sem_alloc : memref<!tpu.dma_semaphore, #tpu.memory_space<semaphore_mem>>
      %dma_start3A_168 = arith.constant 0 : i32
      %dma_start3A_169 = arith.constant 0 : i32
      %dma_start3A_170 = tpu.memref_slice %arg7[%run_scoped3A_151, %dma_start3A_168, %dma_start3A_169] : memref<8x64x128xf32, #tpu.memory_space<vmem>> -> memref<1x64x128xf32, #tpu.memory_space<vmem>>
      %dma_start3A_171 = tpu.memref_squeeze %dma_start3A_170 : memref<1x64x128xf32, #tpu.memory_space<vmem>> -> memref<64x128xf32, #tpu.memory_space<vmem>>
      %dma_start3A_172 = arith.constant 0 : i32
      %dma_start3A_173 = tpu.memref_slice %arg4[%add3A_150, %dma_start3A_172] : memref<16384x128xf32, #tpu.memory_space<hbm>> -> memref<64x128xf32, #tpu.memory_space<hbm>>
      %dma_start3A_174 = arith.constant 0 : i32
      %dma_start3A_175 = tpu.memref_slice %arg4[%add3A_150, %dma_start3A_174] : memref<16384x128xf32, #tpu.memory_space<hbm>> -> memref<64x128xf32, #tpu.memory_space<hbm>>
      %dma_start3A_176 = arith.constant 0 : i32
      %dma_start3A_177 = arith.constant 0 : i32
      %dma_start3A_178 = tpu.memref_slice %arg7[%run_scoped3A_151, %dma_start3A_176, %dma_start3A_177] : memref<8x64x128xf32, #tpu.memory_space<vmem>> -> memref<1x64x128xf32, #tpu.memory_space<vmem>>
      %dma_start3A_179 = tpu.memref_squeeze %dma_start3A_178 : memref<1x64x128xf32, #tpu.memory_space<vmem>> -> memref<64x128xf32, #tpu.memory_space<vmem>>
      tpu.enqueue_dma source(%dma_start3A_179 : memref<64x128xf32, #tpu.memory_space<vmem>>) target(%dma_start3A_175 : memref<64x128xf32, #tpu.memory_space<hbm>>) target_semaphore(%run_scoped3A_167 : memref<!tpu.dma_semaphore, #tpu.memory_space<semaphore_mem>>)
      %dma_wait3A = arith.constant 0 : i32
      %dma_wait3A_180 = arith.constant 0 : i32
      %dma_wait3A_181 = tpu.memref_slice %arg7[%run_scoped3A_151, %dma_wait3A, %dma_wait3A_180] : memref<8x64x128xf32, #tpu.memory_space<vmem>> -> memref<1x64x128xf32, #tpu.memory_space<vmem>>
      %dma_wait3A_182 = tpu.memref_squeeze %dma_wait3A_181 : memref<1x64x128xf32, #tpu.memory_space<vmem>> -> memref<64x128xf32, #tpu.memory_space<vmem>>
      %dma_wait3A_183 = arith.constant 0 : i32
      %dma_wait3A_184 = tpu.memref_slice %arg4[%add3A_150, %dma_wait3A_183] : memref<16384x128xf32, #tpu.memory_space<hbm>> -> memref<64x128xf32, #tpu.memory_space<hbm>>
      %dma_wait3A_185 = arith.constant 0 : i32
      %dma_wait3A_186 = tpu.memref_slice %arg4[%add3A_150, %dma_wait3A_185] : memref<16384x128xf32, #tpu.memory_space<hbm>> -> memref<64x128xf32, #tpu.memory_space<hbm>>
      %dma_wait3A_187 = arith.constant 0 : i32
      %dma_wait3A_188 = arith.constant 0 : i32
      %dma_wait3A_189 = tpu.memref_slice %arg7[%run_scoped3A_151, %dma_wait3A_187, %dma_wait3A_188] : memref<8x64x128xf32, #tpu.memory_space<vmem>> -> memref<1x64x128xf32, #tpu.memory_space<vmem>>
      %dma_wait3A_190 = tpu.memref_squeeze %dma_wait3A_189 : memref<1x64x128xf32, #tpu.memory_space<vmem>> -> memref<64x128xf32, #tpu.memory_space<vmem>>
      tpu.wait_dma2 semaphore(%run_scoped3A_167 : memref<!tpu.dma_semaphore, #tpu.memory_space<semaphore_mem>>) src(%dma_wait3A_190 : memref<64x128xf32, #tpu.memory_space<vmem>>) dst(%dma_wait3A_186 : memref<64x128xf32, #tpu.memory_space<hbm>>)
      tpu.yield
    }) : () -> ()
    %add3A_152 = arith.constant 192 : i32
    %add3A_153 = arith.addi %mul3A_2, %add3A_152 : i32
    %run_scoped3A_154 = arith.constant 3 : i32
    "tpu.region"() ({
      %run_scoped3A_167 = tpu.sem_alloc : memref<!tpu.dma_semaphore, #tpu.memory_space<semaphore_mem>>
      %dma_start3A_168 = arith.constant 0 : i32
      %dma_start3A_169 = arith.constant 0 : i32
      %dma_start3A_170 = tpu.memref_slice %arg7[%run_scoped3A_154, %dma_start3A_168, %dma_start3A_169] : memref<8x64x128xf32, #tpu.memory_space<vmem>> -> memref<1x64x128xf32, #tpu.memory_space<vmem>>
      %dma_start3A_171 = tpu.memref_squeeze %dma_start3A_170 : memref<1x64x128xf32, #tpu.memory_space<vmem>> -> memref<64x128xf32, #tpu.memory_space<vmem>>
      %dma_start3A_172 = arith.constant 0 : i32
      %dma_start3A_173 = tpu.memref_slice %arg4[%add3A_153, %dma_start3A_172] : memref<16384x128xf32, #tpu.memory_space<hbm>> -> memref<64x128xf32, #tpu.memory_space<hbm>>
      %dma_start3A_174 = arith.constant 0 : i32
      %dma_start3A_175 = tpu.memref_slice %arg4[%add3A_153, %dma_start3A_174] : memref<16384x128xf32, #tpu.memory_space<hbm>> -> memref<64x128xf32, #tpu.memory_space<hbm>>
      %dma_start3A_176 = arith.constant 0 : i32
      %dma_start3A_177 = arith.constant 0 : i32
      %dma_start3A_178 = tpu.memref_slice %arg7[%run_scoped3A_154, %dma_start3A_176, %dma_start3A_177] : memref<8x64x128xf32, #tpu.memory_space<vmem>> -> memref<1x64x128xf32, #tpu.memory_space<vmem>>
      %dma_start3A_179 = tpu.memref_squeeze %dma_start3A_178 : memref<1x64x128xf32, #tpu.memory_space<vmem>> -> memref<64x128xf32, #tpu.memory_space<vmem>>
      tpu.enqueue_dma source(%dma_start3A_179 : memref<64x128xf32, #tpu.memory_space<vmem>>) target(%dma_start3A_175 : memref<64x128xf32, #tpu.memory_space<hbm>>) target_semaphore(%run_scoped3A_167 : memref<!tpu.dma_semaphore, #tpu.memory_space<semaphore_mem>>)
      %dma_wait3A = arith.constant 0 : i32
      %dma_wait3A_180 = arith.constant 0 : i32
      %dma_wait3A_181 = tpu.memref_slice %arg7[%run_scoped3A_154, %dma_wait3A, %dma_wait3A_180] : memref<8x64x128xf32, #tpu.memory_space<vmem>> -> memref<1x64x128xf32, #tpu.memory_space<vmem>>
      %dma_wait3A_182 = tpu.memref_squeeze %dma_wait3A_181 : memref<1x64x128xf32, #tpu.memory_space<vmem>> -> memref<64x128xf32, #tpu.memory_space<vmem>>
      %dma_wait3A_183 = arith.constant 0 : i32
      %dma_wait3A_184 = tpu.memref_slice %arg4[%add3A_153, %dma_wait3A_183] : memref<16384x128xf32, #tpu.memory_space<hbm>> -> memref<64x128xf32, #tpu.memory_space<hbm>>
      %dma_wait3A_185 = arith.constant 0 : i32
      %dma_wait3A_186 = tpu.memref_slice %arg4[%add3A_153, %dma_wait3A_185] : memref<16384x128xf32, #tpu.memory_space<hbm>> -> memref<64x128xf32, #tpu.memory_space<hbm>>
      %dma_wait3A_187 = arith.constant 0 : i32
      %dma_wait3A_188 = arith.constant 0 : i32
      %dma_wait3A_189 = tpu.memref_slice %arg7[%run_scoped3A_154, %dma_wait3A_187, %dma_wait3A_188] : memref<8x64x128xf32, #tpu.memory_space<vmem>> -> memref<1x64x128xf32, #tpu.memory_space<vmem>>
      %dma_wait3A_190 = tpu.memref_squeeze %dma_wait3A_189 : memref<1x64x128xf32, #tpu.memory_space<vmem>> -> memref<64x128xf32, #tpu.memory_space<vmem>>
      tpu.wait_dma2 semaphore(%run_scoped3A_167 : memref<!tpu.dma_semaphore, #tpu.memory_space<semaphore_mem>>) src(%dma_wait3A_190 : memref<64x128xf32, #tpu.memory_space<vmem>>) dst(%dma_wait3A_186 : memref<64x128xf32, #tpu.memory_space<hbm>>)
      tpu.yield
    }) : () -> ()
    %add3A_155 = arith.constant 256 : i32
    %add3A_156 = arith.addi %mul3A_2, %add3A_155 : i32
    %run_scoped3A_157 = arith.constant 4 : i32
    "tpu.region"() ({
      %run_scoped3A_167 = tpu.sem_alloc : memref<!tpu.dma_semaphore, #tpu.memory_space<semaphore_mem>>
      %dma_start3A_168 = arith.constant 0 : i32
      %dma_start3A_169 = arith.constant 0 : i32
      %dma_start3A_170 = tpu.memref_slice %arg7[%run_scoped3A_157, %dma_start3A_168, %dma_start3A_169] : memref<8x64x128xf32, #tpu.memory_space<vmem>> -> memref<1x64x128xf32, #tpu.memory_space<vmem>>
      %dma_start3A_171 = tpu.memref_squeeze %dma_start3A_170 : memref<1x64x128xf32, #tpu.memory_space<vmem>> -> memref<64x128xf32, #tpu.memory_space<vmem>>
      %dma_start3A_172 = arith.constant 0 : i32
      %dma_start3A_173 = tpu.memref_slice %arg4[%add3A_156, %dma_start3A_172] : memref<16384x128xf32, #tpu.memory_space<hbm>> -> memref<64x128xf32, #tpu.memory_space<hbm>>
      %dma_start3A_174 = arith.constant 0 : i32
      %dma_start3A_175 = tpu.memref_slice %arg4[%add3A_156, %dma_start3A_174] : memref<16384x128xf32, #tpu.memory_space<hbm>> -> memref<64x128xf32, #tpu.memory_space<hbm>>
      %dma_start3A_176 = arith.constant 0 : i32
      %dma_start3A_177 = arith.constant 0 : i32
      %dma_start3A_178 = tpu.memref_slice %arg7[%run_scoped3A_157, %dma_start3A_176, %dma_start3A_177] : memref<8x64x128xf32, #tpu.memory_space<vmem>> -> memref<1x64x128xf32, #tpu.memory_space<vmem>>
      %dma_start3A_179 = tpu.memref_squeeze %dma_start3A_178 : memref<1x64x128xf32, #tpu.memory_space<vmem>> -> memref<64x128xf32, #tpu.memory_space<vmem>>
      tpu.enqueue_dma source(%dma_start3A_179 : memref<64x128xf32, #tpu.memory_space<vmem>>) target(%dma_start3A_175 : memref<64x128xf32, #tpu.memory_space<hbm>>) target_semaphore(%run_scoped3A_167 : memref<!tpu.dma_semaphore, #tpu.memory_space<semaphore_mem>>)
      %dma_wait3A = arith.constant 0 : i32
      %dma_wait3A_180 = arith.constant 0 : i32
      %dma_wait3A_181 = tpu.memref_slice %arg7[%run_scoped3A_157, %dma_wait3A, %dma_wait3A_180] : memref<8x64x128xf32, #tpu.memory_space<vmem>> -> memref<1x64x128xf32, #tpu.memory_space<vmem>>
      %dma_wait3A_182 = tpu.memref_squeeze %dma_wait3A_181 : memref<1x64x128xf32, #tpu.memory_space<vmem>> -> memref<64x128xf32, #tpu.memory_space<vmem>>
      %dma_wait3A_183 = arith.constant 0 : i32
      %dma_wait3A_184 = tpu.memref_slice %arg4[%add3A_156, %dma_wait3A_183] : memref<16384x128xf32, #tpu.memory_space<hbm>> -> memref<64x128xf32, #tpu.memory_space<hbm>>
      %dma_wait3A_185 = arith.constant 0 : i32
      %dma_wait3A_186 = tpu.memref_slice %arg4[%add3A_156, %dma_wait3A_185] : memref<16384x128xf32, #tpu.memory_space<hbm>> -> memref<64x128xf32, #tpu.memory_space<hbm>>
      %dma_wait3A_187 = arith.constant 0 : i32
      %dma_wait3A_188 = arith.constant 0 : i32
      %dma_wait3A_189 = tpu.memref_slice %arg7[%run_scoped3A_157, %dma_wait3A_187, %dma_wait3A_188] : memref<8x64x128xf32, #tpu.memory_space<vmem>> -> memref<1x64x128xf32, #tpu.memory_space<vmem>>
      %dma_wait3A_190 = tpu.memref_squeeze %dma_wait3A_189 : memref<1x64x128xf32, #tpu.memory_space<vmem>> -> memref<64x128xf32, #tpu.memory_space<vmem>>
      tpu.wait_dma2 semaphore(%run_scoped3A_167 : memref<!tpu.dma_semaphore, #tpu.memory_space<semaphore_mem>>) src(%dma_wait3A_190 : memref<64x128xf32, #tpu.memory_space<vmem>>) dst(%dma_wait3A_186 : memref<64x128xf32, #tpu.memory_space<hbm>>)
      tpu.yield
    }) : () -> ()
    %add3A_158 = arith.constant 320 : i32
    %add3A_159 = arith.addi %mul3A_2, %add3A_158 : i32
    %run_scoped3A_160 = arith.constant 5 : i32
    "tpu.region"() ({
      %run_scoped3A_167 = tpu.sem_alloc : memref<!tpu.dma_semaphore, #tpu.memory_space<semaphore_mem>>
      %dma_start3A_168 = arith.constant 0 : i32
      %dma_start3A_169 = arith.constant 0 : i32
      %dma_start3A_170 = tpu.memref_slice %arg7[%run_scoped3A_160, %dma_start3A_168, %dma_start3A_169] : memref<8x64x128xf32, #tpu.memory_space<vmem>> -> memref<1x64x128xf32, #tpu.memory_space<vmem>>
      %dma_start3A_171 = tpu.memref_squeeze %dma_start3A_170 : memref<1x64x128xf32, #tpu.memory_space<vmem>> -> memref<64x128xf32, #tpu.memory_space<vmem>>
      %dma_start3A_172 = arith.constant 0 : i32
      %dma_start3A_173 = tpu.memref_slice %arg4[%add3A_159, %dma_start3A_172] : memref<16384x128xf32, #tpu.memory_space<hbm>> -> memref<64x128xf32, #tpu.memory_space<hbm>>
      %dma_start3A_174 = arith.constant 0 : i32
      %dma_start3A_175 = tpu.memref_slice %arg4[%add3A_159, %dma_start3A_174] : memref<16384x128xf32, #tpu.memory_space<hbm>> -> memref<64x128xf32, #tpu.memory_space<hbm>>
      %dma_start3A_176 = arith.constant 0 : i32
      %dma_start3A_177 = arith.constant 0 : i32
      %dma_start3A_178 = tpu.memref_slice %arg7[%run_scoped3A_160, %dma_start3A_176, %dma_start3A_177] : memref<8x64x128xf32, #tpu.memory_space<vmem>> -> memref<1x64x128xf32, #tpu.memory_space<vmem>>
      %dma_start3A_179 = tpu.memref_squeeze %dma_start3A_178 : memref<1x64x128xf32, #tpu.memory_space<vmem>> -> memref<64x128xf32, #tpu.memory_space<vmem>>
      tpu.enqueue_dma source(%dma_start3A_179 : memref<64x128xf32, #tpu.memory_space<vmem>>) target(%dma_start3A_175 : memref<64x128xf32, #tpu.memory_space<hbm>>) target_semaphore(%run_scoped3A_167 : memref<!tpu.dma_semaphore, #tpu.memory_space<semaphore_mem>>)
      %dma_wait3A = arith.constant 0 : i32
      %dma_wait3A_180 = arith.constant 0 : i32
      %dma_wait3A_181 = tpu.memref_slice %arg7[%run_scoped3A_160, %dma_wait3A, %dma_wait3A_180] : memref<8x64x128xf32, #tpu.memory_space<vmem>> -> memref<1x64x128xf32, #tpu.memory_space<vmem>>
      %dma_wait3A_182 = tpu.memref_squeeze %dma_wait3A_181 : memref<1x64x128xf32, #tpu.memory_space<vmem>> -> memref<64x128xf32, #tpu.memory_space<vmem>>
      %dma_wait3A_183 = arith.constant 0 : i32
      %dma_wait3A_184 = tpu.memref_slice %arg4[%add3A_159, %dma_wait3A_183] : memref<16384x128xf32, #tpu.memory_space<hbm>> -> memref<64x128xf32, #tpu.memory_space<hbm>>
      %dma_wait3A_185 = arith.constant 0 : i32
      %dma_wait3A_186 = tpu.memref_slice %arg4[%add3A_159, %dma_wait3A_185] : memref<16384x128xf32, #tpu.memory_space<hbm>> -> memref<64x128xf32, #tpu.memory_space<hbm>>
      %dma_wait3A_187 = arith.constant 0 : i32
      %dma_wait3A_188 = arith.constant 0 : i32
      %dma_wait3A_189 = tpu.memref_slice %arg7[%run_scoped3A_160, %dma_wait3A_187, %dma_wait3A_188] : memref<8x64x128xf32, #tpu.memory_space<vmem>> -> memref<1x64x128xf32, #tpu.memory_space<vmem>>
      %dma_wait3A_190 = tpu.memref_squeeze %dma_wait3A_189 : memref<1x64x128xf32, #tpu.memory_space<vmem>> -> memref<64x128xf32, #tpu.memory_space<vmem>>
      tpu.wait_dma2 semaphore(%run_scoped3A_167 : memref<!tpu.dma_semaphore, #tpu.memory_space<semaphore_mem>>) src(%dma_wait3A_190 : memref<64x128xf32, #tpu.memory_space<vmem>>) dst(%dma_wait3A_186 : memref<64x128xf32, #tpu.memory_space<hbm>>)
      tpu.yield
    }) : () -> ()
    %add3A_161 = arith.constant 384 : i32
    %add3A_162 = arith.addi %mul3A_2, %add3A_161 : i32
    %run_scoped3A_163 = arith.constant 6 : i32
    "tpu.region"() ({
      %run_scoped3A_167 = tpu.sem_alloc : memref<!tpu.dma_semaphore, #tpu.memory_space<semaphore_mem>>
      %dma_start3A_168 = arith.constant 0 : i32
      %dma_start3A_169 = arith.constant 0 : i32
      %dma_start3A_170 = tpu.memref_slice %arg7[%run_scoped3A_163, %dma_start3A_168, %dma_start3A_169] : memref<8x64x128xf32, #tpu.memory_space<vmem>> -> memref<1x64x128xf32, #tpu.memory_space<vmem>>
      %dma_start3A_171 = tpu.memref_squeeze %dma_start3A_170 : memref<1x64x128xf32, #tpu.memory_space<vmem>> -> memref<64x128xf32, #tpu.memory_space<vmem>>
      %dma_start3A_172 = arith.constant 0 : i32
      %dma_start3A_173 = tpu.memref_slice %arg4[%add3A_162, %dma_start3A_172] : memref<16384x128xf32, #tpu.memory_space<hbm>> -> memref<64x128xf32, #tpu.memory_space<hbm>>
      %dma_start3A_174 = arith.constant 0 : i32
      %dma_start3A_175 = tpu.memref_slice %arg4[%add3A_162, %dma_start3A_174] : memref<16384x128xf32, #tpu.memory_space<hbm>> -> memref<64x128xf32, #tpu.memory_space<hbm>>
      %dma_start3A_176 = arith.constant 0 : i32
      %dma_start3A_177 = arith.constant 0 : i32
      %dma_start3A_178 = tpu.memref_slice %arg7[%run_scoped3A_163, %dma_start3A_176, %dma_start3A_177] : memref<8x64x128xf32, #tpu.memory_space<vmem>> -> memref<1x64x128xf32, #tpu.memory_space<vmem>>
      %dma_start3A_179 = tpu.memref_squeeze %dma_start3A_178 : memref<1x64x128xf32, #tpu.memory_space<vmem>> -> memref<64x128xf32, #tpu.memory_space<vmem>>
      tpu.enqueue_dma source(%dma_start3A_179 : memref<64x128xf32, #tpu.memory_space<vmem>>) target(%dma_start3A_175 : memref<64x128xf32, #tpu.memory_space<hbm>>) target_semaphore(%run_scoped3A_167 : memref<!tpu.dma_semaphore, #tpu.memory_space<semaphore_mem>>)
      %dma_wait3A = arith.constant 0 : i32
      %dma_wait3A_180 = arith.constant 0 : i32
      %dma_wait3A_181 = tpu.memref_slice %arg7[%run_scoped3A_163, %dma_wait3A, %dma_wait3A_180] : memref<8x64x128xf32, #tpu.memory_space<vmem>> -> memref<1x64x128xf32, #tpu.memory_space<vmem>>
      %dma_wait3A_182 = tpu.memref_squeeze %dma_wait3A_181 : memref<1x64x128xf32, #tpu.memory_space<vmem>> -> memref<64x128xf32, #tpu.memory_space<vmem>>
      %dma_wait3A_183 = arith.constant 0 : i32
      %dma_wait3A_184 = tpu.memref_slice %arg4[%add3A_162, %dma_wait3A_183] : memref<16384x128xf32, #tpu.memory_space<hbm>> -> memref<64x128xf32, #tpu.memory_space<hbm>>
      %dma_wait3A_185 = arith.constant 0 : i32
      %dma_wait3A_186 = tpu.memref_slice %arg4[%add3A_162, %dma_wait3A_185] : memref<16384x128xf32, #tpu.memory_space<hbm>> -> memref<64x128xf32, #tpu.memory_space<hbm>>
      %dma_wait3A_187 = arith.constant 0 : i32
      %dma_wait3A_188 = arith.constant 0 : i32
      %dma_wait3A_189 = tpu.memref_slice %arg7[%run_scoped3A_163, %dma_wait3A_187, %dma_wait3A_188] : memref<8x64x128xf32, #tpu.memory_space<vmem>> -> memref<1x64x128xf32, #tpu.memory_space<vmem>>
      %dma_wait3A_190 = tpu.memref_squeeze %dma_wait3A_189 : memref<1x64x128xf32, #tpu.memory_space<vmem>> -> memref<64x128xf32, #tpu.memory_space<vmem>>
      tpu.wait_dma2 semaphore(%run_scoped3A_167 : memref<!tpu.dma_semaphore, #tpu.memory_space<semaphore_mem>>) src(%dma_wait3A_190 : memref<64x128xf32, #tpu.memory_space<vmem>>) dst(%dma_wait3A_186 : memref<64x128xf32, #tpu.memory_space<hbm>>)
      tpu.yield
    }) : () -> ()
    %add3A_164 = arith.constant 448 : i32
    %add3A_165 = arith.addi %mul3A_2, %add3A_164 : i32
    %run_scoped3A_166 = arith.constant 7 : i32
    "tpu.region"() ({
      %run_scoped3A_167 = tpu.sem_alloc : memref<!tpu.dma_semaphore, #tpu.memory_space<semaphore_mem>>
      %dma_start3A_168 = arith.constant 0 : i32
      %dma_start3A_169 = arith.constant 0 : i32
      %dma_start3A_170 = tpu.memref_slice %arg7[%run_scoped3A_166, %dma_start3A_168, %dma_start3A_169] : memref<8x64x128xf32, #tpu.memory_space<vmem>> -> memref<1x64x128xf32, #tpu.memory_space<vmem>>
      %dma_start3A_171 = tpu.memref_squeeze %dma_start3A_170 : memref<1x64x128xf32, #tpu.memory_space<vmem>> -> memref<64x128xf32, #tpu.memory_space<vmem>>
      %dma_start3A_172 = arith.constant 0 : i32
      %dma_start3A_173 = tpu.memref_slice %arg4[%add3A_165, %dma_start3A_172] : memref<16384x128xf32, #tpu.memory_space<hbm>> -> memref<64x128xf32, #tpu.memory_space<hbm>>
      %dma_start3A_174 = arith.constant 0 : i32
      %dma_start3A_175 = tpu.memref_slice %arg4[%add3A_165, %dma_start3A_174] : memref<16384x128xf32, #tpu.memory_space<hbm>> -> memref<64x128xf32, #tpu.memory_space<hbm>>
      %dma_start3A_176 = arith.constant 0 : i32
      %dma_start3A_177 = arith.constant 0 : i32
      %dma_start3A_178 = tpu.memref_slice %arg7[%run_scoped3A_166, %dma_start3A_176, %dma_start3A_177] : memref<8x64x128xf32, #tpu.memory_space<vmem>> -> memref<1x64x128xf32, #tpu.memory_space<vmem>>
      %dma_start3A_179 = tpu.memref_squeeze %dma_start3A_178 : memref<1x64x128xf32, #tpu.memory_space<vmem>> -> memref<64x128xf32, #tpu.memory_space<vmem>>
      tpu.enqueue_dma source(%dma_start3A_179 : memref<64x128xf32, #tpu.memory_space<vmem>>) target(%dma_start3A_175 : memref<64x128xf32, #tpu.memory_space<hbm>>) target_semaphore(%run_scoped3A_167 : memref<!tpu.dma_semaphore, #tpu.memory_space<semaphore_mem>>)
      %dma_wait3A = arith.constant 0 : i32
      %dma_wait3A_180 = arith.constant 0 : i32
      %dma_wait3A_181 = tpu.memref_slice %arg7[%run_scoped3A_166, %dma_wait3A, %dma_wait3A_180] : memref<8x64x128xf32, #tpu.memory_space<vmem>> -> memref<1x64x128xf32, #tpu.memory_space<vmem>>
      %dma_wait3A_182 = tpu.memref_squeeze %dma_wait3A_181 : memref<1x64x128xf32, #tpu.memory_space<vmem>> -> memref<64x128xf32, #tpu.memory_space<vmem>>
      %dma_wait3A_183 = arith.constant 0 : i32
      %dma_wait3A_184 = tpu.memref_slice %arg4[%add3A_165, %dma_wait3A_183] : memref<16384x128xf32, #tpu.memory_space<hbm>> -> memref<64x128xf32, #tpu.memory_space<hbm>>
      %dma_wait3A_185 = arith.constant 0 : i32
      %dma_wait3A_186 = tpu.memref_slice %arg4[%add3A_165, %dma_wait3A_185] : memref<16384x128xf32, #tpu.memory_space<hbm>> -> memref<64x128xf32, #tpu.memory_space<hbm>>
      %dma_wait3A_187 = arith.constant 0 : i32
      %dma_wait3A_188 = arith.constant 0 : i32
      %dma_wait3A_189 = tpu.memref_slice %arg7[%run_scoped3A_166, %dma_wait3A_187, %dma_wait3A_188] : memref<8x64x128xf32, #tpu.memory_space<vmem>> -> memref<1x64x128xf32, #tpu.memory_space<vmem>>
      %dma_wait3A_190 = tpu.memref_squeeze %dma_wait3A_189 : memref<1x64x128xf32, #tpu.memory_space<vmem>> -> memref<64x128xf32, #tpu.memory_space<vmem>>
      tpu.wait_dma2 semaphore(%run_scoped3A_167 : memref<!tpu.dma_semaphore, #tpu.memory_space<semaphore_mem>>) src(%dma_wait3A_190 : memref<64x128xf32, #tpu.memory_space<vmem>>) dst(%dma_wait3A_186 : memref<64x128xf32, #tpu.memory_space<hbm>>)
      tpu.yield
    }) : () -> ()
    return
  }
}

module attributes {stable_mosaic.version = 14 : i64} {
  func.func @body(%arg0: i32, %arg1: memref<8192x128xf32, #tpu.memory_space<vmem>>, %arg2: memref<128x128xf32, #tpu.memory_space<vmem>>, %arg3: memref<8192x128xf32, #tpu.memory_space<vmem>>) attributes {dimension_semantics = [#tpu.dimension_semantics<arbitrary>], iteration_bounds = array<i64: 2>, scalar_prefetch = 0 : i64, scratch_operands = 0 : i64, tpu.core_type = #tpu.core_type<tc>, window_params = [{transform_indices = @transform_0, window_bounds = array<i64: 8192, 128>}, {pipeline_mode = #tpu.pipeline_mode<synchronous>, transform_indices = @transform_1, window_bounds = array<i64: 128, 128>}, {transform_indices = @transform_2, window_bounds = array<i64: 8192, 128>}]} {
    %get3A = arith.constant 0 : index
    %get3A_0 = arith.constant 0 : index
    %get3A_1 = vector.load %arg1[%get3A, %get3A_0] : memref<8192x128xf32, #tpu.memory_space<vmem>>, vector<8192x128xf32>
    %mul3A = arith.constant 3.125000e-02 : f32
    %mul3A_2 = vector.broadcast %mul3A : f32 to vector<8192x128xf32>
    %mul3A_3 = arith.mulf %get3A_1, %mul3A_2 : vector<8192x128xf32>
    %get3A_4 = arith.constant 0 : index
    %get3A_5 = arith.constant 0 : index
    %get3A_6 = vector.load %arg2[%get3A_4, %get3A_5] : memref<128x128xf32, #tpu.memory_space<vmem>>, vector<128x128xf32>
    %dot_general3A = arith.constant dense<0.000000e+00> : vector<8192x128xf32>
    %dot_general3A_7 = tpu.matmul %mul3A_3, %get3A_6, %dot_general3A {dimension_numbers = #tpu.dot_dimension_numbers<[1], [0], [0], [1], [0, 0, 1, 1], [], []>, transpose_lhs_hint = false} : vector<8192x128xf32>, vector<128x128xf32>, vector<8192x128xf32> -> vector<8192x128xf32>
    %max3A = arith.constant 0.000000e+00 : f32
    %max3A_8 = vector.broadcast %max3A : f32 to vector<8192x128xf32>
    %max3A_9 = arith.maximumf %dot_general3A_7, %max3A_8 : vector<8192x128xf32>
    %mul3A_10 = arith.mulf %max3A_9, %max3A_9 : vector<8192x128xf32>
    %reduce_sum3A = arith.constant dense<0.000000e+00> : vector<8192xf32>
    %reduce_sum3A_11 = vector.multi_reduction <add>, %mul3A_10, %reduce_sum3A [1] : vector<8192x128xf32> to vector<8192xf32>
    %broadcast_in_dim3A = vector.shape_cast %reduce_sum3A_11 : vector<8192xf32> to vector<8192x1xf32>
    %sqrt3A = math.sqrt %broadcast_in_dim3A : vector<8192x1xf32>
    %max3A_12 = arith.constant 9.99999996E-13 : f32
    %max3A_13 = vector.broadcast %max3A_12 : f32 to vector<8192x1xf32>
    %max3A_14 = arith.maximumf %sqrt3A, %max3A_13 : vector<8192x1xf32>
    %div3A = vector.broadcast %max3A_14 : vector<8192x1xf32> to vector<8192x128xf32>
    %div3A_15 = arith.divf %max3A_9, %div3A : vector<8192x128xf32>
    %swap3A = arith.constant 0 : index
    %swap3A_16 = arith.constant 0 : index
    %swap3A_17 = vector.load %arg3[%swap3A, %swap3A_16] : memref<8192x128xf32, #tpu.memory_space<vmem>>, vector<8192x128xf32>
    tpu.vector_store %arg3[%swap3A, %swap3A_16], %div3A_15 {strides = array<i32>} : memref<8192x128xf32, #tpu.memory_space<vmem>>, vector<8192x128xf32>,
    return
  }
  func.func @transform_0(%arg0: i32) -> (i32, i32) {
    %c0_i32 = arith.constant 0 : i32
    %c0_i32_0 = arith.constant 0 : i32
    return %arg0, %c0_i32 : i32, i32
  }
  func.func @transform_1(%arg0: i32) -> (i32, i32) {
    %c0_i32 = arith.constant 0 : i32
    %c0_i32_0 = arith.constant 0 : i32
    %c0_i32_1 = arith.constant 0 : i32
    return %c0_i32, %c0_i32_0 : i32, i32
  }
  func.func @transform_2(%arg0: i32) -> (i32, i32) {
    %c0_i32 = arith.constant 0 : i32
    %c0_i32_0 = arith.constant 0 : i32
    return %arg0, %c0_i32 : i32, i32
  }
}

</mosaic_0001>

<sc_bundles>
// kernel: gather_offload_async_start
scs
__scs_entry_jumppad:
0x0: {  	(pc) =	sbr.rel $0x88, $3  }
0x1: {  	(tag) =	ssettag $0x0;
	lr =	simm.s32 $0x1  }
0x2: {  	[smem:$0x3F9D] =	sst lr;
	_ =	strace $0xD0000000  }
0x3: {  	_ = 	snop  }
0x4: {  	_ = 	snop  }
0x5: {  	_ = 	snop  }
0x6: {  	_ = 	snop  }
0x7: {  	_ = 	snop  }
__scs_overlays_trampoline_lowered:
0x8: {  	[smem:$0x3FAC] =	sst s0  }
0x9: {  	[smem:$0x3FAD] =	sst s1  }
0xa: {  	[smem:$0x3FAE] =	sst s2  }
0xb: {  	[smem:$0x3FAF] =	sst s3  }
0xc: {  	[smem:$0x3FB0] =	sst s4  }
0xd: {  	[smem:$0x3FB1] =	sst s5  }
0xe: {  	[smem:$0x3FB2] =	sst s6  }
0xf: {  	[smem:$0x3FB3] =	sst s7  }
0x10: {  	[smem:$0x3FB4] =	sst s8  }
0x11: {  	[smem:$0x3FB5] =	sst s9;
	s0 =	simm.s32 @!p0 $0x0  }
0x12: {  	s1 =	sld [smem:$0x3F9B];
	s0 =	simm.s32 @p0 $0x1  }
0x13: {  	[smem:$0x3FB6] =	sst s0;
	s0 =	simm.s32 @!p1 $0x0  }
0x14: {  	s2 =	sld [smem:$0x3F9A];
	s0 =	simm.s32 @p1 $0x1  }
0x15: {  	[smem:$0x3FB7] =	sst s0;
	s0 =	simm.s32 @!p2 $0x0  }
0x16: {  	s3 =	sld [smem:$0x3FDB];
	s0 =	simm.s32 @p2 $0x1  }
0x17: {  	s4 =	simm.s32 $0x1BF5;
	[smem:$0x3FB9] =	sst s0  }
0x18: {  	s0 =	sld [smem:$0x3F9C];
	_ =	swait.ge [sflag:s4], $0x0  }
0x19: {  	s7 =	sld [smem:$0x3F9D]  }
0x1a: {  	s8 =	sadd.s32 $0xFFFFE003, lr  }
0x1b: {  	s9 =	sadd.s32 $0xFFFFFEF7, lr;
	s5 =	simm.s32 $0xFFFFFFFF;
	p2 =	slt.u32 s8, $0xFFFFF086  }
0x1c: {  	p1 =	slt.u32 s9, $0xF7A;
	s5 =	simm.s32 @!p2 $0x0  }
0x1d: {  	s5 =	simm.s32 @p1 $0x1;
	p0 =	seq.s32 s7, s2  }
0x1e: {  	s7 =	smul.u32 @!p0 $0xF7A, s2;
	p2 =	seq.s32 @!p0 s5, $0x0  }
0x1f: {  	s9 =	smul.u32 $0xF7A, s1;
	s8 =	simm.s32 @!p0 $0x1BF5;
	p2 =	por !p2, p0  }
0x20: {  	[sflag:s8] =	ssyncset.s32 @!p0 $0xFFFFF086;
	s6 =	sadd.s32 @!p0 s3, s7;
	s7 =	simm.s32 @!p0 $0x108  }
0x21: {  	s3 =	sadd.s32 s3, s9;
	s6 =	sadd.s32 @!p0 $0x88, s6;
	s7 =	simm.s32 @p2 $0x1082  }
0x22: {  	[simem:s7], [sflag:s8] =	dma.local @!p0 [hbm:s6], $0xF7A  }
0x23: {  	s9 =	sor.u32 $0xD0000000, s2;
	s6 =	simm.s32 $0x108;
	_ =	swait.ge @!p0 [sflag:s8], $0x0  }
0x24: {  	s3 =	sadd.s32 $0x88, s3;
	s6 =	simm.s32 @!p1 $0x1082;
	[sflag:s4] =	ssyncset.s32 $0xFFFFF086  }
0x25: {  	[simem:s6], [sflag:s4] =	dma.local [hbm:s3], $0xF7A  }
0x26: {  	[smem:$0x3F9D] =	sst s1;
	(tag) =	ssettag s2;
	_ =	strace s9  }
0x27: {  	s1 =	sld [smem:$0x3FAD]  }
0x28: {  	s2 =	sld [smem:$0x3FAE]  }
0x29: {  	s4 =	sld [smem:$0x3FB0]  }
0x2a: {  	p0 =	seq.s32 s5, $0x0;
	s5 =	sld [smem:$0x3FB1]  }
0x2b: {  	s6 =	sld [smem:$0x3FB2]  }
0x2c: {  	s7 =	sld [smem:$0x3FB3]  }
0x2d: {  	s3 =	simm.s32 $0x108;
	s8 =	sld [smem:$0x3FB4]  }
0x2e: {  	s3 =	simm.s32 @!p0 $0x1082;
	s9 =	sld [smem:$0x3FB5]  }
0x2f: {  	lr =	sadd.s32 s0, s3;
	s0 =	sld [smem:$0x3FAC]  }
0x30: {  	s3 =	sld [smem:$0x3FAF]  }
0x31: {  	[smem:$0x3FB8] =	sst s10  }
0x32: {  	s10 =	sld [smem:$0x3FB6];
	_ =	sdelay $0x3  }
0x33: {  	p0 =	seq.s32 s10, $0x1;
	s10 =	sld [smem:$0x3FB8];
	_ =	sdelay $0x3  }
0x34: {  	[smem:$0x3FB8] =	sst s10  }
0x35: {  	s10 =	sld [smem:$0x3FB7];
	_ =	sdelay $0x3  }
0x36: {  	p1 =	seq.s32 s10, $0x1;
	s10 =	sld [smem:$0x3FB8];
	_ =	sdelay $0x3  }
0x37: {  	[smem:$0x3FB8] =	sst s10  }
0x38: {  	s10 =	sld [smem:$0x3FB9]  }
0x39: {  	_ = 	snop;
	(pc) =	sbr.ind lr, $3  }
0x3a: {  	_ = 	snop  }
0x3b: {  	_ = 	snop  }
0x3c: {  	p2 =	seq.s32 s10, $0x1;
	s10 =	sld [smem:$0x3FB8]  }
0x3d: {  	_ =	shalt  }
0x3e: {  	_ =	shalt  }
0x3f: {  	_ =	shalt  }
0x40: {  	_ =	shalt  }
0x41: {  	_ =	shalt  }
0x42: {  	_ =	shalt  }
0x43: {  	_ =	shalt  }
0x44: {  	_ =	shalt  }
0x45: {  	_ =	shalt  }
0x46: {  	_ =	shalt  }
0x47: {  	_ =	shalt  }
0x48: {  	_ =	shalt  }
0x49: {  	_ =	shalt  }
0x4a: {  	_ =	shalt  }
0x4b: {  	_ =	shalt  }
0x4c: {  	_ =	shalt  }
0x4d: {  	_ =	shalt  }
0x4e: {  	_ =	shalt  }
0x4f: {  	_ =	shalt  }
0x50: {  	_ =	shalt  }
0x51: {  	_ =	shalt  }
0x52: {  	_ =	shalt  }
0x53: {  	_ =	shalt  }
0x54: {  	_ =	shalt  }
0x55: {  	_ =	shalt  }
0x56: {  	_ =	shalt  }
0x57: {  	_ =	shalt  }
0x58: {  	_ =	shalt  }
0x59: {  	_ =	shalt  }
0x5a: {  	_ =	shalt  }
0x5b: {  	_ =	shalt  }
0x5c: {  	_ =	shalt  }
0x5d: {  	_ =	shalt  }
0x5e: {  	_ =	shalt  }
0x5f: {  	_ =	shalt  }
0x60: {  	_ =	shalt  }
0x61: {  	_ =	shalt  }
0x62: {  	_ =	shalt  }
0x63: {  	_ =	shalt  }
0x64: {  	_ =	shalt  }
0x65: {  	_ =	shalt  }
0x66: {  	_ =	shalt  }
0x67: {  	_ =	shalt  }
0x68: {  	_ =	shalt  }
0x69: {  	_ =	shalt  }
0x6a: {  	_ =	shalt  }
0x6b: {  	_ =	shalt  }
0x6c: {  	_ =	shalt  }
0x6d: {  	_ =	shalt  }
0x6e: {  	_ =	shalt  }
0x6f: {  	_ =	shalt  }
0x70: {  	_ =	shalt  }
0x71: {  	_ =	shalt  }
0x72: {  	_ =	shalt  }
0x73: {  	_ =	shalt  }
0x74: {  	_ =	shalt  }
0x75: {  	_ =	shalt  }
0x76: {  	_ =	shalt  }
0x77: {  	_ =	shalt  }
0x78: {  	_ =	shalt  }
0x79: {  	_ =	shalt  }
0x7a: {  	_ =	shalt  }
0x7b: {  	_ =	shalt  }
0x7c: {  	_ =	shalt  }
0x7d: {  	_ =	shalt  }
0x7e: {  	_ =	shalt  }
0x7f: {  	_ =	shalt  }
0x80: {  	_ =	shalt  }
0x81: {  	_ =	shalt  }
0x82: {  	_ =	shalt  }
0x83: {  	_ =	shalt  }
0x84: {  	_ =	shalt  }
0x85: {  	_ =	shalt  }
0x86: {  	_ =	shalt  }
0x87: {  	_ =	shalt  }
.Lfunc_end0:
.L_simem_size_0:
called_computation_lowered:
.L_overlay_start_0:
0x88: {  	s2 =	sld [smem:$0x3FD9]  }
0x89: {  	s3 =	sld [smem:$0x3FFE];
	_ =	sdelay $0x1  }
0x8a: {  	s1 =	srdreg.scid  }
0x8b: {  	s0 =	sand.u32 $0x1, s1  }
0x8c: {  	s17 =	sshll.u32 s0, $0xA;
	s2 =	sadd.s32 s3, s2  }
0x8d: {  	s2 =	sadd.s32 s2, s17  }
0x8e: {  	[smem:$0x3FC4] =	sst s2  }
0x8f: {  	_ = 	snop  }
0x90: {  	s2 =	sld [smem:$0x3FD0];
	(tm) =	ssettm $0x1  }
0x91: {  	s18 =	sld [smem:$0x3FFB];
	_ =	sdelay $0x3  }
0x92: {  	_ =	strace s18  }
0x93: {  	s3 =	sld [smem:$0x3FFC];
	_ =	sdelay $0x3  }
0x94: {  	_ =	strace s3  }
0x95: {  	s3 =	sld [smem:$0x3FFD];
	_ =	sdelay $0x3  }
0x96: {  	_ =	strace s3  }
0x97: {  	_ =	strace $0x8FFFFFFF  }
0x98: {  	s19 =	sld [smem:$0x3FDB];
	_ =	sdelay $0x1  }
0x99: {  	s4 =	simm.s32 $_scs_section_size  }
0x9a: {  	s5 =	simm.s32 $_size__tile_overlayer_lowered;
	s6 =	simm.s32 $_tile_overlayer_lowered  }
0x9b: {  	s22 =	simm.s32 $0x1BFF;
	s21 =	sshll.u32 s6, $0x1;
	s3 =	sadd.s32 s4, s19  }
0x9c: {  	s7 =	simm.s32 $0x0;
	s20 =	sshll.u32 s5, $0x1;
	s5 =	sadd.s32 s21, s3  }
0x9d: {  	[timem:s7], [sflag:s22] =	dma.local [hbm:s5], s20  }
0x9e: {  	_ =	swait.ge [sflag:s22], s20  }
0x9f: {  	s4 =	ssub.s32 $0x0, s20;
	[sflag:s22] =	ssyncset.done $0x0  }
0xa0: {  	[sflag:s22] =	ssyncadd.s32 s4;
	_ =	sdelay $0x1  }
0xa1: {  	s23 =	simm.s32 $0x1B8B  }
0xa2: {  	_ =	swait.ge [sflag:s23], $0x1  }
0xa3: {  	[sflag:s23] =	ssyncset.done $0x0  }
0xa4: {  	s25 =	simm.s32 $0x1B8E;
	s24 =	sld [smem:$0x3FFE];
	[sflag:s23] =	ssyncadd.s32 $0xFFFFFFFF  }
0xa5: {  	s26 =	simm.s32 $execute0_lowered;
	[smem:$0x3FD2] =	sst s25  }
0xa6: {  	s5 =	sshll.u32 s26, $0x1;
	_ =	strace $0x80000046;
	[dreg:$0x1] =	wrdreg $0xFFFFFFFF  }
0xa7: {  	s28 =	simm.s32 $_size_execute0_lowered;
	s3 =	sadd.s32 s3, s5;
	[dreg:$0x0] =	wrdreg $0x0  }
0xa8: {  	s5 =	sshll.u32 s28, $0x1;
	[dreg:$0x2] =	wrdreg s3  }
0xa9: {  	[dreg:$0x3] =	wrdreg s5  }
0xaa: {  	[dreg:$0x4] =	wrdreg $0xC0  }
0xab: {  	_ =	task [dreg:s7], $0x5FFFF  }
0xac: {  	[dreg:$0x1] =	wrdreg $0xFFFFFFFF  }
0xad: {  	[dreg:$0x0] =	wrdreg $0x60  }
0xae: {  	[dreg:$0x2] =	wrdreg s24  }
0xaf: {  	[dreg:$0x3] =	wrdreg s2  }
0xb0: {  	[dreg:$0x4] =	wrdreg $0x9  }
0xb1: {  	_ =	task.clear_ibuf [dreg:s7], $0x5FFFF;
	_ =	strace $0x90000046  }
0xb2: {  	s29 =	simm.s32 $0x9;
	_ =	strace $0x80000048  }
0xb3: {  	_ =	swait.ge [sflag:s29], $0x1  }
0xb4: {  	[sflag:s29] =	ssyncadd.s32 $0xFFFFFFFF  }
0xb5: {  	_ =	strace $0x90000048  }
0xb6: {  	_ =	sfence  }
0xb7: {  	s30 =	sld [smem:$0x0];
	_ =	sdelay $0x2  }
0xb8: {  	s31 =	sshll.u32 s1, $0xD;
	s1 =	sshrl.u32 s1, $0x2  }
0xb9: {  	s3 =	sand.u32 $0x4000, s31;
	s1 =	sadd.s32 s1, s30  }
0xba: {  	s0 =	sor.u32 s3, s0;
	s1 =	sshll.u32 s1, $0x11  }
0xbb: {  	s0 =	sor.u32 s1, s0  }
0xbc: {  	s0 =	sadd.s32 $0x8F2B, s0  }
0xbd: {  	[sflag:s0] =	ssyncadd.remote.s32 $0x1  }
0xbe: {  	_ =	sfence.sel $0xFFFF  }
0xbf: {  	[dreg:$0x0] =	wrdreg $0xFFFFFFFF;
	(pc) =	sbr.abs _section_cstart, $3  }
0xc0: {  	[dreg:$0x1] =	wrdreg $0xFFFFFFFF  }
0xc1: {  	_ =	task.clear_ibuf [dreg:s7], $0x2FFFF;
	_ =	strace $0x9FFFFFFF  }
0xc2: {  	(tm) =	ssettm $0x7FFFFFFF  }
0xc3: {  	_ =	shalt  }
tec
execute0_lowered:
.L_overlay_start_1:
0x0: {  	(tag) =	ssettag $0x1  }
0x1: {  	s7 =	rddreg [dreg:$0x0]  }
0x2: {  	s2 =	rddreg [dreg:$0x1]  }
0x3: {  	s0 =	rddreg [dreg:$0x2]  }
0x4: {  	s1 =	srdreg.scid;
	_ =	strace $0x80000047;
	s4 =	simm.s32 $0x1  }
0x5: {  	s9 =	simm.s32 $0x3;
	s11 =	simm.s32 $0x0;
	s5 =	sshll.u32 s1, $0x4  }
.Ltmp0:
0x6: {  	s1 =	stileid.u32;
	s5 =	sand.u32 $0x10, s5;
	(pc) =	sbr.rel .LBB2_1-.Ltmp0, $4  }
0x7: {  	p0 =	por $0x0, $0x0;
	s3 =	sadd.s32 $0xE00, s7;
	s6 =	sor.u32 s1, s5  }
0x8: {  	[sflag:s4] =	ssyncpa.u1 $0x0;
	s5 =	simm.s32 $0x2;
	s6 =	sshll.u32 s6, $0x9  }
0x9: {  	s7 =	sadd.s32 $0x187800, s7;
	[sflag:s5] =	ssyncpa.u1 $0x0;
	s8 =	sadd.s32 $0x200, s6  }
0xa: {  	vm0 =	vmmov $0xff;
	vm1 =	vcmask $0x3F20;
	[sflag:s9] =	ssyncpa.u1 $0x0;
	s10 =	smov.u32 s6;
	s9 =	simm.s32 $0x0  }
.LBB2_7:
0xb: {  	p1 =	slt.u32 s9, $0x2;
	s11 =	sadd.s32 $0x100, s10  }
0xc: {  	s13 =	smov.u32 s6;
	s9 =	sadd.s32 $0x1, s9;
	p2 =	slt.s32 s11, s8  }
0xd: {  	s13 =	smov.u32 @p2 s11;
	p2 =	sne.s32 s9, $0x4  }
.Ltmp1:
0xe: {  	_ = 	snop;
	(pc) =	sbr.rel @!p2 .LBB2_8-.Ltmp1, $4  }
0xf: {  	s12 =	simm.s32 @!p1 $0x3  }
0x10: {  	_ =	swait.ge @!p1 [sflag:s12], $0x8000  }
0x11: {  	p0 =	por !p0, !p0;
	[sflag:s12] =	ssyncset.done @!p1 $0x0  }
0x12: {  	s11 =	smov.u32 s10;
	s10 =	smov.u32 s13;
	[sflag:s12] =	ssyncadd.s32 @!p1 $0xFFFF8000  }
.LBB2_1:
0x13: {  	p1 =	sgt.u32 s9, $0x1  }
0x14: {  	s12 =	sshll.u32 @!p1 s9, $0x8;
	s13 =	sshrl.u32 @!p1 s10, $0x3  }
0x15: {  	s14 =	sand.u32 @!p1 $0x7, s10;
	s12 =	sxor.u32 @!p1 $0x100, s12;
	s13 =	sadd.s32 @!p1 s7, s13  }
0x16: {  	[tilespmem:s12], [sflag:$0x2] =	stream.linear.gather @!p1 [hbm4b:s13+s14], $0x100, $0x38;
	[tilespmem:$0x10200] =	vst v63  }
0x17: {  	p1 =	seq.s32 s9, $0x0  }
0x18: {  	p2 =	seq.s32 @!p1 s9, $0x3  }
0x19: {  	p1 =	por p1, p2  }
.Ltmp2:
0x1a: {  	_ = 	snop;
	(pc) =	sbr.rel @p1 .LBB2_7-.Ltmp2, $1  }
0x1b: {  	_ =	sdelay $0x3  }
0x1c: {  	s12 =	simm.s32 $0x1  }
0x1d: {  	_ =	swait.ge [sflag:s5], $0x100;
	s12 =	simm.s32 @!p0 $0x0  }
0x1e: {  	[sflag:s5] =	ssyncset.done $0x0;
	s14 =	sshll.u32 s12, $0x8  }
0x1f: {  	[sflag:s5] =	ssyncadd.s32 $0xFFFFFF00;
	s13 =	sadd.s32 $0x0, s14  }
0x20: {  	v0 =	vld.msk [tilespmem:s13+$0x0 ss:$0x1], $0xffff;
	_ =	sdelay $0x4  }
0x21: {  	vm2 =	vgt.s32 v0, $0x0  }
0x22: {  	v0 =	vnsel vm2, $0x0, v0  }
0x23: {  	v0 =	vmin.u32 v0, $0x1869F  }
0x24: {  	v0 =	vshll.u32 v0, $0x4;
	_ =	sdelay $0x2  }
0x25: {  	s12 =	sshll.u32 s12, $0xF  }
0x26: {  	s12 =	sor.u32 $0x200, s12  }
0x27: {  	[tilespmem:s12], [sflag:$0x1] =	stream.indirect_vreg.gather [hbm:s3], $0x80, v0, vm0, $0x38;
	[tilespmem:$0x10200] =	vst v63  }
0x28: {  	s15 =	sadd.s32 $0x10, s14;
	s13 =	sadd.s32 $0x400, s12  }
0x29: {  	[tilespmem:s13], [sflag:$0x1] =	stream.indirect_vreg.gather [hbm:s3], $0x80, v0, vm1, $0x38;
	[tilespmem:$0x10200] =	vst v63  }
0x2a: {  	s16 =	simm.s32 $0x80;
	v0 =	vld.msk [tilespmem:s15+$0x0 ss:$0x1], $0xffff;
	s15 =	smov.u32 s12  }
.LBB2_3:
0x2b: {  	p1 =	sne.s32 s16, $0x3C0;
	_ =	sdelay $0x4  }
0x2c: {  	vm2 =	vgt.s32 v0, $0x0  }
0x2d: {  	v0 =	vnsel vm2, $0x0, v0  }
0x2e: {  	v0 =	vmin.u32 v0, $0x1869F  }
0x2f: {  	v0 =	vshll.u32 v0, $0x4;
	_ =	sdelay $0x3  }
.Ltmp3:
0x30: {  	s17 =	sshra.s32 s16, $0x2;
	s15 =	sadd.s32 $0x800, s15;
	(pc) =	sbr.rel @p1 .LBB2_3-.Ltmp3, $4  }
0x31: {  	[tilespmem:s15], [sflag:$0x1] =	stream.indirect_vreg.gather [hbm:s3], $0x80, v0, vm0, $0x38;
	[tilespmem:$0x10200] =	vst v63  }
0x32: {  	s17 =	sadd.s32 s17, s14;
	s18 =	sadd.s32 $0x400, s15  }
0x33: {  	[tilespmem:s18], [sflag:$0x1] =	stream.indirect_vreg.gather [hbm:s3], $0x80, v0, vm1, $0x38;
	[tilespmem:$0x10200] =	vst v63  }
0x34: {  	s16 =	sadd.s32 $0x40, s16;
	v0 =	vld.msk [tilespmem:s17+$0x0 ss:$0x1], $0xffff  }
0x35: {  	_ =	sdelay $0x3  }
0x36: {  	vm2 =	vgt.s32 v0, $0x0  }
0x37: {  	v0 =	vnsel vm2, $0x0, v0  }
0x38: {  	v0 =	vmin.u32 v0, $0x1869F  }
0x39: {  	v0 =	vshll.u32 v0, $0x4;
	_ =	sdelay $0x3  }
0x3a: {  	s14 =	sadd.s32 $0x800, s15  }
0x3b: {  	[tilespmem:s14], [sflag:$0x1] =	stream.indirect_vreg.gather [hbm:s3], $0x80, v0, vm0, $0x38;
	[tilespmem:$0x10200] =	vst v63  }
0x3c: {  	s14 =	sadd.s32 $0x400, s14  }
0x3d: {  	[tilespmem:s14], [sflag:$0x1] =	stream.indirect_vreg.gather [hbm:s3], $0x80, v0, vm1, $0x38;
	[tilespmem:$0x10200] =	vst v63  }
0x3e: {  	s11 =	sshll.u32 s11, $0x4;
	_ =	swait.ge [sflag:s4], $0x8000  }
0x3f: {  	s11 =	sadd.s32 s11, s2;
	[sflag:s4] =	ssyncset.done $0x0  }
0x40: {  	s15 =	sadd.s32 $0x0, s11;
	s14 =	simm.s32 $0x80;
	[sflag:s4] =	ssyncadd.s32 $0xFFFF8000  }
.LBB2_5:
0x41: {  	[hbm:s15] =	stream.linear.scatter [tilespmem:s12], [sflag:$0x3], $0x400, $0x38;
	[tilespmem:$0x10200] =	vst v63  }
0x42: {  	s15 =	smov.u32 s14;
	s12 =	smov.u32 s13;
	p1 =	sne.s32 s14, $0xF80  }
.Ltmp4:
0x43: {  	s14 =	sadd.s32 $0x80, s14;
	(pc) =	sbr.rel @p1 .LBB2_5-.Ltmp4, $2  }
0x44: {  	_ =	sdelay $0x2  }
0x45: {  	s13 =	sadd.s32 $0x400, s13;
	s15 =	sadd.s32 s15, s11  }
.Ltmp5:
0x46: {  	(pc) =	sbr.rel .LBB2_7-.Ltmp5, $2  }
0x47: {  	_ =	sdelay $0x2  }
0x48: {  	[hbm:s15] =	stream.linear.scatter [tilespmem:s12], [sflag:$0x3], $0x400, $0x38;
	[tilespmem:$0x10200] =	vst v63  }
.LBB2_8:
0x49: {  	_ =	sfence.sel $0x180000  }
0x4a: {  	s2 =	simm.s32 $0x2;
	[bflag:$0x0] =	sbarrier.arrive $0xFFFF  }
0x4b: {  	s30 =	simm.s32 $0x3;
	[sflag:s2] =	ssyncpa.u1 $0x1  }
0x4c: {  	s31 =	simm.s32 $0x1;
	[sflag:s30] =	ssyncpa.u1 $0x1  }
0x4d: {  	[sflag:s31] =	ssyncpa.u1 $0x1  }
0x4e: {  	p0 =	sne.s32 s1, $0x0;
	_ =	strace $0x90000047  }
0x4f: {  	s0 =	sadd.s32 @!p0 $0x100000, s0;
	[bflag:$0x2] =	sbarrier.arrive $0xFFFF  }
0x50: {  	[sflag:s0] =	ssyncadd.tile.s32 @!p0 $0x1;
	_ =	shalt  }
.Lfunc_end2:
_tile_overlayer_lowered:
.L_overlay_start_2:
0x51: {  	(tag) =	ssettag $0x2  }
0x52: {  	s0 =	rddreg [dreg:$0x0];
	s2 =	stileid.u32  }
0x53: {  	s1 =	rddreg [dreg:$0x1];
	p0 =	sne.s32 s2, $0x0  }
0x54: {  	s3 =	rddreg [dreg:$0x2];
	[bflag:$0x3] =	sbarrier.arrive $0xFFFF;
	s2 =	simm.s32 @!p0 $0x1C01  }
0x55: {  	[timem:s3], [sflag:s2] =	dma.local @!p0 [hbm:s0], s1  }
0x56: {  	s0 =	simm.s32 @!p0 $0x1  }
0x57: {  	_ =	swait.ge @!p0 [sflag:s0], s1  }
0x58: {  	s1 =	ssub.s32 @!p0 $0x0, s1;
	[sflag:s0] =	ssyncset.done @!p0 $0x0  }
0x59: {  	[sflag:s0] =	ssyncadd.s32 @!p0 s1  }
0x5a: {  	[bflag:$0x3] =	sbarrier.arrive $0xFFFF  }
0x5b: {  	_ =	shalt  }

// kernel: kernel.4.cloned.1.call-start
scs
__scs_entry_jumppad:
0x0: {  	(pc) =	sbr.rel $0x88, $3  }
0x1: {  	(tag) =	ssettag $0x0;
	lr =	simm.s32 $0x1  }
0x2: {  	[smem:$0x3F9D] =	sst lr;
	_ =	strace $0xD0000000  }
0x3: {  	_ = 	snop  }
0x4: {  	_ = 	snop  }
0x5: {  	_ = 	snop  }
0x6: {  	_ = 	snop  }
0x7: {  	_ = 	snop  }
__scs_overlays_trampoline_lowered:
0x8: {  	[smem:$0x3FAC] =	sst s0  }
0x9: {  	[smem:$0x3FAD] =	sst s1  }
0xa: {  	[smem:$0x3FAE] =	sst s2  }
0xb: {  	[smem:$0x3FAF] =	sst s3  }
0xc: {  	[smem:$0x3FB0] =	sst s4  }
0xd: {  	[smem:$0x3FB1] =	sst s5  }
0xe: {  	[smem:$0x3FB2] =	sst s6  }
0xf: {  	[smem:$0x3FB3] =	sst s7  }
0x10: {  	[smem:$0x3FB4] =	sst s8  }
0x11: {  	[smem:$0x3FB5] =	sst s9;
	s0 =	simm.s32 @!p0 $0x0  }
0x12: {  	s1 =	sld [smem:$0x3F9B];
	s0 =	simm.s32 @p0 $0x1  }
0x13: {  	[smem:$0x3FB6] =	sst s0;
	s0 =	simm.s32 @!p1 $0x0  }
0x14: {  	s2 =	sld [smem:$0x3F9A];
	s0 =	simm.s32 @p1 $0x1  }
0x15: {  	[smem:$0x3FB7] =	sst s0;
	s0 =	simm.s32 @!p2 $0x0  }
0x16: {  	s3 =	sld [smem:$0x3FDB];
	s0 =	simm.s32 @p2 $0x1  }
0x17: {  	s4 =	simm.s32 $0x1BF5;
	[smem:$0x3FB9] =	sst s0  }
0x18: {  	s0 =	sld [smem:$0x3F9C];
	_ =	swait.ge [sflag:s4], $0x0  }
0x19: {  	s7 =	sld [smem:$0x3F9D]  }
0x1a: {  	s8 =	sadd.s32 $0xFFFFE003, lr  }
0x1b: {  	s9 =	sadd.s32 $0xFFFFFEF7, lr;
	s5 =	simm.s32 $0xFFFFFFFF;
	p2 =	slt.u32 s8, $0xFFFFF086  }
0x1c: {  	p1 =	slt.u32 s9, $0xF7A;
	s5 =	simm.s32 @!p2 $0x0  }
0x1d: {  	s5 =	simm.s32 @p1 $0x1;
	p0 =	seq.s32 s7, s2  }
0x1e: {  	s7 =	smul.u32 @!p0 $0xF7A, s2;
	p2 =	seq.s32 @!p0 s5, $0x0  }
0x1f: {  	s9 =	smul.u32 $0xF7A, s1;
	s8 =	simm.s32 @!p0 $0x1BF5;
	p2 =	por !p2, p0  }
0x20: {  	[sflag:s8] =	ssyncset.s32 @!p0 $0xFFFFF086;
	s6 =	sadd.s32 @!p0 s3, s7;
	s7 =	simm.s32 @!p0 $0x108  }
0x21: {  	s3 =	sadd.s32 s3, s9;
	s6 =	sadd.s32 @!p0 $0x88, s6;
	s7 =	simm.s32 @p2 $0x1082  }
0x22: {  	[simem:s7], [sflag:s8] =	dma.local @!p0 [hbm:s6], $0xF7A  }
0x23: {  	s9 =	sor.u32 $0xD0000000, s2;
	s6 =	simm.s32 $0x108;
	_ =	swait.ge @!p0 [sflag:s8], $0x0  }
0x24: {  	s3 =	sadd.s32 $0x88, s3;
	s6 =	simm.s32 @!p1 $0x1082;
	[sflag:s4] =	ssyncset.s32 $0xFFFFF086  }
0x25: {  	[simem:s6], [sflag:s4] =	dma.local [hbm:s3], $0xF7A  }
0x26: {  	[smem:$0x3F9D] =	sst s1;
	(tag) =	ssettag s2;
	_ =	strace s9  }
0x27: {  	s1 =	sld [smem:$0x3FAD]  }
0x28: {  	s2 =	sld [smem:$0x3FAE]  }
0x29: {  	s4 =	sld [smem:$0x3FB0]  }
0x2a: {  	p0 =	seq.s32 s5, $0x0;
	s5 =	sld [smem:$0x3FB1]  }
0x2b: {  	s6 =	sld [smem:$0x3FB2]  }
0x2c: {  	s7 =	sld [smem:$0x3FB3]  }
0x2d: {  	s3 =	simm.s32 $0x108;
	s8 =	sld [smem:$0x3FB4]  }
0x2e: {  	s3 =	simm.s32 @!p0 $0x1082;
	s9 =	sld [smem:$0x3FB5]  }
0x2f: {  	lr =	sadd.s32 s0, s3;
	s0 =	sld [smem:$0x3FAC]  }
0x30: {  	s3 =	sld [smem:$0x3FAF]  }
0x31: {  	[smem:$0x3FB8] =	sst s10  }
0x32: {  	s10 =	sld [smem:$0x3FB6];
	_ =	sdelay $0x3  }
0x33: {  	p0 =	seq.s32 s10, $0x1;
	s10 =	sld [smem:$0x3FB8];
	_ =	sdelay $0x3  }
0x34: {  	[smem:$0x3FB8] =	sst s10  }
0x35: {  	s10 =	sld [smem:$0x3FB7];
	_ =	sdelay $0x3  }
0x36: {  	p1 =	seq.s32 s10, $0x1;
	s10 =	sld [smem:$0x3FB8];
	_ =	sdelay $0x3  }
0x37: {  	[smem:$0x3FB8] =	sst s10  }
0x38: {  	s10 =	sld [smem:$0x3FB9]  }
0x39: {  	_ = 	snop;
	(pc) =	sbr.ind lr, $3  }
0x3a: {  	_ = 	snop  }
0x3b: {  	_ = 	snop  }
0x3c: {  	p2 =	seq.s32 s10, $0x1;
	s10 =	sld [smem:$0x3FB8]  }
0x3d: {  	_ =	shalt  }
0x3e: {  	_ =	shalt  }
0x3f: {  	_ =	shalt  }
0x40: {  	_ =	shalt  }
0x41: {  	_ =	shalt  }
0x42: {  	_ =	shalt  }
0x43: {  	_ =	shalt  }
0x44: {  	_ =	shalt  }
0x45: {  	_ =	shalt  }
0x46: {  	_ =	shalt  }
0x47: {  	_ =	shalt  }
0x48: {  	_ =	shalt  }
0x49: {  	_ =	shalt  }
0x4a: {  	_ =	shalt  }
0x4b: {  	_ =	shalt  }
0x4c: {  	_ =	shalt  }
0x4d: {  	_ =	shalt  }
0x4e: {  	_ =	shalt  }
0x4f: {  	_ =	shalt  }
0x50: {  	_ =	shalt  }
0x51: {  	_ =	shalt  }
0x52: {  	_ =	shalt  }
0x53: {  	_ =	shalt  }
0x54: {  	_ =	shalt  }
0x55: {  	_ =	shalt  }
0x56: {  	_ =	shalt  }
0x57: {  	_ =	shalt  }
0x58: {  	_ =	shalt  }
0x59: {  	_ =	shalt  }
0x5a: {  	_ =	shalt  }
0x5b: {  	_ =	shalt  }
0x5c: {  	_ =	shalt  }
0x5d: {  	_ =	shalt  }
0x5e: {  	_ =	shalt  }
0x5f: {  	_ =	shalt  }
0x60: {  	_ =	shalt  }
0x61: {  	_ =	shalt  }
0x62: {  	_ =	shalt  }
0x63: {  	_ =	shalt  }
0x64: {  	_ =	shalt  }
0x65: {  	_ =	shalt  }
0x66: {  	_ =	shalt  }
0x67: {  	_ =	shalt  }
0x68: {  	_ =	shalt  }
0x69: {  	_ =	shalt  }
0x6a: {  	_ =	shalt  }
0x6b: {  	_ =	shalt  }
0x6c: {  	_ =	shalt  }
0x6d: {  	_ =	shalt  }
0x6e: {  	_ =	shalt  }
0x6f: {  	_ =	shalt  }
0x70: {  	_ =	shalt  }
0x71: {  	_ =	shalt  }
0x72: {  	_ =	shalt  }
0x73: {  	_ =	shalt  }
0x74: {  	_ =	shalt  }
0x75: {  	_ =	shalt  }
0x76: {  	_ =	shalt  }
0x77: {  	_ =	shalt  }
0x78: {  	_ =	shalt  }
0x79: {  	_ =	shalt  }
0x7a: {  	_ =	shalt  }
0x7b: {  	_ =	shalt  }
0x7c: {  	_ =	shalt  }
0x7d: {  	_ =	shalt  }
0x7e: {  	_ =	shalt  }
0x7f: {  	_ =	shalt  }
0x80: {  	_ =	shalt  }
0x81: {  	_ =	shalt  }
0x82: {  	_ =	shalt  }
0x83: {  	_ =	shalt  }
0x84: {  	_ =	shalt  }
0x85: {  	_ =	shalt  }
0x86: {  	_ =	shalt  }
0x87: {  	_ =	shalt  }
.Lfunc_end0:
.L_simem_size_0:
called_computation.1_lowered:
.L_overlay_start_0:
0x88: {  	s2 =	sld [smem:$0x3FD9]  }
0x89: {  	s3 =	sld [smem:$0x3FFE];
	_ =	sdelay $0x1  }
0x8a: {  	s1 =	srdreg.scid  }
0x8b: {  	s0 =	sand.u32 $0x1, s1  }
0x8c: {  	s17 =	sshll.u32 s0, $0xA;
	s2 =	sadd.s32 s3, s2  }
0x8d: {  	s2 =	sadd.s32 s2, s17  }
0x8e: {  	[smem:$0x3FC4] =	sst s2  }
0x8f: {  	_ = 	snop  }
0x90: {  	s2 =	sld [smem:$0x3FC8]  }
0x91: {  	s18 =	sld [smem:$0x3FD0];
	(tm) =	ssettm $0x1  }
0x92: {  	s4 =	sld [smem:$0x3FFB];
	_ =	sdelay $0x3  }
0x93: {  	_ =	strace s4  }
0x94: {  	s4 =	sld [smem:$0x3FFC];
	_ =	sdelay $0x3  }
0x95: {  	_ =	strace s4  }
0x96: {  	s4 =	sld [smem:$0x3FFD];
	_ =	sdelay $0x3  }
0x97: {  	_ =	strace s4  }
0x98: {  	_ =	strace $0x8FFFFFFF  }
0x99: {  	s19 =	sld [smem:$0x3FDB];
	_ =	sdelay $0x1  }
0x9a: {  	s5 =	simm.s32 $_scs_section_size  }
0x9b: {  	s6 =	simm.s32 $_size__tile_overlayer_lowered;
	s7 =	simm.s32 $_tile_overlayer_lowered  }
0x9c: {  	s22 =	simm.s32 $0x1BFF;
	s21 =	sshll.u32 s7, $0x1;
	s4 =	sadd.s32 s5, s19  }
0x9d: {  	s8 =	simm.s32 $0x0;
	s20 =	sshll.u32 s6, $0x1;
	s6 =	sadd.s32 s21, s4  }
0x9e: {  	[timem:s8], [sflag:s22] =	dma.local [hbm:s6], s20  }
0x9f: {  	_ =	swait.ge [sflag:s22], s20  }
0xa0: {  	s5 =	ssub.s32 $0x0, s20;
	[sflag:s22] =	ssyncset.done $0x0  }
0xa1: {  	[sflag:s22] =	ssyncadd.s32 s5;
	_ =	sdelay $0x1  }
0xa2: {  	s23 =	simm.s32 $0x1B8B  }
0xa3: {  	_ =	swait.ge [sflag:s23], $0x1  }
0xa4: {  	[sflag:s23] =	ssyncset.done $0x0  }
0xa5: {  	s25 =	simm.s32 $0x1B8E;
	s24 =	sld [smem:$0x3FFE];
	[sflag:s23] =	ssyncadd.s32 $0xFFFFFFFF  }
0xa6: {  	s26 =	simm.s32 $execute0_lowered;
	[smem:$0x3FD2] =	sst s25  }
0xa7: {  	s6 =	sshll.u32 s26, $0x1;
	_ =	strace $0x80000049;
	[dreg:$0x1] =	wrdreg $0xFFFFFFFF  }
0xa8: {  	s28 =	simm.s32 $_size_execute0_lowered;
	s4 =	sadd.s32 s4, s6;
	[dreg:$0x0] =	wrdreg $0x0  }
0xa9: {  	s6 =	sshll.u32 s28, $0x1;
	[dreg:$0x2] =	wrdreg s4  }
0xaa: {  	[dreg:$0x3] =	wrdreg s6  }
0xab: {  	[dreg:$0x4] =	wrdreg $0xC0  }
0xac: {  	_ =	task [dreg:s8], $0x5FFFF  }
0xad: {  	[dreg:$0x1] =	wrdreg $0xFFFFFFFF  }
0xae: {  	[dreg:$0x0] =	wrdreg $0x60  }
0xaf: {  	[dreg:$0x2] =	wrdreg s24  }
0xb0: {  	[dreg:$0x3] =	wrdreg s2  }
0xb1: {  	[dreg:$0x4] =	wrdreg s18  }
0xb2: {  	[dreg:$0x5] =	wrdreg $0x9  }
0xb3: {  	_ =	task.clear_ibuf [dreg:s8], $0x6FFFF;
	_ =	strace $0x90000049  }
0xb4: {  	s29 =	simm.s32 $0x9;
	_ =	strace $0x8000004B  }
0xb5: {  	_ =	swait.ge [sflag:s29], $0x1  }
0xb6: {  	[sflag:s29] =	ssyncadd.s32 $0xFFFFFFFF  }
0xb7: {  	_ =	strace $0x9000004B  }
0xb8: {  	_ =	sfence  }
0xb9: {  	s30 =	sld [smem:$0x0];
	_ =	sdelay $0x2  }
0xba: {  	s31 =	sshll.u32 s1, $0xD;
	s1 =	sshrl.u32 s1, $0x2  }
0xbb: {  	s3 =	sand.u32 $0x4000, s31;
	s1 =	sadd.s32 s1, s30  }
0xbc: {  	s0 =	sor.u32 s3, s0;
	s1 =	sshll.u32 s1, $0x11  }
0xbd: {  	s0 =	sor.u32 s1, s0  }
0xbe: {  	s0 =	sadd.s32 $0x8F2B, s0  }
0xbf: {  	[sflag:s0] =	ssyncadd.remote.s32 $0x1  }
0xc0: {  	_ =	sfence.sel $0xFFFF  }
0xc1: {  	[dreg:$0x0] =	wrdreg $0xFFFFFFFF;
	(pc) =	sbr.abs _section_cstart, $3  }
0xc2: {  	[dreg:$0x1] =	wrdreg $0xFFFFFFFF  }
0xc3: {  	_ =	task.clear_ibuf [dreg:s8], $0x2FFFF;
	_ =	strace $0x9FFFFFFF  }
0xc4: {  	(tm) =	ssettm $0x7FFFFFFF  }
0xc5: {  	_ =	shalt  }
tec
execute0_lowered:
.L_overlay_start_1:
0x0: {  	(tag) =	ssettag $0x1  }
0x1: {  	s0 =	rddreg [dreg:$0x0]  }
0x2: {  	s1 =	rddreg [dreg:$0x1]  }
0x3: {  	s2 =	rddreg [dreg:$0x2];
	s3 =	simm.s32 $0x0  }
0x4: {  	s4 =	srdreg.scid;
	s5 =	stileid.u32;
	s14 =	simm.s32 $0x9  }
0x5: {  	s15 =	simm.s32 $0x40;
	s17 =	simm.s32 $0x8000;
	s19 =	simm.s32 $0xA000  }
0x6: {  	s28 =	simm.s32 $0x12000;
	s30 =	simm.s32 $0x14000;
	s16 =	simm.s32 $0x2  }
0x7: {  	s18 =	simm.s32 $0x3;
	s4 =	sand.u32 $0x1, s4;
	s5 =	sshll.u32 s5, $0x1  }
0x8: {  	s20 =	simm.s32 $0x4;
	s29 =	simm.s32 $0x8;
	s5 =	sor.u32 s4, s5  }
0x9: {  	[smem:$0x7FF] =	sst s3;
	s4 =	ssub.s32 $0x2, s4;
	s6 =	sshll.u32 s5, $0xB  }
0xa: {  	s7 =	sshrl.u32 s4, $0x1;
	s5 =	sshll.u32 s5, $0xD;
	s0 =	sadd.s32 s6, s0  }
0xb: {  	s21 =	ssub.s32 s4, s7;
	s4 =	sadd.s32 s2, s5;
	s0 =	sadd.s32 $0xE00, s0  }
0xc: {  	_ =	strace $0x8000004A;
	s22 =	sadd.s32 $0x400, s4;
	[dreg:$0x4] =	wrdreg s0  }
0xd: {  	s31 =	simm.s32 $0x0;
	s23 =	sadd.s32 $0x800, s4;
	[dreg:$0x5] =	wrdreg s22  }
0xe: {  	s2 =	simm.s32 $0x1;
	s24 =	sadd.s32 $0xC00, s4;
	[dreg:$0x6] =	wrdreg s23  }
0xf: {  	s25 =	sadd.s32 $0x1000, s4;
	s26 =	sadd.s32 $0x1400, s4;
	[dreg:$0x7] =	wrdreg s24  }
0x10: {  	vm0 =	vcmask $0x1F14;
	vm1 =	vcmask $0xF04;
	v0 =	vlaneseq.u32;
	s11 =	sadd.s32 $0x1800, s4;
	s12 =	sadd.s32 $0x1C00, s4;
	[dreg:$0x8] =	wrdreg s25  }
0x11: {  	v1 =	vimm.s32 $0x0;
	vm0 =	vmor vm1, vm0;
	vm1 =	vcmask $0x2F24;
	s13 =	smax.u32 s21, $0x1;
	s21 =	simm.s32 $0xC000;
	[dreg:$0x9] =	wrdreg s26  }
0x12: {  	v2 =	vand.u32 $0x3, v0;
	vm0 =	vmor vm0, vm1;
	vm1 =	vcmask $0x3F34;
	s23 =	simm.s32 $0xE000;
	s25 =	simm.s32 $0x10000;
	s0 =	simm.s32 $0x16000  }
0x13: {  	v3 =	vmul.u32 $0x20, v0;
	v2 =	vmul.u32 $0x20, v2;
	vm0 =	vmor vm0, vm1;
	s22 =	simm.s32 $0x5;
	s24 =	simm.s32 $0x6;
	s26 =	simm.s32 $0x7  }
.LBB2_1:
0x14: {  	v4 =	vmov s3  }
0x15: {  	vm1 =	veq.s32 v4, v0  }
0x16: {  	v4 =	vor.u32 s3, v0;
	vm1 =	vmand vm1, vm0  }
0x17: {  	v4 =	vshrl.u32 v4, $0x2;
	v5 =	vsel vm1, $0xFFFFFFFF, v1  }
0x18: {  	v4 =	vadd.s32 v5, v4  }
0x19: {  	s5 =	simm.s32 $0x10;
	v4 =	vshll.u32 v4, $0x7  }
0x1a: {  	s6 =	rddreg [dreg:$0x4];
	v5 =	vmov s5;
	v4 =	vor.u32 v2, v4  }
0x1b: {  	[tilespmem:s3], [sflag:$0x9] =	stream.linear.gather [hbm4b:s6+s3], $0x4000, $0x38;
	vm1 =	veq.s32 v5, v0;
	[tilespmem:$0x18000] =	vst v63  }
0x1c: {  	_ =	swait.ge [sflag:s14], $0x4000;
	v5 =	vor.u32 s5, v0;
	vm1 =	vmand vm1, vm0  }
0x1d: {  	[sflag:s14] =	ssyncset.done $0x0;
	v5 =	vshrl.u32 v5, $0x2;
	v6 =	vsel vm1, $0xFFFFFFFF, v1  }
0x1e: {  	[sflag:s14] =	ssyncadd.s32 $0xFFFFC000;
	v5 =	vadd.s32 v6, v5  }
0x1f: {  	v6 =	vshll.u32 v5, $0x7;
	v5 =	vld.idx.msk [tilespmem:v4+s3+$0x0], $0xffff  }
0x20: {  	s6 =	simm.s32 $0x20;
	v4 =	vor.u32 v2, v6  }
0x21: {  	s8 =	simm.s32 $0x30;
	s9 =	simm.s32 $0x0;
	s7 =	simm.s32 $0x0;
	v6 =	vmov s6  }
.LBB2_2:
0x22: {  	p0 =	sne.s32 s8, $0x1F0;
	vm1 =	veq.s32 v6, v0;
	s9 =	sand.u32 $0x70, s9;
	s10 =	sand.u32 $0xC00, s7  }
0x23: {  	v6 =	vor.u32 s6, v0;
	vm1 =	vmand vm1, vm0;
	s10 =	sor.u32 s9, s10;
	s9 =	smov.u32 s5;
	s5 =	smov.u32 s6  }
.Ltmp0:
0x24: {  	v6 =	vshrl.u32 v6, $0x2;
	s6 =	smov.u32 s8;
	v7 =	vsel vm1, $0xFFFFFFFF, v1;
	[tilespmem:s10+$0x4000] =	vst v5;
	(pc) =	sbr.rel @p0 .LBB2_2-.Ltmp0, $4  }
0x25: {  	v6 =	vadd.s32 v7, v6;
	v5 =	vld.idx.msk [tilespmem:v4+s3+$0x0], $0xffff  }
0x26: {  	v4 =	vshll.u32 v6, $0x7  }
0x27: {  	v4 =	vor.u32 v2, v4  }
0x28: {  	s7 =	sadd.s32 $0x80, s7;
	s8 =	sadd.s32 $0x10, s8;
	v6 =	vmov s6  }
0x29: {  	vm1 =	veq.s32 v6, v0  }
0x2a: {  	s8 =	sand.u32 $0x70, s9;
	s10 =	sand.u32 $0xC00, s7;
	v6 =	vor.u32 s6, v0;
	vm1 =	vmand vm1, vm0  }
0x2b: {  	s8 =	sor.u32 s8, s10;
	v6 =	vshrl.u32 v6, $0x2;
	v7 =	vsel vm1, $0xFFFFFFFF, v1  }
0x2c: {  	[tilespmem:s8+$0x4000] =	vst v5;
	v5 =	vadd.s32 v7, v6  }
0x2d: {  	v4 =	vld.idx.msk [tilespmem:v4+s3+$0x0], $0xffff;
	v5 =	vshll.u32 v5, $0x7  }
0x2e: {  	v5 =	vor.u32 v2, v5  }
0x2f: {  	s9 =	sadd.s32 $0x80, s7  }
0x30: {  	s5 =	sand.u32 $0x70, s5;
	s10 =	sand.u32 $0xC00, s9  }
0x31: {  	s5 =	sor.u32 s5, s10  }
0x32: {  	[tilespmem:s5+$0x4000] =	vst v4  }
0x33: {  	v4 =	vld.idx.msk [tilespmem:v5+s3+$0x0], $0xffff;
	_ =	sdelay $0x1  }
0x34: {  	s7 =	sadd.s32 $0x80, s9  }
0x35: {  	s8 =	sand.u32 $0x70, s6;
	s5 =	sand.u32 $0xC00, s7  }
0x36: {  	s5 =	sor.u32 s8, s5  }
0x37: {  	s9 =	simm.s32 $0x4000;
	[tilespmem:s5+$0x4000] =	vst v4  }
0x38: {  	[tilespmem:s17], [sflag:$0x1] =	stream.indirect.gather [hbm4b:s1+s15], $0x80, s9, s15, $0xb8;
	[tilespmem:$0x18000] =	vst v63  }
0x39: {  	s10 =	simm.s32 $0x4040  }
0x3a: {  	[tilespmem:s19], [sflag:$0x2] =	stream.indirect.gather [hbm4b:s1+s15], $0x80, s10, s15, $0xb8;
	[tilespmem:$0x18000] =	vst v63  }
0x3b: {  	s6 =	simm.s32 $0x4400  }
0x3c: {  	[tilespmem:s21], [sflag:$0x3] =	stream.indirect.gather [hbm4b:s1+s15], $0x80, s6, s15, $0xb8;
	[tilespmem:$0x18000] =	vst v63  }
0x3d: {  	s7 =	simm.s32 $0x4440;
	s5 =	simm.s32 $0x0  }
0x3e: {  	v4 =	vmov s5;
	[tilespmem:s23], [sflag:$0x4] =	stream.indirect.gather [hbm4b:s1+s15], $0x80, s7, s15, $0xb8;
	[tilespmem:$0x18000] =	vst v63  }
0x3f: {  	s8 =	simm.s32 $0x4800;
	v4 =	vshll.u32 v4, $0x5  }
0x40: {  	v4 =	vor.u32 v3, v4;
	[tilespmem:s25], [sflag:$0x5] =	stream.indirect.gather [hbm4b:s1+s15], $0x80, s8, s15, $0xb8;
	[tilespmem:$0x18000] =	vst v63  }
0x41: {  	s9 =	simm.s32 $0x4840;
	v4 =	vand.u32 $0x3FE0, v4  }
0x42: {  	v5 =	vor.u32 $0x1, v4;
	[tilespmem:s28], [sflag:$0x6] =	stream.indirect.gather [hbm4b:s1+s15], $0x80, s9, s15, $0xb8;
	[tilespmem:$0x18000] =	vst v63  }
0x43: {  	s10 =	simm.s32 $0x4C00  }
0x44: {  	[tilespmem:s30], [sflag:$0x7] =	stream.indirect.gather [hbm4b:s1+s15], $0x80, s10, s15, $0xb8;
	[tilespmem:$0x18000] =	vst v63  }
0x45: {  	s7 =	simm.s32 $0x4C40  }
0x46: {  	[tilespmem:s0], [sflag:$0x8] =	stream.indirect.gather [hbm4b:s1+s15], $0x80, s7, s15, $0xb8;
	[tilespmem:$0x18000] =	vst v63  }
0x47: {  	v5 =	vld.idx.msk [tilespmem:v5+s3+$0x0], $0xffff  }
0x48: {  	v6 =	vor.u32 $0x2, v4;
	_ =	sdelay $0x1  }
0x49: {  	s8 =	sand.u32 $0x70, s5;
	s9 =	sand.u32 $0xC00, s5  }
0x4a: {  	s6 =	sor.u32 s8, s9  }
0x4b: {  	[tilespmem:s6+$0x4080] =	vst v5  }
0x4c: {  	v5 =	vld.idx.msk [tilespmem:v6+s3+$0x0], $0xffff  }
0x4d: {  	v6 =	vor.u32 $0x3, v4;
	_ =	sdelay $0x3  }
0x4e: {  	[tilespmem:s6+$0x4100] =	vst v5  }
0x4f: {  	v5 =	vld.idx.msk [tilespmem:v6+s3+$0x0], $0xffff  }
0x50: {  	v6 =	vor.u32 $0x4, v4;
	_ =	sdelay $0x3  }
0x51: {  	[tilespmem:s6+$0x4180] =	vst v5  }
0x52: {  	v5 =	vld.idx.msk [tilespmem:v6+s3+$0x0], $0xffff  }
0x53: {  	v6 =	vor.u32 $0x5, v4;
	_ =	sdelay $0x3  }
0x54: {  	[tilespmem:s6+$0x4200] =	vst v5  }
0x55: {  	v5 =	vld.idx.msk [tilespmem:v6+s3+$0x0], $0xffff  }
0x56: {  	v6 =	vor.u32 $0x6, v4;
	_ =	sdelay $0x3  }
0x57: {  	[tilespmem:s6+$0x4280] =	vst v5  }
0x58: {  	v5 =	vld.idx.msk [tilespmem:v6+s3+$0x0], $0xffff  }
0x59: {  	v6 =	vor.u32 $0x7, v4;
	_ =	sdelay $0x3  }
0x5a: {  	[tilespmem:s6+$0x4300] =	vst v5  }
0x5b: {  	v5 =	vld.idx.msk [tilespmem:v6+s3+$0x0], $0xffff  }
0x5c: {  	v6 =	vor.u32 $0x8, v4;
	_ =	sdelay $0x1  }
0x5d: {  	s10 =	sor.u32 s5, s5  }
0x5e: {  	s7 =	sor.u32 $0x380, s10  }
0x5f: {  	[tilespmem:s7+$0x4000] =	vst v5  }
0x60: {  	v5 =	vld.idx.msk [tilespmem:v6+s3+$0x0], $0xffff  }
0x61: {  	v6 =	vor.u32 $0x9, v4;
	_ =	sdelay $0x3  }
0x62: {  	[tilespmem:s6+$0x5000] =	vst v5  }
0x63: {  	v5 =	vld.idx.msk [tilespmem:v6+s3+$0x0], $0xffff  }
0x64: {  	v6 =	vor.u32 $0xA, v4;
	_ =	sdelay $0x3  }
0x65: {  	[tilespmem:s6+$0x5080] =	vst v5  }
0x66: {  	v5 =	vld.idx.msk [tilespmem:v6+s3+$0x0], $0xffff  }
0x67: {  	v6 =	vor.u32 $0xB, v4;
	_ =	sdelay $0x3  }
0x68: {  	[tilespmem:s6+$0x5100] =	vst v5  }
0x69: {  	v5 =	vld.idx.msk [tilespmem:v6+s3+$0x0], $0xffff  }
0x6a: {  	v6 =	vor.u32 $0xC, v4;
	_ =	sdelay $0x3  }
0x6b: {  	[tilespmem:s6+$0x5180] =	vst v5  }
0x6c: {  	v5 =	vld.idx.msk [tilespmem:v6+s3+$0x0], $0xffff  }
0x6d: {  	v6 =	vor.u32 $0xD, v4;
	_ =	sdelay $0x3  }
0x6e: {  	[tilespmem:s6+$0x5200] =	vst v5  }
0x6f: {  	v5 =	vld.idx.msk [tilespmem:v6+s3+$0x0], $0xffff  }
0x70: {  	v6 =	vor.u32 $0xE, v4;
	_ =	sdelay $0x3  }
0x71: {  	[tilespmem:s6+$0x5280] =	vst v5  }
0x72: {  	v5 =	vld.idx.msk [tilespmem:v6+s3+$0x0], $0xffff  }
0x73: {  	v6 =	vor.u32 $0xF, v4;
	_ =	sdelay $0x3  }
0x74: {  	[tilespmem:s6+$0x5300] =	vst v5  }
0x75: {  	v5 =	vld.idx.msk [tilespmem:v6+s3+$0x0], $0xffff  }
0x76: {  	v6 =	vor.u32 $0x10, v4;
	_ =	sdelay $0x3  }
0x77: {  	[tilespmem:s6+$0x5380] =	vst v5  }
0x78: {  	v5 =	vld.idx.msk [tilespmem:v6+s3+$0x0], $0xffff  }
0x79: {  	v6 =	vor.u32 $0x11, v4;
	_ =	sdelay $0x3  }
0x7a: {  	[tilespmem:s6+$0x6000] =	vst v5  }
0x7b: {  	v5 =	vld.idx.msk [tilespmem:v6+s3+$0x0], $0xffff  }
0x7c: {  	v6 =	vor.u32 $0x12, v4;
	_ =	sdelay $0x3  }
0x7d: {  	[tilespmem:s6+$0x6080] =	vst v5  }
0x7e: {  	v5 =	vld.idx.msk [tilespmem:v6+s3+$0x0], $0xffff  }
0x7f: {  	v6 =	vor.u32 $0x13, v4;
	_ =	sdelay $0x3  }
0x80: {  	[tilespmem:s6+$0x6100] =	vst v5  }
0x81: {  	v5 =	vld.idx.msk [tilespmem:v6+s3+$0x0], $0xffff  }
0x82: {  	v6 =	vor.u32 $0x14, v4;
	_ =	sdelay $0x3  }
0x83: {  	[tilespmem:s6+$0x6180] =	vst v5  }
0x84: {  	v5 =	vld.idx.msk [tilespmem:v6+s3+$0x0], $0xffff  }
0x85: {  	v6 =	vor.u32 $0x15, v4;
	_ =	sdelay $0x3  }
0x86: {  	[tilespmem:s6+$0x6200] =	vst v5  }
0x87: {  	v5 =	vld.idx.msk [tilespmem:v6+s3+$0x0], $0xffff  }
0x88: {  	v6 =	vor.u32 $0x16, v4;
	_ =	sdelay $0x3  }
0x89: {  	[tilespmem:s6+$0x6280] =	vst v5  }
0x8a: {  	v5 =	vld.idx.msk [tilespmem:v6+s3+$0x0], $0xffff  }
0x8b: {  	v6 =	vor.u32 $0x17, v4;
	_ =	sdelay $0x3  }
0x8c: {  	[tilespmem:s6+$0x6300] =	vst v5  }
0x8d: {  	v5 =	vld.idx.msk [tilespmem:v6+s3+$0x0], $0xffff  }
0x8e: {  	v6 =	vor.u32 $0x18, v4;
	_ =	sdelay $0x3  }
0x8f: {  	[tilespmem:s6+$0x6380] =	vst v5  }
0x90: {  	v5 =	vld.idx.msk [tilespmem:v6+s3+$0x0], $0xffff  }
0x91: {  	v6 =	vor.u32 $0x19, v4;
	_ =	sdelay $0x3  }
0x92: {  	[tilespmem:s6+$0x7000] =	vst v5  }
0x93: {  	v5 =	vld.idx.msk [tilespmem:v6+s3+$0x0], $0xffff  }
0x94: {  	v6 =	vor.u32 $0x1A, v4;
	_ =	sdelay $0x3  }
0x95: {  	[tilespmem:s6+$0x7080] =	vst v5  }
0x96: {  	v5 =	vld.idx.msk [tilespmem:v6+s3+$0x0], $0xffff  }
0x97: {  	v6 =	vor.u32 $0x1B, v4;
	_ =	sdelay $0x3  }
0x98: {  	[tilespmem:s6+$0x7100] =	vst v5  }
0x99: {  	v5 =	vld.idx.msk [tilespmem:v6+s3+$0x0], $0xffff  }
0x9a: {  	v6 =	vor.u32 $0x1C, v4;
	_ =	sdelay $0x3  }
0x9b: {  	[tilespmem:s6+$0x7180] =	vst v5  }
0x9c: {  	v5 =	vld.idx.msk [tilespmem:v6+s3+$0x0], $0xffff  }
0x9d: {  	v6 =	vor.u32 $0x1D, v4;
	_ =	sdelay $0x3  }
0x9e: {  	[tilespmem:s6+$0x7200] =	vst v5  }
0x9f: {  	v5 =	vld.idx.msk [tilespmem:v6+s3+$0x0], $0xffff  }
0xa0: {  	v6 =	vor.u32 $0x1E, v4;
	_ =	sdelay $0x3  }
0xa1: {  	[tilespmem:s6+$0x7280] =	vst v5  }
0xa2: {  	v5 =	vld.idx.msk [tilespmem:v6+s3+$0x0], $0xffff  }
0xa3: {  	v4 =	vor.u32 $0x1F, v4;
	_ =	sdelay $0x1  }
0xa4: {  	s7 =	simm.s32 $0x10  }
0xa5: {  	s8 =	simm.s32 $0x20;
	v6 =	vmov s7  }
.LBB2_4:
0xa6: {  	p0 =	sne.s32 s8, $0x1F0;
	v6 =	vshll.u32 v6, $0x5;
	[tilespmem:s6+$0x7300] =	vst v5  }
0xa7: {  	v5 =	vor.u32 v3, v6;
	v6 =	vld.idx.msk [tilespmem:v4+s3+$0x0], $0xffff  }
0xa8: {  	v4 =	vand.u32 $0x3FE0, v5  }
0xa9: {  	v5 =	vor.u32 $0x1, v4;
	_ =	sdelay $0x3  }
0xaa: {  	[tilespmem:s6+$0x7380] =	vst v6  }
0xab: {  	v5 =	vld.idx.msk [tilespmem:v5+s3+$0x0], $0xffff;
	_ =	sdelay $0x1  }
0xac: {  	v6 =	vor.u32 $0x2, v4  }
0xad: {  	s5 =	sadd.s32 $0x80, s5  }
0xae: {  	s9 =	sand.u32 $0xC00, s5;
	s6 =	sand.u32 $0x70, s7  }
0xaf: {  	s6 =	sor.u32 s6, s9  }
0xb0: {  	[tilespmem:s6+$0x4080] =	vst v5  }
0xb1: {  	v5 =	vld.idx.msk [tilespmem:v6+s3+$0x0], $0xffff;
	_ =	sdelay $0x1  }
0xb2: {  	v6 =	vor.u32 $0x3, v4;
	_ =	sdelay $0x3  }
0xb3: {  	[tilespmem:s6+$0x4100] =	vst v5  }
0xb4: {  	v5 =	vld.idx.msk [tilespmem:v6+s3+$0x0], $0xffff;
	_ =	sdelay $0x1  }
0xb5: {  	v6 =	vor.u32 $0x4, v4;
	_ =	sdelay $0x3  }
0xb6: {  	[tilespmem:s6+$0x4180] =	vst v5  }
0xb7: {  	v5 =	vld.idx.msk [tilespmem:v6+s3+$0x0], $0xffff;
	_ =	sdelay $0x1  }
0xb8: {  	v6 =	vor.u32 $0x5, v4;
	_ =	sdelay $0x3  }
0xb9: {  	[tilespmem:s6+$0x4200] =	vst v5  }
0xba: {  	v5 =	vld.idx.msk [tilespmem:v6+s3+$0x0], $0xffff;
	_ =	sdelay $0x1  }
0xbb: {  	v6 =	vor.u32 $0x6, v4;
	_ =	sdelay $0x3  }
0xbc: {  	[tilespmem:s6+$0x4280] =	vst v5  }
0xbd: {  	v5 =	vld.idx.msk [tilespmem:v6+s3+$0x0], $0xffff;
	_ =	sdelay $0x1  }
0xbe: {  	v6 =	vor.u32 $0x7, v4;
	_ =	sdelay $0x3  }
0xbf: {  	[tilespmem:s6+$0x4300] =	vst v5  }
0xc0: {  	v5 =	vld.idx.msk [tilespmem:v6+s3+$0x0], $0xffff;
	_ =	sdelay $0x1  }
0xc1: {  	v6 =	vor.u32 $0x8, v4;
	_ =	sdelay $0x1  }
0xc2: {  	s9 =	sor.u32 s5, s7;
	s7 =	smov.u32 s8  }
0xc3: {  	s9 =	sor.u32 $0x380, s9  }
0xc4: {  	[tilespmem:s9+$0x4000] =	vst v5  }
0xc5: {  	v5 =	vld.idx.msk [tilespmem:v6+s3+$0x0], $0xffff;
	_ =	sdelay $0x1  }
0xc6: {  	v6 =	vor.u32 $0x9, v4;
	_ =	sdelay $0x3  }
0xc7: {  	[tilespmem:s6+$0x5000] =	vst v5  }
0xc8: {  	v5 =	vld.idx.msk [tilespmem:v6+s3+$0x0], $0xffff;
	_ =	sdelay $0x1  }
0xc9: {  	v6 =	vor.u32 $0xA, v4;
	_ =	sdelay $0x3  }
0xca: {  	[tilespmem:s6+$0x5080] =	vst v5  }
0xcb: {  	v5 =	vld.idx.msk [tilespmem:v6+s3+$0x0], $0xffff;
	_ =	sdelay $0x1  }
0xcc: {  	v6 =	vor.u32 $0xB, v4;
	_ =	sdelay $0x3  }
0xcd: {  	[tilespmem:s6+$0x5100] =	vst v5  }
0xce: {  	v5 =	vld.idx.msk [tilespmem:v6+s3+$0x0], $0xffff;
	_ =	sdelay $0x1  }
0xcf: {  	v6 =	vor.u32 $0xC, v4;
	_ =	sdelay $0x3  }
0xd0: {  	[tilespmem:s6+$0x5180] =	vst v5  }
0xd1: {  	v5 =	vld.idx.msk [tilespmem:v6+s3+$0x0], $0xffff;
	_ =	sdelay $0x1  }
0xd2: {  	v6 =	vor.u32 $0xD, v4;
	_ =	sdelay $0x3  }
0xd3: {  	[tilespmem:s6+$0x5200] =	vst v5  }
0xd4: {  	v5 =	vld.idx.msk [tilespmem:v6+s3+$0x0], $0xffff;
	_ =	sdelay $0x1  }
0xd5: {  	v6 =	vor.u32 $0xE, v4;
	_ =	sdelay $0x3  }
0xd6: {  	[tilespmem:s6+$0x5280] =	vst v5  }
0xd7: {  	v5 =	vld.idx.msk [tilespmem:v6+s3+$0x0], $0xffff;
	_ =	sdelay $0x1  }
0xd8: {  	v6 =	vor.u32 $0xF, v4;
	_ =	sdelay $0x3  }
0xd9: {  	[tilespmem:s6+$0x5300] =	vst v5  }
0xda: {  	v5 =	vld.idx.msk [tilespmem:v6+s3+$0x0], $0xffff;
	_ =	sdelay $0x1  }
0xdb: {  	v6 =	vor.u32 $0x10, v4;
	_ =	sdelay $0x3  }
0xdc: {  	[tilespmem:s6+$0x5380] =	vst v5  }
0xdd: {  	v5 =	vld.idx.msk [tilespmem:v6+s3+$0x0], $0xffff;
	_ =	sdelay $0x1  }
0xde: {  	v6 =	vor.u32 $0x11, v4;
	_ =	sdelay $0x3  }
0xdf: {  	[tilespmem:s6+$0x6000] =	vst v5  }
0xe0: {  	v5 =	vld.idx.msk [tilespmem:v6+s3+$0x0], $0xffff;
	_ =	sdelay $0x1  }
0xe1: {  	v6 =	vor.u32 $0x12, v4;
	_ =	sdelay $0x3  }
0xe2: {  	[tilespmem:s6+$0x6080] =	vst v5  }
0xe3: {  	v5 =	vld.idx.msk [tilespmem:v6+s3+$0x0], $0xffff;
	_ =	sdelay $0x1  }
0xe4: {  	v6 =	vor.u32 $0x13, v4;
	_ =	sdelay $0x3  }
0xe5: {  	[tilespmem:s6+$0x6100] =	vst v5  }
0xe6: {  	v5 =	vld.idx.msk [tilespmem:v6+s3+$0x0], $0xffff;
	_ =	sdelay $0x1  }
0xe7: {  	v6 =	vor.u32 $0x14, v4;
	_ =	sdelay $0x3  }
0xe8: {  	[tilespmem:s6+$0x6180] =	vst v5  }
0xe9: {  	v5 =	vld.idx.msk [tilespmem:v6+s3+$0x0], $0xffff;
	_ =	sdelay $0x1  }
0xea: {  	v6 =	vor.u32 $0x15, v4;
	_ =	sdelay $0x3  }
0xeb: {  	[tilespmem:s6+$0x6200] =	vst v5  }
0xec: {  	v5 =	vld.idx.msk [tilespmem:v6+s3+$0x0], $0xffff;
	_ =	sdelay $0x1  }
0xed: {  	v6 =	vor.u32 $0x16, v4;
	_ =	sdelay $0x3  }
0xee: {  	[tilespmem:s6+$0x6280] =	vst v5  }
0xef: {  	v5 =	vld.idx.msk [tilespmem:v6+s3+$0x0], $0xffff;
	_ =	sdelay $0x1  }
0xf0: {  	v6 =	vor.u32 $0x17, v4;
	_ =	sdelay $0x3  }
0xf1: {  	[tilespmem:s6+$0x6300] =	vst v5  }
0xf2: {  	v5 =	vld.idx.msk [tilespmem:v6+s3+$0x0], $0xffff;
	_ =	sdelay $0x1  }
0xf3: {  	v6 =	vor.u32 $0x18, v4;
	_ =	sdelay $0x3  }
0xf4: {  	[tilespmem:s6+$0x6380] =	vst v5  }
0xf5: {  	v5 =	vld.idx.msk [tilespmem:v6+s3+$0x0], $0xffff;
	_ =	sdelay $0x1  }
0xf6: {  	v6 =	vor.u32 $0x19, v4;
	_ =	sdelay $0x3  }
0xf7: {  	[tilespmem:s6+$0x7000] =	vst v5  }
0xf8: {  	v5 =	vld.idx.msk [tilespmem:v6+s3+$0x0], $0xffff;
	_ =	sdelay $0x1  }
0xf9: {  	v6 =	vor.u32 $0x1A, v4;
	_ =	sdelay $0x3  }
0xfa: {  	[tilespmem:s6+$0x7080] =	vst v5  }
0xfb: {  	v5 =	vld.idx.msk [tilespmem:v6+s3+$0x0], $0xffff;
	_ =	sdelay $0x1  }
0xfc: {  	v6 =	vor.u32 $0x1B, v4;
	_ =	sdelay $0x3  }
0xfd: {  	[tilespmem:s6+$0x7100] =	vst v5  }
0xfe: {  	v5 =	vld.idx.msk [tilespmem:v6+s3+$0x0], $0xffff;
	_ =	sdelay $0x1  }
0xff: {  	v6 =	vor.u32 $0x1C, v4;
	_ =	sdelay $0x3  }
0x100: {  	[tilespmem:s6+$0x7180] =	vst v5  }
0x101: {  	v5 =	vld.idx.msk [tilespmem:v6+s3+$0x0], $0xffff;
	_ =	sdelay $0x1  }
0x102: {  	v6 =	vor.u32 $0x1D, v4;
	_ =	sdelay $0x3  }
0x103: {  	[tilespmem:s6+$0x7200] =	vst v5  }
0x104: {  	v5 =	vld.idx.msk [tilespmem:v6+s3+$0x0], $0xffff;
	_ =	sdelay $0x1  }
0x105: {  	v6 =	vor.u32 $0x1E, v4;
	_ =	sdelay $0x3  }
0x106: {  	[tilespmem:s6+$0x7280] =	vst v5  }
0x107: {  	v5 =	vld.idx.msk [tilespmem:v6+s3+$0x0], $0xffff  }
.Ltmp1:
0x108: {  	(pc) =	sbr.rel @p0 .LBB2_4-.Ltmp1, $2  }
0x109: {  	v4 =	vor.u32 $0x1F, v4;
	_ =	sdelay $0x2  }
0x10a: {  	s8 =	sadd.s32 $0x10, s8;
	v6 =	vmov s7  }
0x10b: {  	_ =	sdelay $0x1  }
0x10c: {  	v6 =	vshll.u32 v6, $0x5  }
0x10d: {  	[tilespmem:s6+$0x7300] =	vst v5;
	v5 =	vor.u32 v3, v6  }
0x10e: {  	v4 =	vld.idx.msk [tilespmem:v4+s3+$0x0], $0xffff;
	v5 =	vand.u32 $0x3FE0, v5  }
0x10f: {  	v34 =	vor.u32 $0x1, v5;
	_ =	sdelay $0x3  }
0x110: {  	[tilespmem:s6+$0x7380] =	vst v4  }
0x111: {  	v4 =	vld.idx.msk [tilespmem:v34+s3+$0x0], $0xffff  }
0x112: {  	v35 =	vor.u32 $0x2, v5  }
0x113: {  	s9 =	sadd.s32 $0x80, s5  }
0x114: {  	s10 =	sand.u32 $0x70, s7;
	s8 =	sand.u32 $0xC00, s9  }
0x115: {  	s5 =	sor.u32 s10, s8  }
0x116: {  	[tilespmem:s5+$0x4080] =	vst v4  }
0x117: {  	v4 =	vld.idx.msk [tilespmem:v35+s3+$0x0], $0xffff  }
0x118: {  	v36 =	vor.u32 $0x3, v5;
	_ =	sdelay $0x3  }
0x119: {  	[tilespmem:s5+$0x4100] =	vst v4  }
0x11a: {  	v4 =	vld.idx.msk [tilespmem:v36+s3+$0x0], $0xffff  }
0x11b: {  	v37 =	vor.u32 $0x4, v5;
	_ =	sdelay $0x3  }
0x11c: {  	[tilespmem:s5+$0x4180] =	vst v4  }
0x11d: {  	v4 =	vld.idx.msk [tilespmem:v37+s3+$0x0], $0xffff  }
0x11e: {  	v38 =	vor.u32 $0x5, v5;
	_ =	sdelay $0x3  }
0x11f: {  	[tilespmem:s5+$0x4200] =	vst v4  }
0x120: {  	v4 =	vld.idx.msk [tilespmem:v38+s3+$0x0], $0xffff  }
0x121: {  	v39 =	vor.u32 $0x6, v5;
	_ =	sdelay $0x3  }
0x122: {  	[tilespmem:s5+$0x4280] =	vst v4  }
0x123: {  	v4 =	vld.idx.msk [tilespmem:v39+s3+$0x0], $0xffff  }
0x124: {  	v40 =	vor.u32 $0x7, v5;
	_ =	sdelay $0x3  }
0x125: {  	[tilespmem:s5+$0x4300] =	vst v4  }
0x126: {  	v4 =	vld.idx.msk [tilespmem:v40+s3+$0x0], $0xffff  }
0x127: {  	v41 =	vor.u32 $0x8, v5;
	_ =	sdelay $0x1  }
0x128: {  	s6 =	sor.u32 s9, s7  }
0x129: {  	s6 =	sor.u32 $0x380, s6  }
0x12a: {  	[tilespmem:s6+$0x4000] =	vst v4  }
0x12b: {  	v4 =	vld.idx.msk [tilespmem:v41+s3+$0x0], $0xffff  }
0x12c: {  	v42 =	vor.u32 $0x9, v5;
	_ =	sdelay $0x3  }
0x12d: {  	[tilespmem:s5+$0x5000] =	vst v4  }
0x12e: {  	v4 =	vld.idx.msk [tilespmem:v42+s3+$0x0], $0xffff  }
0x12f: {  	v43 =	vor.u32 $0xA, v5;
	_ =	sdelay $0x3  }
0x130: {  	[tilespmem:s5+$0x5080] =	vst v4  }
0x131: {  	v4 =	vld.idx.msk [tilespmem:v43+s3+$0x0], $0xffff  }
0x132: {  	v44 =	vor.u32 $0xB, v5;
	_ =	sdelay $0x3  }
0x133: {  	[tilespmem:s5+$0x5100] =	vst v4  }
0x134: {  	v4 =	vld.idx.msk [tilespmem:v44+s3+$0x0], $0xffff  }
0x135: {  	v45 =	vor.u32 $0xC, v5;
	_ =	sdelay $0x3  }
0x136: {  	[tilespmem:s5+$0x5180] =	vst v4  }
0x137: {  	v4 =	vld.idx.msk [tilespmem:v45+s3+$0x0], $0xffff  }
0x138: {  	v46 =	vor.u32 $0xD, v5;
	_ =	sdelay $0x3  }
0x139: {  	[tilespmem:s5+$0x5200] =	vst v4  }
0x13a: {  	v4 =	vld.idx.msk [tilespmem:v46+s3+$0x0], $0xffff  }
0x13b: {  	v47 =	vor.u32 $0xE, v5;
	_ =	sdelay $0x3  }
0x13c: {  	[tilespmem:s5+$0x5280] =	vst v4  }
0x13d: {  	v4 =	vld.idx.msk [tilespmem:v47+s3+$0x0], $0xffff  }
0x13e: {  	v48 =	vor.u32 $0xF, v5;
	_ =	sdelay $0x3  }
0x13f: {  	[tilespmem:s5+$0x5300] =	vst v4  }
0x140: {  	v4 =	vld.idx.msk [tilespmem:v48+s3+$0x0], $0xffff  }
0x141: {  	v49 =	vor.u32 $0x10, v5;
	_ =	sdelay $0x3  }
0x142: {  	[tilespmem:s5+$0x5380] =	vst v4  }
0x143: {  	v4 =	vld.idx.msk [tilespmem:v49+s3+$0x0], $0xffff  }
0x144: {  	v50 =	vor.u32 $0x11, v5;
	_ =	sdelay $0x3  }
0x145: {  	[tilespmem:s5+$0x6000] =	vst v4  }
0x146: {  	v4 =	vld.idx.msk [tilespmem:v50+s3+$0x0], $0xffff  }
0x147: {  	v51 =	vor.u32 $0x12, v5;
	_ =	sdelay $0x3  }
0x148: {  	[tilespmem:s5+$0x6080] =	vst v4  }
0x149: {  	v4 =	vld.idx.msk [tilespmem:v51+s3+$0x0], $0xffff  }
0x14a: {  	v52 =	vor.u32 $0x13, v5;
	_ =	sdelay $0x3  }
0x14b: {  	[tilespmem:s5+$0x6100] =	vst v4  }
0x14c: {  	v4 =	vld.idx.msk [tilespmem:v52+s3+$0x0], $0xffff  }
0x14d: {  	v53 =	vor.u32 $0x14, v5;
	_ =	sdelay $0x3  }
0x14e: {  	[tilespmem:s5+$0x6180] =	vst v4  }
0x14f: {  	v4 =	vld.idx.msk [tilespmem:v53+s3+$0x0], $0xffff  }
0x150: {  	v54 =	vor.u32 $0x15, v5;
	_ =	sdelay $0x3  }
0x151: {  	[tilespmem:s5+$0x6200] =	vst v4  }
0x152: {  	v4 =	vld.idx.msk [tilespmem:v54+s3+$0x0], $0xffff  }
0x153: {  	v55 =	vor.u32 $0x16, v5;
	_ =	sdelay $0x3  }
0x154: {  	[tilespmem:s5+$0x6280] =	vst v4  }
0x155: {  	v4 =	vld.idx.msk [tilespmem:v55+s3+$0x0], $0xffff  }
0x156: {  	v56 =	vor.u32 $0x17, v5;
	_ =	sdelay $0x3  }
0x157: {  	[tilespmem:s5+$0x6300] =	vst v4  }
0x158: {  	v4 =	vld.idx.msk [tilespmem:v56+s3+$0x0], $0xffff  }
0x159: {  	v57 =	vor.u32 $0x18, v5;
	_ =	sdelay $0x3  }
0x15a: {  	[tilespmem:s5+$0x6380] =	vst v4  }
0x15b: {  	v4 =	vld.idx.msk [tilespmem:v57+s3+$0x0], $0xffff  }
0x15c: {  	v58 =	vor.u32 $0x19, v5;
	_ =	sdelay $0x3  }
0x15d: {  	[tilespmem:s5+$0x7000] =	vst v4  }
0x15e: {  	v4 =	vld.idx.msk [tilespmem:v58+s3+$0x0], $0xffff  }
0x15f: {  	v59 =	vor.u32 $0x1A, v5;
	_ =	sdelay $0x3  }
0x160: {  	[tilespmem:s5+$0x7080] =	vst v4  }
0x161: {  	v4 =	vld.idx.msk [tilespmem:v59+s3+$0x0], $0xffff  }
0x162: {  	v60 =	vor.u32 $0x1B, v5;
	_ =	sdelay $0x3  }
0x163: {  	[tilespmem:s5+$0x7100] =	vst v4  }
0x164: {  	v4 =	vld.idx.msk [tilespmem:v60+s3+$0x0], $0xffff  }
0x165: {  	v61 =	vor.u32 $0x1C, v5;
	_ =	sdelay $0x3  }
0x166: {  	[tilespmem:s5+$0x7180] =	vst v4  }
0x167: {  	v4 =	vld.idx.msk [tilespmem:v61+s3+$0x0], $0xffff  }
0x168: {  	v62 =	vor.u32 $0x1D, v5;
	_ =	sdelay $0x3  }
0x169: {  	[tilespmem:s5+$0x7200] =	vst v4  }
0x16a: {  	v4 =	vld.idx.msk [tilespmem:v62+s3+$0x0], $0xffff  }
0x16b: {  	v63 =	vor.u32 $0x1E, v5;
	_ =	sdelay $0x3  }
0x16c: {  	[tilespmem:s5+$0x7280] =	vst v4  }
0x16d: {  	v4 =	vld.idx.msk [tilespmem:v63+s3+$0x0], $0xffff  }
0x16e: {  	v5 =	vor.u32 $0x1F, v5;
	_ =	sdelay $0x3  }
0x16f: {  	[tilespmem:s5+$0x7300] =	vst v4  }
0x170: {  	v4 =	vld.idx.msk [tilespmem:v5+s3+$0x0], $0xffff;
	_ =	sdelay $0x4  }
0x171: {  	s7 =	simm.s32 $0x80;
	s6 =	simm.s32 $0x200;
	[tilespmem:s5+$0x7380] =	vst v4  }
0x172: {  	s5 =	sand.u32 $0x7000, s6;
	s6 =	sand.u32 $0x380, s7;
	_ =	swait.ge [sflag:s2], $0x2000  }
0x173: {  	s5 =	sor.u32 s6, s5;
	[sflag:s2] =	ssyncset.done $0x0  }
0x174: {  	s6 =	sadd.s32 $0x4000, s5;
	[sflag:s2] =	ssyncadd.s32 $0xFFFFE000  }
0x175: {  	[tilespmem:s17], [sflag:$0x1] =	stream.indirect.gather.add.f32 [hbm:s1], $0x80, s6, s15, $0xb8;
	[tilespmem:$0x18000] =	vst v63  }
0x176: {  	_ =	swait.ge [sflag:s16], $0x2000  }
0x177: {  	[sflag:s16] =	ssyncset.done $0x0  }
0x178: {  	s8 =	sadd.s32 $0x4040, s5;
	[sflag:s16] =	ssyncadd.s32 $0xFFFFE000  }
0x179: {  	[tilespmem:s19], [sflag:$0x2] =	stream.indirect.gather.add.f32 [hbm:s1], $0x80, s8, s15, $0xb8;
	[tilespmem:$0x18000] =	vst v63  }
0x17a: {  	_ =	swait.ge [sflag:s18], $0x2000  }
0x17b: {  	[sflag:s18] =	ssyncset.done $0x0  }
0x17c: {  	s9 =	sadd.s32 $0x4400, s5;
	[sflag:s18] =	ssyncadd.s32 $0xFFFFE000  }
0x17d: {  	[tilespmem:s21], [sflag:$0x3] =	stream.indirect.gather.add.f32 [hbm:s1], $0x80, s9, s15, $0xb8;
	[tilespmem:$0x18000] =	vst v63  }
0x17e: {  	_ =	swait.ge [sflag:s20], $0x2000  }
0x17f: {  	[sflag:s20] =	ssyncset.done $0x0  }
0x180: {  	s10 =	sadd.s32 $0x4440, s5;
	[sflag:s20] =	ssyncadd.s32 $0xFFFFE000  }
0x181: {  	[tilespmem:s23], [sflag:$0x4] =	stream.indirect.gather.add.f32 [hbm:s1], $0x80, s10, s15, $0xb8;
	[tilespmem:$0x18000] =	vst v63  }
0x182: {  	_ =	swait.ge [sflag:s22], $0x2000  }
0x183: {  	[sflag:s22] =	ssyncset.done $0x0  }
0x184: {  	s7 =	sadd.s32 $0x4800, s5;
	[sflag:s22] =	ssyncadd.s32 $0xFFFFE000  }
0x185: {  	[tilespmem:s25], [sflag:$0x5] =	stream.indirect.gather.add.f32 [hbm:s1], $0x80, s7, s15, $0xb8;
	[tilespmem:$0x18000] =	vst v63  }
0x186: {  	_ =	swait.ge [sflag:s24], $0x2000  }
0x187: {  	[sflag:s24] =	ssyncset.done $0x0  }
0x188: {  	s8 =	sadd.s32 $0x4840, s5;
	[sflag:s24] =	ssyncadd.s32 $0xFFFFE000  }
0x189: {  	[tilespmem:s28], [sflag:$0x6] =	stream.indirect.gather.add.f32 [hbm:s1], $0x80, s8, s15, $0xb8;
	[tilespmem:$0x18000] =	vst v63  }
0x18a: {  	_ =	swait.ge [sflag:s26], $0x2000  }
0x18b: {  	[sflag:s26] =	ssyncset.done $0x0  }
0x18c: {  	s9 =	sadd.s32 $0x4C00, s5;
	[sflag:s26] =	ssyncadd.s32 $0xFFFFE000  }
0x18d: {  	[tilespmem:s30], [sflag:$0x7] =	stream.indirect.gather.add.f32 [hbm:s1], $0x80, s9, s15, $0xb8;
	[tilespmem:$0x18000] =	vst v63  }
0x18e: {  	_ =	swait.ge [sflag:s29], $0x2000  }
0x18f: {  	s6 =	simm.s32 $0x100;
	[sflag:s29] =	ssyncset.done $0x0  }
0x190: {  	s5 =	sadd.s32 $0x4C40, s5;
	s10 =	simm.s32 $0x400;
	[sflag:s29] =	ssyncadd.s32 $0xFFFFE000  }
0x191: {  	[tilespmem:s0], [sflag:$0x8] =	stream.indirect.gather.add.f32 [hbm:s1], $0x80, s5, s15, $0xb8;
	[tilespmem:$0x18000] =	vst v63  }
0x192: {  	s8 =	sand.u32 $0x7000, s10;
	s10 =	sand.u32 $0x380, s6;
	_ =	swait.ge [sflag:s2], $0x2000  }
0x193: {  	s9 =	simm.s32 $0x600;
	s5 =	sor.u32 s10, s8;
	[sflag:s2] =	ssyncset.done $0x0  }
.LBB2_6:
0x194: {  	s10 =	sadd.s32 $0x4000, s5  }
0x195: {  	[sflag:s2] =	ssyncadd.s32 $0xFFFFE000;
	s8 =	smov.u32 s9;
	s7 =	sadd.s32 $0x200, s9  }
0x196: {  	[tilespmem:s17], [sflag:$0x1] =	stream.indirect.gather.add.f32 [hbm:s1], $0x80, s10, s15, $0xb8;
	[tilespmem:$0x18000] =	vst v63  }
0x197: {  	p0 =	sne.s32 s9, $0x3E00;
	_ =	swait.ge [sflag:s16], $0x2000  }
0x198: {  	[sflag:s16] =	ssyncset.done $0x0  }
0x199: {  	s9 =	sadd.s32 $0x4040, s5;
	[sflag:s16] =	ssyncadd.s32 $0xFFFFE000  }
0x19a: {  	[tilespmem:s19], [sflag:$0x2] =	stream.indirect.gather.add.f32 [hbm:s1], $0x80, s9, s15, $0xb8;
	[tilespmem:$0x18000] =	vst v63  }
0x19b: {  	_ =	swait.ge [sflag:s18], $0x2000  }
0x19c: {  	[sflag:s18] =	ssyncset.done $0x0  }
0x19d: {  	s9 =	sadd.s32 $0x4400, s5;
	[sflag:s18] =	ssyncadd.s32 $0xFFFFE000  }
0x19e: {  	[tilespmem:s21], [sflag:$0x3] =	stream.indirect.gather.add.f32 [hbm:s1], $0x80, s9, s15, $0xb8;
	[tilespmem:$0x18000] =	vst v63  }
0x19f: {  	_ =	swait.ge [sflag:s20], $0x2000  }
0x1a0: {  	[sflag:s20] =	ssyncset.done $0x0  }
0x1a1: {  	s9 =	sadd.s32 $0x4440, s5;
	[sflag:s20] =	ssyncadd.s32 $0xFFFFE000  }
0x1a2: {  	[tilespmem:s23], [sflag:$0x4] =	stream.indirect.gather.add.f32 [hbm:s1], $0x80, s9, s15, $0xb8;
	[tilespmem:$0x18000] =	vst v63  }
0x1a3: {  	_ =	swait.ge [sflag:s22], $0x2000  }
0x1a4: {  	[sflag:s22] =	ssyncset.done $0x0  }
0x1a5: {  	s9 =	sadd.s32 $0x4800, s5;
	[sflag:s22] =	ssyncadd.s32 $0xFFFFE000  }
0x1a6: {  	[tilespmem:s25], [sflag:$0x5] =	stream.indirect.gather.add.f32 [hbm:s1], $0x80, s9, s15, $0xb8;
	[tilespmem:$0x18000] =	vst v63  }
0x1a7: {  	_ =	swait.ge [sflag:s24], $0x2000  }
0x1a8: {  	[sflag:s24] =	ssyncset.done $0x0  }
0x1a9: {  	s9 =	sadd.s32 $0x4840, s5;
	[sflag:s24] =	ssyncadd.s32 $0xFFFFE000  }
0x1aa: {  	[tilespmem:s28], [sflag:$0x6] =	stream.indirect.gather.add.f32 [hbm:s1], $0x80, s9, s15, $0xb8;
	[tilespmem:$0x18000] =	vst v63  }
0x1ab: {  	_ =	swait.ge [sflag:s26], $0x2000  }
0x1ac: {  	[sflag:s26] =	ssyncset.done $0x0  }
0x1ad: {  	s9 =	sadd.s32 $0x4C00, s5;
	[sflag:s26] =	ssyncadd.s32 $0xFFFFE000  }
0x1ae: {  	[tilespmem:s30], [sflag:$0x7] =	stream.indirect.gather.add.f32 [hbm:s1], $0x80, s9, s15, $0xb8;
	[tilespmem:$0x18000] =	vst v63  }
0x1af: {  	_ =	swait.ge [sflag:s29], $0x2000  }
.Ltmp2:
0x1b0: {  	[sflag:s29] =	ssyncset.done $0x0;
	(pc) =	sbr.rel @p0 .LBB2_6-.Ltmp2, $4  }
0x1b1: {  	s6 =	sadd.s32 $0x80, s6;
	s5 =	sadd.s32 $0x4C40, s5;
	[sflag:s29] =	ssyncadd.s32 $0xFFFFE000  }
0x1b2: {  	[tilespmem:s0], [sflag:$0x8] =	stream.indirect.gather.add.f32 [hbm:s1], $0x80, s5, s15, $0xb8;
	[tilespmem:$0x18000] =	vst v63  }
0x1b3: {  	s5 =	sand.u32 $0x7000, s8;
	s8 =	sand.u32 $0x380, s6;
	_ =	swait.ge [sflag:s2], $0x2000  }
0x1b4: {  	s9 =	smov.u32 s7;
	s5 =	sor.u32 s8, s5;
	[sflag:s2] =	ssyncset.done $0x0  }
0x1b5: {  	s6 =	sadd.s32 $0x4000, s5;
	[sflag:s2] =	ssyncadd.s32 $0xFFFFE000  }
0x1b6: {  	[tilespmem:s17], [sflag:$0x1] =	stream.indirect.gather.add.f32 [hbm:s1], $0x80, s6, s15, $0xb8;
	[tilespmem:$0x18000] =	vst v63  }
0x1b7: {  	_ =	swait.ge [sflag:s16], $0x2000  }
0x1b8: {  	[sflag:s16] =	ssyncset.done $0x0  }
0x1b9: {  	s8 =	sadd.s32 $0x4040, s5;
	[sflag:s16] =	ssyncadd.s32 $0xFFFFE000  }
0x1ba: {  	[tilespmem:s19], [sflag:$0x2] =	stream.indirect.gather.add.f32 [hbm:s1], $0x80, s8, s15, $0xb8;
	[tilespmem:$0x18000] =	vst v63  }
0x1bb: {  	_ =	swait.ge [sflag:s18], $0x2000  }
0x1bc: {  	[sflag:s18] =	ssyncset.done $0x0  }
0x1bd: {  	s9 =	sadd.s32 $0x4400, s5;
	[sflag:s18] =	ssyncadd.s32 $0xFFFFE000  }
0x1be: {  	[tilespmem:s21], [sflag:$0x3] =	stream.indirect.gather.add.f32 [hbm:s1], $0x80, s9, s15, $0xb8;
	[tilespmem:$0x18000] =	vst v63  }
0x1bf: {  	_ =	swait.ge [sflag:s20], $0x2000  }
0x1c0: {  	[sflag:s20] =	ssyncset.done $0x0  }
0x1c1: {  	s10 =	sadd.s32 $0x4440, s5;
	[sflag:s20] =	ssyncadd.s32 $0xFFFFE000  }
0x1c2: {  	[tilespmem:s23], [sflag:$0x4] =	stream.indirect.gather.add.f32 [hbm:s1], $0x80, s10, s15, $0xb8;
	[tilespmem:$0x18000] =	vst v63  }
0x1c3: {  	_ =	swait.ge [sflag:s22], $0x2000  }
0x1c4: {  	[sflag:s22] =	ssyncset.done $0x0  }
0x1c5: {  	s7 =	sadd.s32 $0x4800, s5;
	[sflag:s22] =	ssyncadd.s32 $0xFFFFE000  }
0x1c6: {  	[tilespmem:s25], [sflag:$0x5] =	stream.indirect.gather.add.f32 [hbm:s1], $0x80, s7, s15, $0xb8;
	[tilespmem:$0x18000] =	vst v63  }
0x1c7: {  	_ =	swait.ge [sflag:s24], $0x2000  }
0x1c8: {  	[sflag:s24] =	ssyncset.done $0x0  }
0x1c9: {  	s8 =	sadd.s32 $0x4840, s5;
	[sflag:s24] =	ssyncadd.s32 $0xFFFFE000  }
0x1ca: {  	[tilespmem:s28], [sflag:$0x6] =	stream.indirect.gather.add.f32 [hbm:s1], $0x80, s8, s15, $0xb8;
	[tilespmem:$0x18000] =	vst v63  }
0x1cb: {  	_ =	swait.ge [sflag:s26], $0x2000  }
0x1cc: {  	[sflag:s26] =	ssyncset.done $0x0  }
0x1cd: {  	s9 =	sadd.s32 $0x4C00, s5;
	[sflag:s26] =	ssyncadd.s32 $0xFFFFE000  }
0x1ce: {  	[tilespmem:s30], [sflag:$0x7] =	stream.indirect.gather.add.f32 [hbm:s1], $0x80, s9, s15, $0xb8;
	[tilespmem:$0x18000] =	vst v63  }
0x1cf: {  	_ =	swait.ge [sflag:s29], $0x2000  }
0x1d0: {  	[sflag:s29] =	ssyncset.done $0x0  }
0x1d1: {  	s10 =	sadd.s32 $0x4C40, s5;
	[sflag:s29] =	ssyncadd.s32 $0xFFFFE000  }
0x1d2: {  	[tilespmem:s0], [sflag:$0x8] =	stream.indirect.gather.add.f32 [hbm:s1], $0x80, s10, s15, $0xb8;
	[tilespmem:$0x18000] =	vst v63  }
0x1d3: {  	_ =	swait.ge [sflag:s2], $0x2000  }
0x1d4: {  	[sflag:s2] =	ssyncset.done $0x0  }
0x1d5: {  	[sflag:s2] =	ssyncadd.s32 $0xFFFFE000  }
0x1d6: {  	_ =	swait.ge [sflag:s16], $0x2000  }
0x1d7: {  	[sflag:s16] =	ssyncset.done $0x0  }
0x1d8: {  	[sflag:s16] =	ssyncadd.s32 $0xFFFFE000  }
0x1d9: {  	_ =	swait.ge [sflag:s18], $0x2000  }
0x1da: {  	[sflag:s18] =	ssyncset.done $0x0  }
0x1db: {  	[sflag:s18] =	ssyncadd.s32 $0xFFFFE000  }
0x1dc: {  	_ =	swait.ge [sflag:s20], $0x2000  }
0x1dd: {  	[sflag:s20] =	ssyncset.done $0x0  }
0x1de: {  	[sflag:s20] =	ssyncadd.s32 $0xFFFFE000  }
0x1df: {  	_ =	swait.ge [sflag:s22], $0x2000  }
0x1e0: {  	[sflag:s22] =	ssyncset.done $0x0  }
0x1e1: {  	[sflag:s22] =	ssyncadd.s32 $0xFFFFE000  }
0x1e2: {  	_ =	swait.ge [sflag:s24], $0x2000  }
0x1e3: {  	[sflag:s24] =	ssyncset.done $0x0  }
0x1e4: {  	[sflag:s24] =	ssyncadd.s32 $0xFFFFE000  }
0x1e5: {  	_ =	swait.ge [sflag:s26], $0x2000  }
0x1e6: {  	[sflag:s26] =	ssyncset.done $0x0  }
0x1e7: {  	[sflag:s26] =	ssyncadd.s32 $0xFFFFE000  }
0x1e8: {  	_ =	swait.ge [sflag:s29], $0x2000  }
0x1e9: {  	[sflag:s29] =	ssyncset.done $0x0  }
0x1ea: {  	[sflag:s29] =	ssyncadd.s32 $0xFFFFE000  }
0x1eb: {  	[hbm4b:s4+s3] =	stream.linear.scatter [tilespmem:s17], [sflag:$0x9], $0x2000, $0x38;
	[tilespmem:$0x18000] =	vst v63  }
0x1ec: {  	_ =	swait.ge [sflag:s14], $0x2000  }
0x1ed: {  	[sflag:s14] =	ssyncset.done $0x0  }
0x1ee: {  	s6 =	rddreg [dreg:$0x5];
	[sflag:s14] =	ssyncadd.s32 $0xFFFFE000  }
0x1ef: {  	[hbm4b:s6+s3] =	stream.linear.scatter [tilespmem:s19], [sflag:$0x9], $0x2000, $0x38;
	[tilespmem:$0x18000] =	vst v63  }
0x1f0: {  	_ =	swait.ge [sflag:s14], $0x2000  }
0x1f1: {  	[sflag:s14] =	ssyncset.done $0x0  }
0x1f2: {  	s7 =	rddreg [dreg:$0x6];
	[sflag:s14] =	ssyncadd.s32 $0xFFFFE000  }
0x1f3: {  	[hbm4b:s7+s3] =	stream.linear.scatter [tilespmem:s21], [sflag:$0x9], $0x2000, $0x38;
	[tilespmem:$0x18000] =	vst v63  }
0x1f4: {  	_ =	swait.ge [sflag:s14], $0x2000  }
0x1f5: {  	[sflag:s14] =	ssyncset.done $0x0  }
0x1f6: {  	s8 =	rddreg [dreg:$0x7];
	[sflag:s14] =	ssyncadd.s32 $0xFFFFE000  }
0x1f7: {  	[hbm4b:s8+s3] =	stream.linear.scatter [tilespmem:s23], [sflag:$0x9], $0x2000, $0x38;
	[tilespmem:$0x18000] =	vst v63  }
0x1f8: {  	_ =	swait.ge [sflag:s14], $0x2000  }
0x1f9: {  	[sflag:s14] =	ssyncset.done $0x0  }
0x1fa: {  	s9 =	rddreg [dreg:$0x8];
	[sflag:s14] =	ssyncadd.s32 $0xFFFFE000  }
0x1fb: {  	[hbm4b:s9+s3] =	stream.linear.scatter [tilespmem:s25], [sflag:$0x9], $0x2000, $0x38;
	[tilespmem:$0x18000] =	vst v63  }
0x1fc: {  	_ =	swait.ge [sflag:s14], $0x2000  }
0x1fd: {  	[sflag:s14] =	ssyncset.done $0x0  }
0x1fe: {  	s10 =	rddreg [dreg:$0x9];
	[sflag:s14] =	ssyncadd.s32 $0xFFFFE000  }
0x1ff: {  	[hbm4b:s10+s3] =	stream.linear.scatter [tilespmem:s28], [sflag:$0x9], $0x2000, $0x38;
	[tilespmem:$0x18000] =	vst v63  }
0x200: {  	_ =	swait.ge [sflag:s14], $0x2000  }
0x201: {  	[sflag:s14] =	ssyncset.done $0x0  }
0x202: {  	[sflag:s14] =	ssyncadd.s32 $0xFFFFE000  }
0x203: {  	[hbm4b:s11+s3] =	stream.linear.scatter [tilespmem:s30], [sflag:$0x9], $0x2000, $0x38;
	[tilespmem:$0x18000] =	vst v63  }
0x204: {  	s31 =	sadd.s32 $0x1, s31;
	_ =	swait.ge [sflag:s14], $0x2000  }
0x205: {  	p0 =	sne.s32 s31, s13;
	[sflag:s14] =	ssyncset.done $0x0  }
.Ltmp3:
0x206: {  	[sflag:s14] =	ssyncadd.s32 $0xFFFFE000;
	(pc) =	sbr.rel @p0 .LBB2_1-.Ltmp3, $4  }
0x207: {  	[hbm4b:s12+s3] =	stream.linear.scatter [tilespmem:s0], [sflag:$0x9], $0x2000, $0x38;
	[tilespmem:$0x18000] =	vst v63  }
0x208: {  	_ =	swait.ge [sflag:s14], $0x2000  }
0x209: {  	[sflag:s14] =	ssyncset.done $0x0  }
0x20a: {  	[sflag:s14] =	ssyncadd.s32 $0xFFFFE000  }
0x20b: {  	_ =	sfence.sel $0x180000  }
0x20c: {  	[bflag:$0x0] =	sbarrier.arrive $0xFFFF  }
0x20d: {  	_ =	strace $0x9000004A  }
0x20e: {  	s0 =	stileid.u32;
	[bflag:$0x2] =	sbarrier.arrive $0xFFFF  }
0x20f: {  	p0 =	sne.s32 s0, $0x0;
	s0 =	rddreg [dreg:$0x3]  }
0x210: {  	s0 =	sadd.s32 @!p0 $0x100000, s0  }
0x211: {  	[sflag:s0] =	ssyncadd.tile.s32 @!p0 $0x1;
	_ =	shalt  }
.Lfunc_end2:
_tile_overlayer_lowered:
.L_overlay_start_2:
0x212: {  	(tag) =	ssettag $0x2  }
0x213: {  	s0 =	rddreg [dreg:$0x0];
	s2 =	stileid.u32  }
0x214: {  	s1 =	rddreg [dreg:$0x1];
	p0 =	sne.s32 s2, $0x0  }
0x215: {  	s3 =	rddreg [dreg:$0x2];
	[bflag:$0x3] =	sbarrier.arrive $0xFFFF;
	s2 =	simm.s32 @!p0 $0x1C09  }
0x216: {  	[timem:s3], [sflag:s2] =	dma.local @!p0 [hbm:s0], s1  }
0x217: {  	s0 =	simm.s32 @!p0 $0x9  }
0x218: {  	_ =	swait.ge @!p0 [sflag:s0], s1  }
0x219: {  	s1 =	ssub.s32 @!p0 $0x0, s1;
	[sflag:s0] =	ssyncset.done @!p0 $0x0  }
0x21a: {  	[sflag:s0] =	ssyncadd.s32 @!p0 s1  }
0x21b: {  	[bflag:$0x3] =	sbarrier.arrive $0xFFFF  }
0x21c: {  	_ =	shalt  }

</sc_bundles>
